<compile_context>
chip_gen: v7x
topology: tpu7x:2x2x1
jax: 0.10.2.dev20260603
libtpu: 0.0.44.dev20260713+nightly
codegen_flags: <defaults>
</compile_context>

<pallas_src>
import functools

import jax
import jax.numpy as jnp
from jax import lax
from jax.experimental import pallas as pl
from jax.experimental.pallas import tpu as pltpu
from jax.experimental.pallas import tpu_sc as plsc

K = 16
N = 4096
B = 8
M = 256


def _knn_body(pc_ref, q_ref, idx_ref, neg_scr):
    p = pc_ref[0]
    q = q_ref[0]
    r2 = p[0] * p[0] + p[1] * p[1] + p[2] * p[2]
    q2 = q[0] * q[0] + q[1] * q[1] + q[2] * q[2]
    inner = lax.dot_general(
        q.astype(jnp.bfloat16), p.astype(jnp.bfloat16),
        dimension_numbers=(((0,), (0,)), ((), ())),
        preferred_element_type=jnp.float32)
    d2 = (r2[None, :] + q2[:, None]) - 2.0 * inner
    neg_scr[...] = -d2
    iota = lax.broadcasted_iota(jnp.int32, (M, N), 1)
    for t in range(K + 1):
        cur = neg_scr[...]
        mx = jnp.max(cur, axis=1)
        ismax = cur == mx[:, None]
        idxv = jnp.min(jnp.where(ismax, iota, N), axis=1)
        if t > 0:
            idx_ref[0, t - 1, :] = idxv
        if t < K:
            neg_scr[...] = jnp.where(iota == idxv[:, None],
                                     float("-inf"), cur)


def _knn_idx(pc):
    return pl.pallas_call(
        _knn_body,
        grid=(B, N // M),
        in_specs=[
            pl.BlockSpec((1, 3, N), lambda b, m: (b, 0, 0)),
            pl.BlockSpec((1, 3, M), lambda b, m: (b, 0, m)),
        ],
        out_specs=pl.BlockSpec((1, K, M), lambda b, m: (b, 0, m)),
        out_shape=jax.ShapeDtypeStruct((B, K, N), jnp.int32),
        scratch_shapes=[pltpu.VMEM((M, N), jnp.float32)],
    )(pc, pc)


def _edge_sc(pc, inp, idx):
    mesh = plsc.VectorSubcoreMesh(core_axis_name="c", subcore_axis_name="s")

    @functools.partial(
        pl.kernel,
        mesh=mesh,
        compiler_params=pltpu.CompilerParams(needs_layout_passes=False),
        out_type=jax.ShapeDtypeStruct((B, 6, K, 3, N), jnp.float32),
        scratch_types=[
            pltpu.VMEM((3 * N,), jnp.float32),
            pltpu.VMEM((3, 3, N), jnp.float32),
            pltpu.VMEM((N,), jnp.int32),
            pltpu.VMEM((3, N), jnp.float32),
            pltpu.VMEM((3, N), jnp.float32),
        ],
    )
    def edge_kernel(pc_hbm, inp_hbm, idx_hbm, out_hbm,
                    pc_v, inp_v, idx_v, nb_v, low_v):
        wid = lax.axis_index("s") * 2 + lax.axis_index("c")
        b = wid // 4
        g = wid % 4
        pltpu.sync_copy(pc_hbm.at[b], pc_v)
        pltpu.sync_copy(inp_hbm.at[b], inp_v)
        for kk in range(4):
            k = g * 4 + kk
            pltpu.sync_copy(idx_hbm.at[b, k], idx_v)

            def gbody(i, _):
                iv = idx_v[pl.ds(i * 16, 16)]
                for c in range(3):
                    nb_v[c, pl.ds(i * 16, 16)] = plsc.load_gather(
                        pc_v, [iv + jnp.int32(c * N)])
                return 0

            lax.fori_loop(0, N // 16, gbody, 0)
            for c in range(3):
                pltpu.sync_copy(inp_v.at[c], out_hbm.at[b, c, k])

                def sbody(i, _):
                    nbs = nb_v[c, pl.ds(i * 16, 16)]
                    for j in range(3):
                        low_v[j, pl.ds(i * 16, 16)] = (
                            nbs - inp_v[c, j, pl.ds(i * 16, 16)])
                    return 0

                lax.fori_loop(0, N // 16, sbody, 0)
                pltpu.sync_copy(low_v, out_hbm.at[b, 3 + c, k])

    return edge_kernel(pc.reshape(B, 3 * N), inp, idx)


def kernel(point_cloud, input):
    idx = _knn_idx(point_cloud)
    edge = _edge_sc(point_cloud, input, idx)
    return edge, idx

# --- scband reference (transcript-rebuilt; emitter-appended) ---
"""Pipeline reference for scband-get-edge-feature-13237089206320 (READ-ONLY COPY).

The authoritative reference and input builder live on the scoring server;
editing this copy changes nothing except your own understanding.
"""

import jax, jax.numpy as jnp
import numpy as np

K = 16


def setup_inputs(seed: int = 0) -> dict:
    key = jax.random.key(seed)
    k1, k2 = jax.random.split(key)
    point_cloud = jax.random.normal(k1, (8, 3, 4096), dtype=jnp.float32)
    inp = jax.random.normal(k2, (8, 3, 3, 4096), dtype=jnp.float32)
    return {"point_cloud": point_cloud, "input": inp}


def _knn(ref, query, k):
    # ref, query: [B, d, N] (transpose_mode=False convention)
    r2 = jnp.sum(ref * ref, axis=1)              # [B, n_ref]
    q2 = jnp.sum(query * query, axis=1)          # [B, m]
    inner = jnp.einsum('bdn,bdm->bnm', ref, query)  # [B, n_ref, m]
    d2 = r2[:, :, None] + q2[:, None, :] - 2.0 * inner
    neg = jnp.transpose(-d2, (0, 2, 1))          # [B, m, n_ref]
    vals, idx = jax.lax.top_k(neg, k)            # smallest distances
    dist = jnp.sqrt(jnp.maximum(-vals, 0.0))
    return jnp.transpose(dist, (0, 2, 1)), jnp.transpose(idx, (0, 2, 1))  # [B,k,m]


def _group(pc, idx):
    # grouping_operation: out[b,c,i,j] = pc[b,c,idx[b,i,j]]
    B, d, N = pc.shape
    k = idx.shape[1]
    pc_e = jnp.broadcast_to(pc[:, :, None, :], (B, d, k, N))
    idx_e = jnp.broadcast_to(idx[:, None, :, :], (B, d, k, N))
    return jnp.take_along_axis(pc_e, idx_e, axis=3)


def reference(point_cloud, input):
    dist, idx = _knn(point_cloud, point_cloud, K + 1)
    idx = idx[:, 1:, :]                               # drop self, [B, k, N]
    neighbors = _group(point_cloud, idx)              # [B, d, k, N]
    central = jnp.repeat(input[:, :, None, :, :], K, axis=2)        # [B, d, k, 3, N]
    neighbors = jnp.repeat(neighbors[:, :, :, None, :], 3, axis=3)  # [B, d, k, 3, N]
    edge_feature = jnp.concatenate([central, neighbors - central], axis=1)  # [B, 2d, k, 3, N]
    return edge_feature, idx

if __name__ == "__main__":
    import jax
    _d = setup_inputs()
    print(jax.jit(kernel)(*tuple(_d.values())))

</pallas_src>

<mosaic_0001>
#map = affine_map<(d0, d1) -> (0, 0)>
#map1 = affine_map<(d0, d1) -> (0, 0, 0, 0)>
#map2 = affine_map<(d0, d1) -> (0, 0, 0)>
#map3 = affine_map<(d0, d1) -> (0, 0, 0, 0, 0)>
module attributes {stable_mosaic.version = 14 : i64} {
  func.func @edge_kernel(%arg0: i32, %arg1: i32, %arg2: memref<8x12288xf32, #tpu.memory_space<hbm>>, %arg3: memref<8x3x3x4096xf32, #tpu.memory_space<hbm>>, %arg4: memref<8x16x4096xi32, #tpu.memory_space<hbm>>, %arg5: memref<8x6x16x3x4096xf32, #tpu.memory_space<hbm>>, %arg6: memref<12288xf32, #tpu.memory_space<vmem>>, %arg7: memref<3x3x4096xf32, #tpu.memory_space<vmem>>, %arg8: memref<4096xi32, #tpu.memory_space<vmem>>, %arg9: memref<3x4096xf32, #tpu.memory_space<vmem>>, %arg10: memref<3x4096xf32, #tpu.memory_space<vmem>>) attributes {dimension_semantics = [#tpu.dimension_semantics<core_parallel>, #tpu.dimension_semantics<subcore_parallel>], iteration_bounds = array<i64: 2, 16>, scalar_prefetch = 0 : i64, scratch_operands = 5 : i64, tpu.core_type = #tpu.core_type<sc_vector_subcore>, window_params = [{transform_indices = #map}, {transform_indices = #map1}, {transform_indices = #map2}, {transform_indices = #map3}]} {
    %mul3A = arith.constant 2 : i32
    %mul3A_0 = arith.muli %arg1, %mul3A : i32
    %add3A = arith.addi %mul3A_0, %arg0 : i32
    %jit3A = arith.constant 4 : i32
    %div3A = arith.divsi %add3A, %jit3A : i32
    %sign3A = arith.constant 0 : i32
    %sign3A_1 = arith.cmpi sgt, %add3A, %sign3A : i32
    %sign3A_2 = arith.extui %sign3A_1 : i1 to i32
    %sign3A_3 = arith.constant 0 : i32
    %sign3A_4 = arith.cmpi slt, %add3A, %sign3A_3 : i32
    %sign3A_5 = arith.extui %sign3A_4 : i1 to i32
    %sign3A_6 = arith.subi %sign3A_2, %sign3A_5 : i32
    %sign3A_7 = arith.constant 0 : i32
    %sign3A_8 = arith.cmpi sgt, %jit3A, %sign3A_7 : i32
    %sign3A_9 = arith.extui %sign3A_8 : i1 to i32
    %sign3A_10 = arith.constant 0 : i32
    %sign3A_11 = arith.cmpi slt, %jit3A, %sign3A_10 : i32
    %sign3A_12 = arith.extui %sign3A_11 : i1 to i32
    %sign3A_13 = arith.subi %sign3A_9, %sign3A_12 : i32
    %ne3A = arith.cmpi ne, %sign3A_6, %sign3A_13 : i32
    %rem3A = arith.remsi %add3A, %jit3A : i32
    %ne3A_14 = arith.constant 0 : i32
    %ne3A_15 = arith.cmpi ne, %rem3A, %ne3A_14 : i32
    %and3A = arith.andi %ne3A, %ne3A_15 : i1
    %sub3A = arith.constant 1 : i32
    %sub3A_16 = arith.subi %div3A, %sub3A : i32
    %select_n3A = arith.select %and3A, %sub3A_16, %div3A : i32
    %jit3A_17 = arith.constant 4 : i32
    %eq3A = arith.constant 0 : i32
    %eq3A_18 = arith.cmpi eq, %jit3A_17, %eq3A : i32
    %jit3A_19 = arith.constant 1 : i32
    %select_n3A_20 = arith.select %eq3A_18, %jit3A_19, %jit3A_17 : i32
    %rem3A_21 = arith.remsi %add3A, %select_n3A_20 : i32
    %ne3A_22 = arith.constant 0 : i32
    %ne3A_23 = arith.cmpi ne, %rem3A_21, %ne3A_22 : i32
    %lt3A = arith.constant 0 : i32
    %lt3A_24 = arith.cmpi slt, %rem3A_21, %lt3A : i32
    %lt3A_25 = arith.constant 0 : i32
    %lt3A_26 = arith.cmpi slt, %select_n3A_20, %lt3A_25 : i32
    %ne3A_27 = arith.xori %lt3A_24, %lt3A_26 : i1
    %and3A_28 = arith.andi %ne3A_27, %ne3A_23 : i1
    %add3A_29 = arith.addi %rem3A_21, %select_n3A_20 : i32
    %select_n3A_30 = arith.select %and3A_28, %add3A_29, %rem3A_21 : i32
    "tpu.region"() ({
      %run_scoped3A_193 = tpu.sem_alloc : memref<!tpu.dma_semaphore, #tpu.memory_space<semaphore_mem>>
      %dma_start3A = arith.constant 0 : i32
      %dma_start3A_194 = tpu.memref_slice %arg2[%select_n3A, %dma_start3A] : memref<8x12288xf32, #tpu.memory_space<hbm>> -> memref<1x12288xf32, #tpu.memory_space<hbm>>
      %dma_start3A_195 = tpu.memref_squeeze %dma_start3A_194 : memref<1x12288xf32, #tpu.memory_space<hbm>> -> memref<12288xf32, #tpu.memory_space<hbm>>
      %dma_start3A_196 = arith.constant 0 : i32
      %dma_start3A_197 = tpu.memref_slice %arg2[%select_n3A, %dma_start3A_196] : memref<8x12288xf32, #tpu.memory_space<hbm>> -> memref<1x12288xf32, #tpu.memory_space<hbm>>
      %dma_start3A_198 = tpu.memref_squeeze %dma_start3A_197 : memref<1x12288xf32, #tpu.memory_space<hbm>> -> memref<12288xf32, #tpu.memory_space<hbm>>
      tpu.enqueue_dma source(%dma_start3A_198 : memref<12288xf32, #tpu.memory_space<hbm>>) target(%arg6 : memref<12288xf32, #tpu.memory_space<vmem>>) target_semaphore(%run_scoped3A_193 : memref<!tpu.dma_semaphore, #tpu.memory_space<semaphore_mem>>)
      %dma_wait3A = arith.constant 0 : i32
      %dma_wait3A_199 = tpu.memref_slice %arg2[%select_n3A, %dma_wait3A] : memref<8x12288xf32, #tpu.memory_space<hbm>> -> memref<1x12288xf32, #tpu.memory_space<hbm>>
      %dma_wait3A_200 = tpu.memref_squeeze %dma_wait3A_199 : memref<1x12288xf32, #tpu.memory_space<hbm>> -> memref<12288xf32, #tpu.memory_space<hbm>>
      %dma_wait3A_201 = arith.constant 0 : i32
      %dma_wait3A_202 = tpu.memref_slice %arg2[%select_n3A, %dma_wait3A_201] : memref<8x12288xf32, #tpu.memory_space<hbm>> -> memref<1x12288xf32, #tpu.memory_space<hbm>>
      %dma_wait3A_203 = tpu.memref_squeeze %dma_wait3A_202 : memref<1x12288xf32, #tpu.memory_space<hbm>> -> memref<12288xf32, #tpu.memory_space<hbm>>
      tpu.wait_dma2 semaphore(%run_scoped3A_193 : memref<!tpu.dma_semaphore, #tpu.memory_space<semaphore_mem>>) src(%dma_wait3A_203 : memref<12288xf32, #tpu.memory_space<hbm>>) dst(%arg6 : memref<12288xf32, #tpu.memory_space<vmem>>)
      tpu.yield
    }) : () -> ()
    "tpu.region"() ({
      %run_scoped3A_193 = tpu.sem_alloc : memref<!tpu.dma_semaphore, #tpu.memory_space<semaphore_mem>>
      %dma_start3A = arith.constant 0 : i32
      %dma_start3A_194 = arith.constant 0 : i32
      %dma_start3A_195 = arith.constant 0 : i32
      %dma_start3A_196 = tpu.memref_slice %arg3[%select_n3A, %dma_start3A, %dma_start3A_194, %dma_start3A_195] : memref<8x3x3x4096xf32, #tpu.memory_space<hbm>> -> memref<1x3x3x4096xf32, #tpu.memory_space<hbm>>
      %dma_start3A_197 = tpu.memref_squeeze %dma_start3A_196 : memref<1x3x3x4096xf32, #tpu.memory_space<hbm>> -> memref<3x3x4096xf32, #tpu.memory_space<hbm>>
      %dma_start3A_198 = arith.constant 0 : i32
      %dma_start3A_199 = arith.constant 0 : i32
      %dma_start3A_200 = arith.constant 0 : i32
      %dma_start3A_201 = tpu.memref_slice %arg3[%select_n3A, %dma_start3A_198, %dma_start3A_199, %dma_start3A_200] : memref<8x3x3x4096xf32, #tpu.memory_space<hbm>> -> memref<1x3x3x4096xf32, #tpu.memory_space<hbm>>
      %dma_start3A_202 = tpu.memref_squeeze %dma_start3A_201 : memref<1x3x3x4096xf32, #tpu.memory_space<hbm>> -> memref<3x3x4096xf32, #tpu.memory_space<hbm>>
      tpu.enqueue_dma source(%dma_start3A_202 : memref<3x3x4096xf32, #tpu.memory_space<hbm>>) target(%arg7 : memref<3x3x4096xf32, #tpu.memory_space<vmem>>) target_semaphore(%run_scoped3A_193 : memref<!tpu.dma_semaphore, #tpu.memory_space<semaphore_mem>>)
      %dma_wait3A = arith.constant 0 : i32
      %dma_wait3A_203 = arith.constant 0 : i32
      %dma_wait3A_204 = arith.constant 0 : i32
      %dma_wait3A_205 = tpu.memref_slice %arg3[%select_n3A, %dma_wait3A, %dma_wait3A_203, %dma_wait3A_204] : memref<8x3x3x4096xf32, #tpu.memory_space<hbm>> -> memref<1x3x3x4096xf32, #tpu.memory_space<hbm>>
      %dma_wait3A_206 = tpu.memref_squeeze %dma_wait3A_205 : memref<1x3x3x4096xf32, #tpu.memory_space<hbm>> -> memref<3x3x4096xf32, #tpu.memory_space<hbm>>
      %dma_wait3A_207 = arith.constant 0 : i32
      %dma_wait3A_208 = arith.constant 0 : i32
      %dma_wait3A_209 = arith.constant 0 : i32
      %dma_wait3A_210 = tpu.memref_slice %arg3[%select_n3A, %dma_wait3A_207, %dma_wait3A_208, %dma_wait3A_209] : memref<8x3x3x4096xf32, #tpu.memory_space<hbm>> -> memref<1x3x3x4096xf32, #tpu.memory_space<hbm>>
      %dma_wait3A_211 = tpu.memref_squeeze %dma_wait3A_210 : memref<1x3x3x4096xf32, #tpu.memory_space<hbm>> -> memref<3x3x4096xf32, #tpu.memory_space<hbm>>
      tpu.wait_dma2 semaphore(%run_scoped3A_193 : memref<!tpu.dma_semaphore, #tpu.memory_space<semaphore_mem>>) src(%dma_wait3A_211 : memref<3x3x4096xf32, #tpu.memory_space<hbm>>) dst(%arg7 : memref<3x3x4096xf32, #tpu.memory_space<vmem>>)
      tpu.yield
    }) : () -> ()
    %mul3A_31 = arith.constant 4 : i32
    %mul3A_32 = arith.muli %select_n3A_30, %mul3A_31 : i32
    %add3A_33 = arith.constant 0 : i32
    %add3A_34 = arith.addi %mul3A_32, %add3A_33 : i32
    "tpu.region"() ({
      %run_scoped3A_193 = tpu.sem_alloc : memref<!tpu.dma_semaphore, #tpu.memory_space<semaphore_mem>>
      %dma_start3A = arith.constant 0 : i32
      %dma_start3A_194 = tpu.memref_slice %arg4[%select_n3A, %add3A_34, %dma_start3A] : memref<8x16x4096xi32, #tpu.memory_space<hbm>> -> memref<1x1x4096xi32, #tpu.memory_space<hbm>>
      %dma_start3A_195 = tpu.memref_squeeze %dma_start3A_194 : memref<1x1x4096xi32, #tpu.memory_space<hbm>> -> memref<4096xi32, #tpu.memory_space<hbm>>
      %dma_start3A_196 = arith.constant 0 : i32
      %dma_start3A_197 = tpu.memref_slice %arg4[%select_n3A, %add3A_34, %dma_start3A_196] : memref<8x16x4096xi32, #tpu.memory_space<hbm>> -> memref<1x1x4096xi32, #tpu.memory_space<hbm>>
      %dma_start3A_198 = tpu.memref_squeeze %dma_start3A_197 : memref<1x1x4096xi32, #tpu.memory_space<hbm>> -> memref<4096xi32, #tpu.memory_space<hbm>>
      tpu.enqueue_dma source(%dma_start3A_198 : memref<4096xi32, #tpu.memory_space<hbm>>) target(%arg8 : memref<4096xi32, #tpu.memory_space<vmem>>) target_semaphore(%run_scoped3A_193 : memref<!tpu.dma_semaphore, #tpu.memory_space<semaphore_mem>>)
      %dma_wait3A = arith.constant 0 : i32
      %dma_wait3A_199 = tpu.memref_slice %arg4[%select_n3A, %add3A_34, %dma_wait3A] : memref<8x16x4096xi32, #tpu.memory_space<hbm>> -> memref<1x1x4096xi32, #tpu.memory_space<hbm>>
      %dma_wait3A_200 = tpu.memref_squeeze %dma_wait3A_199 : memref<1x1x4096xi32, #tpu.memory_space<hbm>> -> memref<4096xi32, #tpu.memory_space<hbm>>
      %dma_wait3A_201 = arith.constant 0 : i32
      %dma_wait3A_202 = tpu.memref_slice %arg4[%select_n3A, %add3A_34, %dma_wait3A_201] : memref<8x16x4096xi32, #tpu.memory_space<hbm>> -> memref<1x1x4096xi32, #tpu.memory_space<hbm>>
      %dma_wait3A_203 = tpu.memref_squeeze %dma_wait3A_202 : memref<1x1x4096xi32, #tpu.memory_space<hbm>> -> memref<4096xi32, #tpu.memory_space<hbm>>
      tpu.wait_dma2 semaphore(%run_scoped3A_193 : memref<!tpu.dma_semaphore, #tpu.memory_space<semaphore_mem>>) src(%dma_wait3A_203 : memref<4096xi32, #tpu.memory_space<hbm>>) dst(%arg8 : memref<4096xi32, #tpu.memory_space<vmem>>)
      tpu.yield
    }) : () -> ()
    %scan3A = arith.constant 0 : i32
    %scan3A_35 = arith.constant 0 : i32
    %scan3A_36 = arith.constant 256 : i32
    %scan3A_37 = arith.addi %scan3A_35, %scan3A_36 : i32
    %scan3A_38 = arith.constant 1 : i32
    %scan3A_39 = scf.for %scan3A_193 = %scan3A_35 to %scan3A_37 step %scan3A_38 iter_args(%scan3A_194 = %scan3A) -> (i32)  : i32 {
      %mul3A_195 = arith.constant 16 : i32
      %mul3A_196 = arith.muli %scan3A_193, %mul3A_195 : i32
      %get3A = arith.index_cast %mul3A_196 : i32 to index
      %get3A_197 = tpu.vector_load %arg8[%get3A] {strides = array<i32>} : memref<4096xi32, #tpu.memory_space<vmem>>, vector<16xi32>,
      %add3A_198 = arith.constant 0 : i32
      %add3A_199 = vector.broadcast %add3A_198 : i32 to vector<16xi32>
      %add3A_200 = arith.addi %get3A_197, %add3A_199 : vector<16xi32>
      %gather3A = tpu.vector_load_idx %arg6[%add3A_200] : memref<12288xf32, #tpu.memory_space<vmem>>[vector<16xi32>], vector<16xf32>,
      %mul3A_201 = arith.constant 16 : i32
      %mul3A_202 = arith.muli %scan3A_193, %mul3A_201 : i32
      %swap3A = arith.constant 0 : i32
      %swap3A_203 = arith.index_cast %swap3A : i32 to index
      %swap3A_204 = arith.index_cast %mul3A_202 : i32 to index
      %swap3A_205 = tpu.vector_load %arg9[%swap3A_203, %swap3A_204] {strides = array<i32>} : memref<3x4096xf32, #tpu.memory_space<vmem>>, vector<16xf32>,
      tpu.vector_store %arg9[%swap3A_203, %swap3A_204], %gather3A {strides = array<i32>} : memref<3x4096xf32, #tpu.memory_space<vmem>>, vector<16xf32>,
      %add3A_206 = arith.constant 4096 : i32
      %add3A_207 = vector.broadcast %add3A_206 : i32 to vector<16xi32>
      %add3A_208 = arith.addi %get3A_197, %add3A_207 : vector<16xi32>
      %gather3A_209 = tpu.vector_load_idx %arg6[%add3A_208] : memref<12288xf32, #tpu.memory_space<vmem>>[vector<16xi32>], vector<16xf32>,
      %mul3A_210 = arith.constant 16 : i32
      %mul3A_211 = arith.muli %scan3A_193, %mul3A_210 : i32
      %swap3A_212 = arith.constant 1 : i32
      %swap3A_213 = arith.index_cast %swap3A_212 : i32 to index
      %swap3A_214 = arith.index_cast %mul3A_211 : i32 to index
      %swap3A_215 = tpu.vector_load %arg9[%swap3A_213, %swap3A_214] {strides = array<i32>} : memref<3x4096xf32, #tpu.memory_space<vmem>>, vector<16xf32>,
      tpu.vector_store %arg9[%swap3A_213, %swap3A_214], %gather3A_209 {strides = array<i32>} : memref<3x4096xf32, #tpu.memory_space<vmem>>, vector<16xf32>,
      %add3A_216 = arith.constant 8192 : i32
      %add3A_217 = vector.broadcast %add3A_216 : i32 to vector<16xi32>
      %add3A_218 = arith.addi %get3A_197, %add3A_217 : vector<16xi32>
      %gather3A_219 = tpu.vector_load_idx %arg6[%add3A_218] : memref<12288xf32, #tpu.memory_space<vmem>>[vector<16xi32>], vector<16xf32>,
      %mul3A_220 = arith.constant 16 : i32
      %mul3A_221 = arith.muli %scan3A_193, %mul3A_220 : i32
      %swap3A_222 = arith.constant 2 : i32
      %swap3A_223 = arith.index_cast %swap3A_222 : i32 to index
      %swap3A_224 = arith.index_cast %mul3A_221 : i32 to index
      %swap3A_225 = tpu.vector_load %arg9[%swap3A_223, %swap3A_224] {strides = array<i32>} : memref<3x4096xf32, #tpu.memory_space<vmem>>, vector<16xf32>,
      tpu.vector_store %arg9[%swap3A_223, %swap3A_224], %gather3A_219 {strides = array<i32>} : memref<3x4096xf32, #tpu.memory_space<vmem>>, vector<16xf32>,
      %scan3A_226 = arith.constant 0 : i32
      scf.yield %scan3A_226 : i32
    }
    %scan3A_40 = arith.constant 256 : i32
    %run_scoped3A = arith.constant 0 : i32
    %run_scoped3A_41 = arith.constant 0 : i32
    "tpu.region"() ({
      %run_scoped3A_193 = tpu.sem_alloc : memref<!tpu.dma_semaphore, #tpu.memory_space<semaphore_mem>>
      %dma_start3A = arith.constant 0 : i32
      %dma_start3A_194 = arith.constant 0 : i32
      %dma_start3A_195 = tpu.memref_slice %arg7[%run_scoped3A, %dma_start3A, %dma_start3A_194] : memref<3x3x4096xf32, #tpu.memory_space<vmem>> -> memref<1x3x4096xf32, #tpu.memory_space<vmem>>
      %dma_start3A_196 = tpu.memref_squeeze %dma_start3A_195 : memref<1x3x4096xf32, #tpu.memory_space<vmem>> -> memref<3x4096xf32, #tpu.memory_space<vmem>>
      %dma_start3A_197 = arith.constant 0 : i32
      %dma_start3A_198 = arith.constant 0 : i32
      %dma_start3A_199 = tpu.memref_slice %arg5[%select_n3A, %run_scoped3A_41, %add3A_34, %dma_start3A_197, %dma_start3A_198] : memref<8x6x16x3x4096xf32, #tpu.memory_space<hbm>> -> memref<1x1x1x3x4096xf32, #tpu.memory_space<hbm>>
      %dma_start3A_200 = tpu.memref_squeeze %dma_start3A_199 : memref<1x1x1x3x4096xf32, #tpu.memory_space<hbm>> -> memref<3x4096xf32, #tpu.memory_space<hbm>>
      %dma_start3A_201 = arith.constant 0 : i32
      %dma_start3A_202 = arith.constant 0 : i32
      %dma_start3A_203 = tpu.memref_slice %arg5[%select_n3A, %run_scoped3A_41, %add3A_34, %dma_start3A_201, %dma_start3A_202] : memref<8x6x16x3x4096xf32, #tpu.memory_space<hbm>> -> memref<1x1x1x3x4096xf32, #tpu.memory_space<hbm>>
      %dma_start3A_204 = tpu.memref_squeeze %dma_start3A_203 : memref<1x1x1x3x4096xf32, #tpu.memory_space<hbm>> -> memref<3x4096xf32, #tpu.memory_space<hbm>>
      %dma_start3A_205 = arith.constant 0 : i32
      %dma_start3A_206 = arith.constant 0 : i32
      %dma_start3A_207 = tpu.memref_slice %arg7[%run_scoped3A, %dma_start3A_205, %dma_start3A_206] : memref<3x3x4096xf32, #tpu.memory_space<vmem>> -> memref<1x3x4096xf32, #tpu.memory_space<vmem>>
      %dma_start3A_208 = tpu.memref_squeeze %dma_start3A_207 : memref<1x3x4096xf32, #tpu.memory_space<vmem>> -> memref<3x4096xf32, #tpu.memory_space<vmem>>
      tpu.enqueue_dma source(%dma_start3A_208 : memref<3x4096xf32, #tpu.memory_space<vmem>>) target(%dma_start3A_204 : memref<3x4096xf32, #tpu.memory_space<hbm>>) target_semaphore(%run_scoped3A_193 : memref<!tpu.dma_semaphore, #tpu.memory_space<semaphore_mem>>)
      %dma_wait3A = arith.constant 0 : i32
      %dma_wait3A_209 = arith.constant 0 : i32
      %dma_wait3A_210 = tpu.memref_slice %arg7[%run_scoped3A, %dma_wait3A, %dma_wait3A_209] : memref<3x3x4096xf32, #tpu.memory_space<vmem>> -> memref<1x3x4096xf32, #tpu.memory_space<vmem>>
      %dma_wait3A_211 = tpu.memref_squeeze %dma_wait3A_210 : memref<1x3x4096xf32, #tpu.memory_space<vmem>> -> memref<3x4096xf32, #tpu.memory_space<vmem>>
      %dma_wait3A_212 = arith.constant 0 : i32
      %dma_wait3A_213 = arith.constant 0 : i32
      %dma_wait3A_214 = tpu.memref_slice %arg5[%select_n3A, %run_scoped3A_41, %add3A_34, %dma_wait3A_212, %dma_wait3A_213] : memref<8x6x16x3x4096xf32, #tpu.memory_space<hbm>> -> memref<1x1x1x3x4096xf32, #tpu.memory_space<hbm>>
      %dma_wait3A_215 = tpu.memref_squeeze %dma_wait3A_214 : memref<1x1x1x3x4096xf32, #tpu.memory_space<hbm>> -> memref<3x4096xf32, #tpu.memory_space<hbm>>
      %dma_wait3A_216 = arith.constant 0 : i32
      %dma_wait3A_217 = arith.constant 0 : i32
      %dma_wait3A_218 = tpu.memref_slice %arg5[%select_n3A, %run_scoped3A_41, %add3A_34, %dma_wait3A_216, %dma_wait3A_217] : memref<8x6x16x3x4096xf32, #tpu.memory_space<hbm>> -> memref<1x1x1x3x4096xf32, #tpu.memory_space<hbm>>
      %dma_wait3A_219 = tpu.memref_squeeze %dma_wait3A_218 : memref<1x1x1x3x4096xf32, #tpu.memory_space<hbm>> -> memref<3x4096xf32, #tpu.memory_space<hbm>>
      %dma_wait3A_220 = arith.constant 0 : i32
      %dma_wait3A_221 = arith.constant 0 : i32
      %dma_wait3A_222 = tpu.memref_slice %arg7[%run_scoped3A, %dma_wait3A_220, %dma_wait3A_221] : memref<3x3x4096xf32, #tpu.memory_space<vmem>> -> memref<1x3x4096xf32, #tpu.memory_space<vmem>>
      %dma_wait3A_223 = tpu.memref_squeeze %dma_wait3A_222 : memref<1x3x4096xf32, #tpu.memory_space<vmem>> -> memref<3x4096xf32, #tpu.memory_space<vmem>>
      tpu.wait_dma2 semaphore(%run_scoped3A_193 : memref<!tpu.dma_semaphore, #tpu.memory_space<semaphore_mem>>) src(%dma_wait3A_223 : memref<3x4096xf32, #tpu.memory_space<vmem>>) dst(%dma_wait3A_219 : memref<3x4096xf32, #tpu.memory_space<hbm>>)
      tpu.yield
    }) : () -> ()
    %scan3A_42 = arith.constant 0 : i32
    %scan3A_43 = arith.constant 0 : i32
    %scan3A_44 = arith.constant 256 : i32
    %scan3A_45 = arith.addi %scan3A_43, %scan3A_44 : i32
    %scan3A_46 = arith.constant 1 : i32
    %scan3A_47 = scf.for %scan3A_193 = %scan3A_43 to %scan3A_45 step %scan3A_46 iter_args(%scan3A_194 = %scan3A_42) -> (i32)  : i32 {
      %mul3A_195 = arith.constant 16 : i32
      %mul3A_196 = arith.muli %scan3A_193, %mul3A_195 : i32
      %get3A = arith.constant 0 : i32
      %get3A_197 = arith.index_cast %get3A : i32 to index
      %get3A_198 = arith.index_cast %mul3A_196 : i32 to index
      %get3A_199 = tpu.vector_load %arg9[%get3A_197, %get3A_198] {strides = array<i32>} : memref<3x4096xf32, #tpu.memory_space<vmem>>, vector<16xf32>,
      %mul3A_200 = arith.constant 16 : i32
      %mul3A_201 = arith.muli %scan3A_193, %mul3A_200 : i32
      %get3A_202 = arith.constant 0 : i32
      %get3A_203 = arith.constant 0 : i32
      %get3A_204 = arith.index_cast %get3A_202 : i32 to index
      %get3A_205 = arith.index_cast %get3A_203 : i32 to index
      %get3A_206 = arith.index_cast %mul3A_201 : i32 to index
      %get3A_207 = tpu.vector_load %arg7[%get3A_204, %get3A_205, %get3A_206] {strides = array<i32>} : memref<3x3x4096xf32, #tpu.memory_space<vmem>>, vector<16xf32>,
      %sub3A_208 = arith.subf %get3A_199, %get3A_207 : vector<16xf32>
      %mul3A_209 = arith.constant 16 : i32
      %mul3A_210 = arith.muli %scan3A_193, %mul3A_209 : i32
      %swap3A = arith.constant 0 : i32
      %swap3A_211 = arith.index_cast %swap3A : i32 to index
      %swap3A_212 = arith.index_cast %mul3A_210 : i32 to index
      %swap3A_213 = tpu.vector_load %arg10[%swap3A_211, %swap3A_212] {strides = array<i32>} : memref<3x4096xf32, #tpu.memory_space<vmem>>, vector<16xf32>,
      tpu.vector_store %arg10[%swap3A_211, %swap3A_212], %sub3A_208 {strides = array<i32>} : memref<3x4096xf32, #tpu.memory_space<vmem>>, vector<16xf32>,
      %mul3A_214 = arith.constant 16 : i32
      %mul3A_215 = arith.muli %scan3A_193, %mul3A_214 : i32
      %get3A_216 = arith.constant 0 : i32
      %get3A_217 = arith.constant 1 : i32
      %get3A_218 = arith.index_cast %get3A_216 : i32 to index
      %get3A_219 = arith.index_cast %get3A_217 : i32 to index
      %get3A_220 = arith.index_cast %mul3A_215 : i32 to index
      %get3A_221 = tpu.vector_load %arg7[%get3A_218, %get3A_219, %get3A_220] {strides = array<i32>} : memref<3x3x4096xf32, #tpu.memory_space<vmem>>, vector<16xf32>,
      %sub3A_222 = arith.subf %get3A_199, %get3A_221 : vector<16xf32>
      %mul3A_223 = arith.constant 16 : i32
      %mul3A_224 = arith.muli %scan3A_193, %mul3A_223 : i32
      %swap3A_225 = arith.constant 1 : i32
      %swap3A_226 = arith.index_cast %swap3A_225 : i32 to index
      %swap3A_227 = arith.index_cast %mul3A_224 : i32 to index
      %swap3A_228 = tpu.vector_load %arg10[%swap3A_226, %swap3A_227] {strides = array<i32>} : memref<3x4096xf32, #tpu.memory_space<vmem>>, vector<16xf32>,
      tpu.vector_store %arg10[%swap3A_226, %swap3A_227], %sub3A_222 {strides = array<i32>} : memref<3x4096xf32, #tpu.memory_space<vmem>>, vector<16xf32>,
      %mul3A_229 = arith.constant 16 : i32
      %mul3A_230 = arith.muli %scan3A_193, %mul3A_229 : i32
      %get3A_231 = arith.constant 0 : i32
      %get3A_232 = arith.constant 2 : i32
      %get3A_233 = arith.index_cast %get3A_231 : i32 to index
      %get3A_234 = arith.index_cast %get3A_232 : i32 to index
      %get3A_235 = arith.index_cast %mul3A_230 : i32 to index
      %get3A_236 = tpu.vector_load %arg7[%get3A_233, %get3A_234, %get3A_235] {strides = array<i32>} : memref<3x3x4096xf32, #tpu.memory_space<vmem>>, vector<16xf32>,
      %sub3A_237 = arith.subf %get3A_199, %get3A_236 : vector<16xf32>
      %mul3A_238 = arith.constant 16 : i32
      %mul3A_239 = arith.muli %scan3A_193, %mul3A_238 : i32
      %swap3A_240 = arith.constant 2 : i32
      %swap3A_241 = arith.index_cast %swap3A_240 : i32 to index
      %swap3A_242 = arith.index_cast %mul3A_239 : i32 to index
      %swap3A_243 = tpu.vector_load %arg10[%swap3A_241, %swap3A_242] {strides = array<i32>} : memref<3x4096xf32, #tpu.memory_space<vmem>>, vector<16xf32>,
      tpu.vector_store %arg10[%swap3A_241, %swap3A_242], %sub3A_237 {strides = array<i32>} : memref<3x4096xf32, #tpu.memory_space<vmem>>, vector<16xf32>,
      %scan3A_244 = arith.constant 0 : i32
      scf.yield %scan3A_244 : i32
    }
    %scan3A_48 = arith.constant 256 : i32
    %run_scoped3A_49 = arith.constant 3 : i32
    "tpu.region"() ({
      %run_scoped3A_193 = tpu.sem_alloc : memref<!tpu.dma_semaphore, #tpu.memory_space<semaphore_mem>>
      %dma_start3A = arith.constant 0 : i32
      %dma_start3A_194 = arith.constant 0 : i32
      %dma_start3A_195 = tpu.memref_slice %arg5[%select_n3A, %run_scoped3A_49, %add3A_34, %dma_start3A, %dma_start3A_194] : memref<8x6x16x3x4096xf32, #tpu.memory_space<hbm>> -> memref<1x1x1x3x4096xf32, #tpu.memory_space<hbm>>
      %dma_start3A_196 = tpu.memref_squeeze %dma_start3A_195 : memref<1x1x1x3x4096xf32, #tpu.memory_space<hbm>> -> memref<3x4096xf32, #tpu.memory_space<hbm>>
      %dma_start3A_197 = arith.constant 0 : i32
      %dma_start3A_198 = arith.constant 0 : i32
      %dma_start3A_199 = tpu.memref_slice %arg5[%select_n3A, %run_scoped3A_49, %add3A_34, %dma_start3A_197, %dma_start3A_198] : memref<8x6x16x3x4096xf32, #tpu.memory_space<hbm>> -> memref<1x1x1x3x4096xf32, #tpu.memory_space<hbm>>
      %dma_start3A_200 = tpu.memref_squeeze %dma_start3A_199 : memref<1x1x1x3x4096xf32, #tpu.memory_space<hbm>> -> memref<3x4096xf32, #tpu.memory_space<hbm>>
      tpu.enqueue_dma source(%arg10 : memref<3x4096xf32, #tpu.memory_space<vmem>>) target(%dma_start3A_200 : memref<3x4096xf32, #tpu.memory_space<hbm>>) target_semaphore(%run_scoped3A_193 : memref<!tpu.dma_semaphore, #tpu.memory_space<semaphore_mem>>)
      %dma_wait3A = arith.constant 0 : i32
      %dma_wait3A_201 = arith.constant 0 : i32
      %dma_wait3A_202 = tpu.memref_slice %arg5[%select_n3A, %run_scoped3A_49, %add3A_34, %dma_wait3A, %dma_wait3A_201] : memref<8x6x16x3x4096xf32, #tpu.memory_space<hbm>> -> memref<1x1x1x3x4096xf32, #tpu.memory_space<hbm>>
      %dma_wait3A_203 = tpu.memref_squeeze %dma_wait3A_202 : memref<1x1x1x3x4096xf32, #tpu.memory_space<hbm>> -> memref<3x4096xf32, #tpu.memory_space<hbm>>
      %dma_wait3A_204 = arith.constant 0 : i32
      %dma_wait3A_205 = arith.constant 0 : i32
      %dma_wait3A_206 = tpu.memref_slice %arg5[%select_n3A, %run_scoped3A_49, %add3A_34, %dma_wait3A_204, %dma_wait3A_205] : memref<8x6x16x3x4096xf32, #tpu.memory_space<hbm>> -> memref<1x1x1x3x4096xf32, #tpu.memory_space<hbm>>
      %dma_wait3A_207 = tpu.memref_squeeze %dma_wait3A_206 : memref<1x1x1x3x4096xf32, #tpu.memory_space<hbm>> -> memref<3x4096xf32, #tpu.memory_space<hbm>>
      tpu.wait_dma2 semaphore(%run_scoped3A_193 : memref<!tpu.dma_semaphore, #tpu.memory_space<semaphore_mem>>) src(%arg10 : memref<3x4096xf32, #tpu.memory_space<vmem>>) dst(%dma_wait3A_207 : memref<3x4096xf32, #tpu.memory_space<hbm>>)
      tpu.yield
    }) : () -> ()
    %run_scoped3A_50 = arith.constant 1 : i32
    %run_scoped3A_51 = arith.constant 1 : i32
    "tpu.region"() ({
      %run_scoped3A_193 = tpu.sem_alloc : memref<!tpu.dma_semaphore, #tpu.memory_space<semaphore_mem>>
      %dma_start3A = arith.constant 0 : i32
      %dma_start3A_194 = arith.constant 0 : i32
      %dma_start3A_195 = tpu.memref_slice %arg7[%run_scoped3A_50, %dma_start3A, %dma_start3A_194] : memref<3x3x4096xf32, #tpu.memory_space<vmem>> -> memref<1x3x4096xf32, #tpu.memory_space<vmem>>
      %dma_start3A_196 = tpu.memref_squeeze %dma_start3A_195 : memref<1x3x4096xf32, #tpu.memory_space<vmem>> -> memref<3x4096xf32, #tpu.memory_space<vmem>>
      %dma_start3A_197 = arith.constant 0 : i32
      %dma_start3A_198 = arith.constant 0 : i32
      %dma_start3A_199 = tpu.memref_slice %arg5[%select_n3A, %run_scoped3A_51, %add3A_34, %dma_start3A_197, %dma_start3A_198] : memref<8x6x16x3x4096xf32, #tpu.memory_space<hbm>> -> memref<1x1x1x3x4096xf32, #tpu.memory_space<hbm>>
      %dma_start3A_200 = tpu.memref_squeeze %dma_start3A_199 : memref<1x1x1x3x4096xf32, #tpu.memory_space<hbm>> -> memref<3x4096xf32, #tpu.memory_space<hbm>>
      %dma_start3A_201 = arith.constant 0 : i32
      %dma_start3A_202 = arith.constant 0 : i32
      %dma_start3A_203 = tpu.memref_slice %arg5[%select_n3A, %run_scoped3A_51, %add3A_34, %dma_start3A_201, %dma_start3A_202] : memref<8x6x16x3x4096xf32, #tpu.memory_space<hbm>> -> memref<1x1x1x3x4096xf32, #tpu.memory_space<hbm>>
      %dma_start3A_204 = tpu.memref_squeeze %dma_start3A_203 : memref<1x1x1x3x4096xf32, #tpu.memory_space<hbm>> -> memref<3x4096xf32, #tpu.memory_space<hbm>>
      %dma_start3A_205 = arith.constant 0 : i32
      %dma_start3A_206 = arith.constant 0 : i32
      %dma_start3A_207 = tpu.memref_slice %arg7[%run_scoped3A_50, %dma_start3A_205, %dma_start3A_206] : memref<3x3x4096xf32, #tpu.memory_space<vmem>> -> memref<1x3x4096xf32, #tpu.memory_space<vmem>>
      %dma_start3A_208 = tpu.memref_squeeze %dma_start3A_207 : memref<1x3x4096xf32, #tpu.memory_space<vmem>> -> memref<3x4096xf32, #tpu.memory_space<vmem>>
      tpu.enqueue_dma source(%dma_start3A_208 : memref<3x4096xf32, #tpu.memory_space<vmem>>) target(%dma_start3A_204 : memref<3x4096xf32, #tpu.memory_space<hbm>>) target_semaphore(%run_scoped3A_193 : memref<!tpu.dma_semaphore, #tpu.memory_space<semaphore_mem>>)
      %dma_wait3A = arith.constant 0 : i32
      %dma_wait3A_209 = arith.constant 0 : i32
      %dma_wait3A_210 = tpu.memref_slice %arg7[%run_scoped3A_50, %dma_wait3A, %dma_wait3A_209] : memref<3x3x4096xf32, #tpu.memory_space<vmem>> -> memref<1x3x4096xf32, #tpu.memory_space<vmem>>
      %dma_wait3A_211 = tpu.memref_squeeze %dma_wait3A_210 : memref<1x3x4096xf32, #tpu.memory_space<vmem>> -> memref<3x4096xf32, #tpu.memory_space<vmem>>
      %dma_wait3A_212 = arith.constant 0 : i32
      %dma_wait3A_213 = arith.constant 0 : i32
      %dma_wait3A_214 = tpu.memref_slice %arg5[%select_n3A, %run_scoped3A_51, %add3A_34, %dma_wait3A_212, %dma_wait3A_213] : memref<8x6x16x3x4096xf32, #tpu.memory_space<hbm>> -> memref<1x1x1x3x4096xf32, #tpu.memory_space<hbm>>
      %dma_wait3A_215 = tpu.memref_squeeze %dma_wait3A_214 : memref<1x1x1x3x4096xf32, #tpu.memory_space<hbm>> -> memref<3x4096xf32, #tpu.memory_space<hbm>>
      %dma_wait3A_216 = arith.constant 0 : i32
      %dma_wait3A_217 = arith.constant 0 : i32
      %dma_wait3A_218 = tpu.memref_slice %arg5[%select_n3A, %run_scoped3A_51, %add3A_34, %dma_wait3A_216, %dma_wait3A_217] : memref<8x6x16x3x4096xf32, #tpu.memory_space<hbm>> -> memref<1x1x1x3x4096xf32, #tpu.memory_space<hbm>>
      %dma_wait3A_219 = tpu.memref_squeeze %dma_wait3A_218 : memref<1x1x1x3x4096xf32, #tpu.memory_space<hbm>> -> memref<3x4096xf32, #tpu.memory_space<hbm>>
      %dma_wait3A_220 = arith.constant 0 : i32
      %dma_wait3A_221 = arith.constant 0 : i32
      %dma_wait3A_222 = tpu.memref_slice %arg7[%run_scoped3A_50, %dma_wait3A_220, %dma_wait3A_221] : memref<3x3x4096xf32, #tpu.memory_space<vmem>> -> memref<1x3x4096xf32, #tpu.memory_space<vmem>>
      %dma_wait3A_223 = tpu.memref_squeeze %dma_wait3A_222 : memref<1x3x4096xf32, #tpu.memory_space<vmem>> -> memref<3x4096xf32, #tpu.memory_space<vmem>>
      tpu.wait_dma2 semaphore(%run_scoped3A_193 : memref<!tpu.dma_semaphore, #tpu.memory_space<semaphore_mem>>) src(%dma_wait3A_223 : memref<3x4096xf32, #tpu.memory_space<vmem>>) dst(%dma_wait3A_219 : memref<3x4096xf32, #tpu.memory_space<hbm>>)
      tpu.yield
    }) : () -> ()
    %scan3A_52 = arith.constant 0 : i32
    %scan3A_53 = arith.constant 0 : i32
    %scan3A_54 = arith.constant 256 : i32
    %scan3A_55 = arith.addi %scan3A_53, %scan3A_54 : i32
    %scan3A_56 = arith.constant 1 : i32
    %scan3A_57 = scf.for %scan3A_193 = %scan3A_53 to %scan3A_55 step %scan3A_56 iter_args(%scan3A_194 = %scan3A_52) -> (i32)  : i32 {
      %mul3A_195 = arith.constant 16 : i32
      %mul3A_196 = arith.muli %scan3A_193, %mul3A_195 : i32
      %get3A = arith.constant 1 : i32
      %get3A_197 = arith.index_cast %get3A : i32 to index
      %get3A_198 = arith.index_cast %mul3A_196 : i32 to index
      %get3A_199 = tpu.vector_load %arg9[%get3A_197, %get3A_198] {strides = array<i32>} : memref<3x4096xf32, #tpu.memory_space<vmem>>, vector<16xf32>,
      %mul3A_200 = arith.constant 16 : i32
      %mul3A_201 = arith.muli %scan3A_193, %mul3A_200 : i32
      %get3A_202 = arith.constant 1 : i32
      %get3A_203 = arith.constant 0 : i32
      %get3A_204 = arith.index_cast %get3A_202 : i32 to index
      %get3A_205 = arith.index_cast %get3A_203 : i32 to index
      %get3A_206 = arith.index_cast %mul3A_201 : i32 to index
      %get3A_207 = tpu.vector_load %arg7[%get3A_204, %get3A_205, %get3A_206] {strides = array<i32>} : memref<3x3x4096xf32, #tpu.memory_space<vmem>>, vector<16xf32>,
      %sub3A_208 = arith.subf %get3A_199, %get3A_207 : vector<16xf32>
      %mul3A_209 = arith.constant 16 : i32
      %mul3A_210 = arith.muli %scan3A_193, %mul3A_209 : i32
      %swap3A = arith.constant 0 : i32
      %swap3A_211 = arith.index_cast %swap3A : i32 to index
      %swap3A_212 = arith.index_cast %mul3A_210 : i32 to index
      %swap3A_213 = tpu.vector_load %arg10[%swap3A_211, %swap3A_212] {strides = array<i32>} : memref<3x4096xf32, #tpu.memory_space<vmem>>, vector<16xf32>,
      tpu.vector_store %arg10[%swap3A_211, %swap3A_212], %sub3A_208 {strides = array<i32>} : memref<3x4096xf32, #tpu.memory_space<vmem>>, vector<16xf32>,
      %mul3A_214 = arith.constant 16 : i32
      %mul3A_215 = arith.muli %scan3A_193, %mul3A_214 : i32
      %get3A_216 = arith.constant 1 : i32
      %get3A_217 = arith.constant 1 : i32
      %get3A_218 = arith.index_cast %get3A_216 : i32 to index
      %get3A_219 = arith.index_cast %get3A_217 : i32 to index
      %get3A_220 = arith.index_cast %mul3A_215 : i32 to index
      %get3A_221 = tpu.vector_load %arg7[%get3A_218, %get3A_219, %get3A_220] {strides = array<i32>} : memref<3x3x4096xf32, #tpu.memory_space<vmem>>, vector<16xf32>,
      %sub3A_222 = arith.subf %get3A_199, %get3A_221 : vector<16xf32>
      %mul3A_223 = arith.constant 16 : i32
      %mul3A_224 = arith.muli %scan3A_193, %mul3A_223 : i32
      %swap3A_225 = arith.constant 1 : i32
      %swap3A_226 = arith.index_cast %swap3A_225 : i32 to index
      %swap3A_227 = arith.index_cast %mul3A_224 : i32 to index
      %swap3A_228 = tpu.vector_load %arg10[%swap3A_226, %swap3A_227] {strides = array<i32>} : memref<3x4096xf32, #tpu.memory_space<vmem>>, vector<16xf32>,
      tpu.vector_store %arg10[%swap3A_226, %swap3A_227], %sub3A_222 {strides = array<i32>} : memref<3x4096xf32, #tpu.memory_space<vmem>>, vector<16xf32>,
      %mul3A_229 = arith.constant 16 : i32
      %mul3A_230 = arith.muli %scan3A_193, %mul3A_229 : i32
      %get3A_231 = arith.constant 1 : i32
      %get3A_232 = arith.constant 2 : i32
      %get3A_233 = arith.index_cast %get3A_231 : i32 to index
      %get3A_234 = arith.index_cast %get3A_232 : i32 to index
      %get3A_235 = arith.index_cast %mul3A_230 : i32 to index
      %get3A_236 = tpu.vector_load %arg7[%get3A_233, %get3A_234, %get3A_235] {strides = array<i32>} : memref<3x3x4096xf32, #tpu.memory_space<vmem>>, vector<16xf32>,
      %sub3A_237 = arith.subf %get3A_199, %get3A_236 : vector<16xf32>
      %mul3A_238 = arith.constant 16 : i32
      %mul3A_239 = arith.muli %scan3A_193, %mul3A_238 : i32
      %swap3A_240 = arith.constant 2 : i32
      %swap3A_241 = arith.index_cast %swap3A_240 : i32 to index
      %swap3A_242 = arith.index_cast %mul3A_239 : i32 to index
      %swap3A_243 = tpu.vector_load %arg10[%swap3A_241, %swap3A_242] {strides = array<i32>} : memref<3x4096xf32, #tpu.memory_space<vmem>>, vector<16xf32>,
      tpu.vector_store %arg10[%swap3A_241, %swap3A_242], %sub3A_237 {strides = array<i32>} : memref<3x4096xf32, #tpu.memory_space<vmem>>, vector<16xf32>,
      %scan3A_244 = arith.constant 0 : i32
      scf.yield %scan3A_244 : i32
    }
    %scan3A_58 = arith.constant 256 : i32
    %run_scoped3A_59 = arith.constant 4 : i32
    "tpu.region"() ({
      %run_scoped3A_193 = tpu.sem_alloc : memref<!tpu.dma_semaphore, #tpu.memory_space<semaphore_mem>>
      %dma_start3A = arith.constant 0 : i32
      %dma_start3A_194 = arith.constant 0 : i32
      %dma_start3A_195 = tpu.memref_slice %arg5[%select_n3A, %run_scoped3A_59, %add3A_34, %dma_start3A, %dma_start3A_194] : memref<8x6x16x3x4096xf32, #tpu.memory_space<hbm>> -> memref<1x1x1x3x4096xf32, #tpu.memory_space<hbm>>
      %dma_start3A_196 = tpu.memref_squeeze %dma_start3A_195 : memref<1x1x1x3x4096xf32, #tpu.memory_space<hbm>> -> memref<3x4096xf32, #tpu.memory_space<hbm>>
      %dma_start3A_197 = arith.constant 0 : i32
      %dma_start3A_198 = arith.constant 0 : i32
      %dma_start3A_199 = tpu.memref_slice %arg5[%select_n3A, %run_scoped3A_59, %add3A_34, %dma_start3A_197, %dma_start3A_198] : memref<8x6x16x3x4096xf32, #tpu.memory_space<hbm>> -> memref<1x1x1x3x4096xf32, #tpu.memory_space<hbm>>
      %dma_start3A_200 = tpu.memref_squeeze %dma_start3A_199 : memref<1x1x1x3x4096xf32, #tpu.memory_space<hbm>> -> memref<3x4096xf32, #tpu.memory_space<hbm>>
      tpu.enqueue_dma source(%arg10 : memref<3x4096xf32, #tpu.memory_space<vmem>>) target(%dma_start3A_200 : memref<3x4096xf32, #tpu.memory_space<hbm>>) target_semaphore(%run_scoped3A_193 : memref<!tpu.dma_semaphore, #tpu.memory_space<semaphore_mem>>)
      %dma_wait3A = arith.constant 0 : i32
      %dma_wait3A_201 = arith.constant 0 : i32
      %dma_wait3A_202 = tpu.memref_slice %arg5[%select_n3A, %run_scoped3A_59, %add3A_34, %dma_wait3A, %dma_wait3A_201] : memref<8x6x16x3x4096xf32, #tpu.memory_space<hbm>> -> memref<1x1x1x3x4096xf32, #tpu.memory_space<hbm>>
      %dma_wait3A_203 = tpu.memref_squeeze %dma_wait3A_202 : memref<1x1x1x3x4096xf32, #tpu.memory_space<hbm>> -> memref<3x4096xf32, #tpu.memory_space<hbm>>
      %dma_wait3A_204 = arith.constant 0 : i32
      %dma_wait3A_205 = arith.constant 0 : i32
      %dma_wait3A_206 = tpu.memref_slice %arg5[%select_n3A, %run_scoped3A_59, %add3A_34, %dma_wait3A_204, %dma_wait3A_205] : memref<8x6x16x3x4096xf32, #tpu.memory_space<hbm>> -> memref<1x1x1x3x4096xf32, #tpu.memory_space<hbm>>
      %dma_wait3A_207 = tpu.memref_squeeze %dma_wait3A_206 : memref<1x1x1x3x4096xf32, #tpu.memory_space<hbm>> -> memref<3x4096xf32, #tpu.memory_space<hbm>>
      tpu.wait_dma2 semaphore(%run_scoped3A_193 : memref<!tpu.dma_semaphore, #tpu.memory_space<semaphore_mem>>) src(%arg10 : memref<3x4096xf32, #tpu.memory_space<vmem>>) dst(%dma_wait3A_207 : memref<3x4096xf32, #tpu.memory_space<hbm>>)
      tpu.yield
    }) : () -> ()
    %run_scoped3A_60 = arith.constant 2 : i32
    %run_scoped3A_61 = arith.constant 2 : i32
    "tpu.region"() ({
      %run_scoped3A_193 = tpu.sem_alloc : memref<!tpu.dma_semaphore, #tpu.memory_space<semaphore_mem>>
      %dma_start3A = arith.constant 0 : i32
      %dma_start3A_194 = arith.constant 0 : i32
      %dma_start3A_195 = tpu.memref_slice %arg7[%run_scoped3A_60, %dma_start3A, %dma_start3A_194] : memref<3x3x4096xf32, #tpu.memory_space<vmem>> -> memref<1x3x4096xf32, #tpu.memory_space<vmem>>
      %dma_start3A_196 = tpu.memref_squeeze %dma_start3A_195 : memref<1x3x4096xf32, #tpu.memory_space<vmem>> -> memref<3x4096xf32, #tpu.memory_space<vmem>>
      %dma_start3A_197 = arith.constant 0 : i32
      %dma_start3A_198 = arith.constant 0 : i32
      %dma_start3A_199 = tpu.memref_slice %arg5[%select_n3A, %run_scoped3A_61, %add3A_34, %dma_start3A_197, %dma_start3A_198] : memref<8x6x16x3x4096xf32, #tpu.memory_space<hbm>> -> memref<1x1x1x3x4096xf32, #tpu.memory_space<hbm>>
      %dma_start3A_200 = tpu.memref_squeeze %dma_start3A_199 : memref<1x1x1x3x4096xf32, #tpu.memory_space<hbm>> -> memref<3x4096xf32, #tpu.memory_space<hbm>>
      %dma_start3A_201 = arith.constant 0 : i32
      %dma_start3A_202 = arith.constant 0 : i32
      %dma_start3A_203 = tpu.memref_slice %arg5[%select_n3A, %run_scoped3A_61, %add3A_34, %dma_start3A_201, %dma_start3A_202] : memref<8x6x16x3x4096xf32, #tpu.memory_space<hbm>> -> memref<1x1x1x3x4096xf32, #tpu.memory_space<hbm>>
      %dma_start3A_204 = tpu.memref_squeeze %dma_start3A_203 : memref<1x1x1x3x4096xf32, #tpu.memory_space<hbm>> -> memref<3x4096xf32, #tpu.memory_space<hbm>>
      %dma_start3A_205 = arith.constant 0 : i32
      %dma_start3A_206 = arith.constant 0 : i32
      %dma_start3A_207 = tpu.memref_slice %arg7[%run_scoped3A_60, %dma_start3A_205, %dma_start3A_206] : memref<3x3x4096xf32, #tpu.memory_space<vmem>> -> memref<1x3x4096xf32, #tpu.memory_space<vmem>>
      %dma_start3A_208 = tpu.memref_squeeze %dma_start3A_207 : memref<1x3x4096xf32, #tpu.memory_space<vmem>> -> memref<3x4096xf32, #tpu.memory_space<vmem>>
      tpu.enqueue_dma source(%dma_start3A_208 : memref<3x4096xf32, #tpu.memory_space<vmem>>) target(%dma_start3A_204 : memref<3x4096xf32, #tpu.memory_space<hbm>>) target_semaphore(%run_scoped3A_193 : memref<!tpu.dma_semaphore, #tpu.memory_space<semaphore_mem>>)
      %dma_wait3A = arith.constant 0 : i32
      %dma_wait3A_209 = arith.constant 0 : i32
      %dma_wait3A_210 = tpu.memref_slice %arg7[%run_scoped3A_60, %dma_wait3A, %dma_wait3A_209] : memref<3x3x4096xf32, #tpu.memory_space<vmem>> -> memref<1x3x4096xf32, #tpu.memory_space<vmem>>
      %dma_wait3A_211 = tpu.memref_squeeze %dma_wait3A_210 : memref<1x3x4096xf32, #tpu.memory_space<vmem>> -> memref<3x4096xf32, #tpu.memory_space<vmem>>
      %dma_wait3A_212 = arith.constant 0 : i32
      %dma_wait3A_213 = arith.constant 0 : i32
      %dma_wait3A_214 = tpu.memref_slice %arg5[%select_n3A, %run_scoped3A_61, %add3A_34, %dma_wait3A_212, %dma_wait3A_213] : memref<8x6x16x3x4096xf32, #tpu.memory_space<hbm>> -> memref<1x1x1x3x4096xf32, #tpu.memory_space<hbm>>
      %dma_wait3A_215 = tpu.memref_squeeze %dma_wait3A_214 : memref<1x1x1x3x4096xf32, #tpu.memory_space<hbm>> -> memref<3x4096xf32, #tpu.memory_space<hbm>>
      %dma_wait3A_216 = arith.constant 0 : i32
      %dma_wait3A_217 = arith.constant 0 : i32
      %dma_wait3A_218 = tpu.memref_slice %arg5[%select_n3A, %run_scoped3A_61, %add3A_34, %dma_wait3A_216, %dma_wait3A_217] : memref<8x6x16x3x4096xf32, #tpu.memory_space<hbm>> -> memref<1x1x1x3x4096xf32, #tpu.memory_space<hbm>>
      %dma_wait3A_219 = tpu.memref_squeeze %dma_wait3A_218 : memref<1x1x1x3x4096xf32, #tpu.memory_space<hbm>> -> memref<3x4096xf32, #tpu.memory_space<hbm>>
      %dma_wait3A_220 = arith.constant 0 : i32
      %dma_wait3A_221 = arith.constant 0 : i32
      %dma_wait3A_222 = tpu.memref_slice %arg7[%run_scoped3A_60, %dma_wait3A_220, %dma_wait3A_221] : memref<3x3x4096xf32, #tpu.memory_space<vmem>> -> memref<1x3x4096xf32, #tpu.memory_space<vmem>>
      %dma_wait3A_223 = tpu.memref_squeeze %dma_wait3A_222 : memref<1x3x4096xf32, #tpu.memory_space<vmem>> -> memref<3x4096xf32, #tpu.memory_space<vmem>>
      tpu.wait_dma2 semaphore(%run_scoped3A_193 : memref<!tpu.dma_semaphore, #tpu.memory_space<semaphore_mem>>) src(%dma_wait3A_223 : memref<3x4096xf32, #tpu.memory_space<vmem>>) dst(%dma_wait3A_219 : memref<3x4096xf32, #tpu.memory_space<hbm>>)
      tpu.yield
    }) : () -> ()
    %scan3A_62 = arith.constant 0 : i32
    %scan3A_63 = arith.constant 0 : i32
    %scan3A_64 = arith.constant 256 : i32
    %scan3A_65 = arith.addi %scan3A_63, %scan3A_64 : i32
    %scan3A_66 = arith.constant 1 : i32
    %scan3A_67 = scf.for %scan3A_193 = %scan3A_63 to %scan3A_65 step %scan3A_66 iter_args(%scan3A_194 = %scan3A_62) -> (i32)  : i32 {
      %mul3A_195 = arith.constant 16 : i32
      %mul3A_196 = arith.muli %scan3A_193, %mul3A_195 : i32
      %get3A = arith.constant 2 : i32
      %get3A_197 = arith.index_cast %get3A : i32 to index
      %get3A_198 = arith.index_cast %mul3A_196 : i32 to index
      %get3A_199 = tpu.vector_load %arg9[%get3A_197, %get3A_198] {strides = array<i32>} : memref<3x4096xf32, #tpu.memory_space<vmem>>, vector<16xf32>,
      %mul3A_200 = arith.constant 16 : i32
      %mul3A_201 = arith.muli %scan3A_193, %mul3A_200 : i32
      %get3A_202 = arith.constant 2 : i32
      %get3A_203 = arith.constant 0 : i32
      %get3A_204 = arith.index_cast %get3A_202 : i32 to index
      %get3A_205 = arith.index_cast %get3A_203 : i32 to index
      %get3A_206 = arith.index_cast %mul3A_201 : i32 to index
      %get3A_207 = tpu.vector_load %arg7[%get3A_204, %get3A_205, %get3A_206] {strides = array<i32>} : memref<3x3x4096xf32, #tpu.memory_space<vmem>>, vector<16xf32>,
      %sub3A_208 = arith.subf %get3A_199, %get3A_207 : vector<16xf32>
      %mul3A_209 = arith.constant 16 : i32
      %mul3A_210 = arith.muli %scan3A_193, %mul3A_209 : i32
      %swap3A = arith.constant 0 : i32
      %swap3A_211 = arith.index_cast %swap3A : i32 to index
      %swap3A_212 = arith.index_cast %mul3A_210 : i32 to index
      %swap3A_213 = tpu.vector_load %arg10[%swap3A_211, %swap3A_212] {strides = array<i32>} : memref<3x4096xf32, #tpu.memory_space<vmem>>, vector<16xf32>,
      tpu.vector_store %arg10[%swap3A_211, %swap3A_212], %sub3A_208 {strides = array<i32>} : memref<3x4096xf32, #tpu.memory_space<vmem>>, vector<16xf32>,
      %mul3A_214 = arith.constant 16 : i32
      %mul3A_215 = arith.muli %scan3A_193, %mul3A_214 : i32
      %get3A_216 = arith.constant 2 : i32
      %get3A_217 = arith.constant 1 : i32
      %get3A_218 = arith.index_cast %get3A_216 : i32 to index
      %get3A_219 = arith.index_cast %get3A_217 : i32 to index
      %get3A_220 = arith.index_cast %mul3A_215 : i32 to index
      %get3A_221 = tpu.vector_load %arg7[%get3A_218, %get3A_219, %get3A_220] {strides = array<i32>} : memref<3x3x4096xf32, #tpu.memory_space<vmem>>, vector<16xf32>,
      %sub3A_222 = arith.subf %get3A_199, %get3A_221 : vector<16xf32>
      %mul3A_223 = arith.constant 16 : i32
      %mul3A_224 = arith.muli %scan3A_193, %mul3A_223 : i32
      %swap3A_225 = arith.constant 1 : i32
      %swap3A_226 = arith.index_cast %swap3A_225 : i32 to index
      %swap3A_227 = arith.index_cast %mul3A_224 : i32 to index
      %swap3A_228 = tpu.vector_load %arg10[%swap3A_226, %swap3A_227] {strides = array<i32>} : memref<3x4096xf32, #tpu.memory_space<vmem>>, vector<16xf32>,
      tpu.vector_store %arg10[%swap3A_226, %swap3A_227], %sub3A_222 {strides = array<i32>} : memref<3x4096xf32, #tpu.memory_space<vmem>>, vector<16xf32>,
      %mul3A_229 = arith.constant 16 : i32
      %mul3A_230 = arith.muli %scan3A_193, %mul3A_229 : i32
      %get3A_231 = arith.constant 2 : i32
      %get3A_232 = arith.constant 2 : i32
      %get3A_233 = arith.index_cast %get3A_231 : i32 to index
      %get3A_234 = arith.index_cast %get3A_232 : i32 to index
      %get3A_235 = arith.index_cast %mul3A_230 : i32 to index
      %get3A_236 = tpu.vector_load %arg7[%get3A_233, %get3A_234, %get3A_235] {strides = array<i32>} : memref<3x3x4096xf32, #tpu.memory_space<vmem>>, vector<16xf32>,
      %sub3A_237 = arith.subf %get3A_199, %get3A_236 : vector<16xf32>
      %mul3A_238 = arith.constant 16 : i32
      %mul3A_239 = arith.muli %scan3A_193, %mul3A_238 : i32
      %swap3A_240 = arith.constant 2 : i32
      %swap3A_241 = arith.index_cast %swap3A_240 : i32 to index
      %swap3A_242 = arith.index_cast %mul3A_239 : i32 to index
      %swap3A_243 = tpu.vector_load %arg10[%swap3A_241, %swap3A_242] {strides = array<i32>} : memref<3x4096xf32, #tpu.memory_space<vmem>>, vector<16xf32>,
      tpu.vector_store %arg10[%swap3A_241, %swap3A_242], %sub3A_237 {strides = array<i32>} : memref<3x4096xf32, #tpu.memory_space<vmem>>, vector<16xf32>,
      %scan3A_244 = arith.constant 0 : i32
      scf.yield %scan3A_244 : i32
    }
    %scan3A_68 = arith.constant 256 : i32
    %run_scoped3A_69 = arith.constant 5 : i32
    "tpu.region"() ({
      %run_scoped3A_193 = tpu.sem_alloc : memref<!tpu.dma_semaphore, #tpu.memory_space<semaphore_mem>>
      %dma_start3A = arith.constant 0 : i32
      %dma_start3A_194 = arith.constant 0 : i32
      %dma_start3A_195 = tpu.memref_slice %arg5[%select_n3A, %run_scoped3A_69, %add3A_34, %dma_start3A, %dma_start3A_194] : memref<8x6x16x3x4096xf32, #tpu.memory_space<hbm>> -> memref<1x1x1x3x4096xf32, #tpu.memory_space<hbm>>
      %dma_start3A_196 = tpu.memref_squeeze %dma_start3A_195 : memref<1x1x1x3x4096xf32, #tpu.memory_space<hbm>> -> memref<3x4096xf32, #tpu.memory_space<hbm>>
      %dma_start3A_197 = arith.constant 0 : i32
      %dma_start3A_198 = arith.constant 0 : i32
      %dma_start3A_199 = tpu.memref_slice %arg5[%select_n3A, %run_scoped3A_69, %add3A_34, %dma_start3A_197, %dma_start3A_198] : memref<8x6x16x3x4096xf32, #tpu.memory_space<hbm>> -> memref<1x1x1x3x4096xf32, #tpu.memory_space<hbm>>
      %dma_start3A_200 = tpu.memref_squeeze %dma_start3A_199 : memref<1x1x1x3x4096xf32, #tpu.memory_space<hbm>> -> memref<3x4096xf32, #tpu.memory_space<hbm>>
      tpu.enqueue_dma source(%arg10 : memref<3x4096xf32, #tpu.memory_space<vmem>>) target(%dma_start3A_200 : memref<3x4096xf32, #tpu.memory_space<hbm>>) target_semaphore(%run_scoped3A_193 : memref<!tpu.dma_semaphore, #tpu.memory_space<semaphore_mem>>)
      %dma_wait3A = arith.constant 0 : i32
      %dma_wait3A_201 = arith.constant 0 : i32
      %dma_wait3A_202 = tpu.memref_slice %arg5[%select_n3A, %run_scoped3A_69, %add3A_34, %dma_wait3A, %dma_wait3A_201] : memref<8x6x16x3x4096xf32, #tpu.memory_space<hbm>> -> memref<1x1x1x3x4096xf32, #tpu.memory_space<hbm>>
      %dma_wait3A_203 = tpu.memref_squeeze %dma_wait3A_202 : memref<1x1x1x3x4096xf32, #tpu.memory_space<hbm>> -> memref<3x4096xf32, #tpu.memory_space<hbm>>
      %dma_wait3A_204 = arith.constant 0 : i32
      %dma_wait3A_205 = arith.constant 0 : i32
      %dma_wait3A_206 = tpu.memref_slice %arg5[%select_n3A, %run_scoped3A_69, %add3A_34, %dma_wait3A_204, %dma_wait3A_205] : memref<8x6x16x3x4096xf32, #tpu.memory_space<hbm>> -> memref<1x1x1x3x4096xf32, #tpu.memory_space<hbm>>
      %dma_wait3A_207 = tpu.memref_squeeze %dma_wait3A_206 : memref<1x1x1x3x4096xf32, #tpu.memory_space<hbm>> -> memref<3x4096xf32, #tpu.memory_space<hbm>>
      tpu.wait_dma2 semaphore(%run_scoped3A_193 : memref<!tpu.dma_semaphore, #tpu.memory_space<semaphore_mem>>) src(%arg10 : memref<3x4096xf32, #tpu.memory_space<vmem>>) dst(%dma_wait3A_207 : memref<3x4096xf32, #tpu.memory_space<hbm>>)
      tpu.yield
    }) : () -> ()
    %mul3A_70 = arith.constant 4 : i32
    %mul3A_71 = arith.muli %select_n3A_30, %mul3A_70 : i32
    %add3A_72 = arith.constant 1 : i32
    %add3A_73 = arith.addi %mul3A_71, %add3A_72 : i32
    "tpu.region"() ({
      %run_scoped3A_193 = tpu.sem_alloc : memref<!tpu.dma_semaphore, #tpu.memory_space<semaphore_mem>>
      %dma_start3A = arith.constant 0 : i32
      %dma_start3A_194 = tpu.memref_slice %arg4[%select_n3A, %add3A_73, %dma_start3A] : memref<8x16x4096xi32, #tpu.memory_space<hbm>> -> memref<1x1x4096xi32, #tpu.memory_space<hbm>>
      %dma_start3A_195 = tpu.memref_squeeze %dma_start3A_194 : memref<1x1x4096xi32, #tpu.memory_space<hbm>> -> memref<4096xi32, #tpu.memory_space<hbm>>
      %dma_start3A_196 = arith.constant 0 : i32
      %dma_start3A_197 = tpu.memref_slice %arg4[%select_n3A, %add3A_73, %dma_start3A_196] : memref<8x16x4096xi32, #tpu.memory_space<hbm>> -> memref<1x1x4096xi32, #tpu.memory_space<hbm>>
      %dma_start3A_198 = tpu.memref_squeeze %dma_start3A_197 : memref<1x1x4096xi32, #tpu.memory_space<hbm>> -> memref<4096xi32, #tpu.memory_space<hbm>>
      tpu.enqueue_dma source(%dma_start3A_198 : memref<4096xi32, #tpu.memory_space<hbm>>) target(%arg8 : memref<4096xi32, #tpu.memory_space<vmem>>) target_semaphore(%run_scoped3A_193 : memref<!tpu.dma_semaphore, #tpu.memory_space<semaphore_mem>>)
      %dma_wait3A = arith.constant 0 : i32
      %dma_wait3A_199 = tpu.memref_slice %arg4[%select_n3A, %add3A_73, %dma_wait3A] : memref<8x16x4096xi32, #tpu.memory_space<hbm>> -> memref<1x1x4096xi32, #tpu.memory_space<hbm>>
      %dma_wait3A_200 = tpu.memref_squeeze %dma_wait3A_199 : memref<1x1x4096xi32, #tpu.memory_space<hbm>> -> memref<4096xi32, #tpu.memory_space<hbm>>
      %dma_wait3A_201 = arith.constant 0 : i32
      %dma_wait3A_202 = tpu.memref_slice %arg4[%select_n3A, %add3A_73, %dma_wait3A_201] : memref<8x16x4096xi32, #tpu.memory_space<hbm>> -> memref<1x1x4096xi32, #tpu.memory_space<hbm>>
      %dma_wait3A_203 = tpu.memref_squeeze %dma_wait3A_202 : memref<1x1x4096xi32, #tpu.memory_space<hbm>> -> memref<4096xi32, #tpu.memory_space<hbm>>
      tpu.wait_dma2 semaphore(%run_scoped3A_193 : memref<!tpu.dma_semaphore, #tpu.memory_space<semaphore_mem>>) src(%dma_wait3A_203 : memref<4096xi32, #tpu.memory_space<hbm>>) dst(%arg8 : memref<4096xi32, #tpu.memory_space<vmem>>)
      tpu.yield
    }) : () -> ()
    %scan3A_74 = arith.constant 0 : i32
    %scan3A_75 = arith.constant 0 : i32
    %scan3A_76 = arith.constant 256 : i32
    %scan3A_77 = arith.addi %scan3A_75, %scan3A_76 : i32
    %scan3A_78 = arith.constant 1 : i32
    %scan3A_79 = scf.for %scan3A_193 = %scan3A_75 to %scan3A_77 step %scan3A_78 iter_args(%scan3A_194 = %scan3A_74) -> (i32)  : i32 {
      %mul3A_195 = arith.constant 16 : i32
      %mul3A_196 = arith.muli %scan3A_193, %mul3A_195 : i32
      %get3A = arith.index_cast %mul3A_196 : i32 to index
      %get3A_197 = tpu.vector_load %arg8[%get3A] {strides = array<i32>} : memref<4096xi32, #tpu.memory_space<vmem>>, vector<16xi32>,
      %add3A_198 = arith.constant 0 : i32
      %add3A_199 = vector.broadcast %add3A_198 : i32 to vector<16xi32>
      %add3A_200 = arith.addi %get3A_197, %add3A_199 : vector<16xi32>
      %gather3A = tpu.vector_load_idx %arg6[%add3A_200] : memref<12288xf32, #tpu.memory_space<vmem>>[vector<16xi32>], vector<16xf32>,
      %mul3A_201 = arith.constant 16 : i32
      %mul3A_202 = arith.muli %scan3A_193, %mul3A_201 : i32
      %swap3A = arith.constant 0 : i32
      %swap3A_203 = arith.index_cast %swap3A : i32 to index
      %swap3A_204 = arith.index_cast %mul3A_202 : i32 to index
      %swap3A_205 = tpu.vector_load %arg9[%swap3A_203, %swap3A_204] {strides = array<i32>} : memref<3x4096xf32, #tpu.memory_space<vmem>>, vector<16xf32>,
      tpu.vector_store %arg9[%swap3A_203, %swap3A_204], %gather3A {strides = array<i32>} : memref<3x4096xf32, #tpu.memory_space<vmem>>, vector<16xf32>,
      %add3A_206 = arith.constant 4096 : i32
      %add3A_207 = vector.broadcast %add3A_206 : i32 to vector<16xi32>
      %add3A_208 = arith.addi %get3A_197, %add3A_207 : vector<16xi32>
      %gather3A_209 = tpu.vector_load_idx %arg6[%add3A_208] : memref<12288xf32, #tpu.memory_space<vmem>>[vector<16xi32>], vector<16xf32>,
      %mul3A_210 = arith.constant 16 : i32
      %mul3A_211 = arith.muli %scan3A_193, %mul3A_210 : i32
      %swap3A_212 = arith.constant 1 : i32
      %swap3A_213 = arith.index_cast %swap3A_212 : i32 to index
      %swap3A_214 = arith.index_cast %mul3A_211 : i32 to index
      %swap3A_215 = tpu.vector_load %arg9[%swap3A_213, %swap3A_214] {strides = array<i32>} : memref<3x4096xf32, #tpu.memory_space<vmem>>, vector<16xf32>,
      tpu.vector_store %arg9[%swap3A_213, %swap3A_214], %gather3A_209 {strides = array<i32>} : memref<3x4096xf32, #tpu.memory_space<vmem>>, vector<16xf32>,
      %add3A_216 = arith.constant 8192 : i32
      %add3A_217 = vector.broadcast %add3A_216 : i32 to vector<16xi32>
      %add3A_218 = arith.addi %get3A_197, %add3A_217 : vector<16xi32>
      %gather3A_219 = tpu.vector_load_idx %arg6[%add3A_218] : memref<12288xf32, #tpu.memory_space<vmem>>[vector<16xi32>], vector<16xf32>,
      %mul3A_220 = arith.constant 16 : i32
      %mul3A_221 = arith.muli %scan3A_193, %mul3A_220 : i32
      %swap3A_222 = arith.constant 2 : i32
      %swap3A_223 = arith.index_cast %swap3A_222 : i32 to index
      %swap3A_224 = arith.index_cast %mul3A_221 : i32 to index
      %swap3A_225 = tpu.vector_load %arg9[%swap3A_223, %swap3A_224] {strides = array<i32>} : memref<3x4096xf32, #tpu.memory_space<vmem>>, vector<16xf32>,
      tpu.vector_store %arg9[%swap3A_223, %swap3A_224], %gather3A_219 {strides = array<i32>} : memref<3x4096xf32, #tpu.memory_space<vmem>>, vector<16xf32>,
      %scan3A_226 = arith.constant 0 : i32
      scf.yield %scan3A_226 : i32
    }
    %scan3A_80 = arith.constant 256 : i32
    %run_scoped3A_81 = arith.constant 0 : i32
    %run_scoped3A_82 = arith.constant 0 : i32
    "tpu.region"() ({
      %run_scoped3A_193 = tpu.sem_alloc : memref<!tpu.dma_semaphore, #tpu.memory_space<semaphore_mem>>
      %dma_start3A = arith.constant 0 : i32
      %dma_start3A_194 = arith.constant 0 : i32
      %dma_start3A_195 = tpu.memref_slice %arg7[%run_scoped3A_81, %dma_start3A, %dma_start3A_194] : memref<3x3x4096xf32, #tpu.memory_space<vmem>> -> memref<1x3x4096xf32, #tpu.memory_space<vmem>>
      %dma_start3A_196 = tpu.memref_squeeze %dma_start3A_195 : memref<1x3x4096xf32, #tpu.memory_space<vmem>> -> memref<3x4096xf32, #tpu.memory_space<vmem>>
      %dma_start3A_197 = arith.constant 0 : i32
      %dma_start3A_198 = arith.constant 0 : i32
      %dma_start3A_199 = tpu.memref_slice %arg5[%select_n3A, %run_scoped3A_82, %add3A_73, %dma_start3A_197, %dma_start3A_198] : memref<8x6x16x3x4096xf32, #tpu.memory_space<hbm>> -> memref<1x1x1x3x4096xf32, #tpu.memory_space<hbm>>
      %dma_start3A_200 = tpu.memref_squeeze %dma_start3A_199 : memref<1x1x1x3x4096xf32, #tpu.memory_space<hbm>> -> memref<3x4096xf32, #tpu.memory_space<hbm>>
      %dma_start3A_201 = arith.constant 0 : i32
      %dma_start3A_202 = arith.constant 0 : i32
      %dma_start3A_203 = tpu.memref_slice %arg5[%select_n3A, %run_scoped3A_82, %add3A_73, %dma_start3A_201, %dma_start3A_202] : memref<8x6x16x3x4096xf32, #tpu.memory_space<hbm>> -> memref<1x1x1x3x4096xf32, #tpu.memory_space<hbm>>
      %dma_start3A_204 = tpu.memref_squeeze %dma_start3A_203 : memref<1x1x1x3x4096xf32, #tpu.memory_space<hbm>> -> memref<3x4096xf32, #tpu.memory_space<hbm>>
      %dma_start3A_205 = arith.constant 0 : i32
      %dma_start3A_206 = arith.constant 0 : i32
      %dma_start3A_207 = tpu.memref_slice %arg7[%run_scoped3A_81, %dma_start3A_205, %dma_start3A_206] : memref<3x3x4096xf32, #tpu.memory_space<vmem>> -> memref<1x3x4096xf32, #tpu.memory_space<vmem>>
      %dma_start3A_208 = tpu.memref_squeeze %dma_start3A_207 : memref<1x3x4096xf32, #tpu.memory_space<vmem>> -> memref<3x4096xf32, #tpu.memory_space<vmem>>
      tpu.enqueue_dma source(%dma_start3A_208 : memref<3x4096xf32, #tpu.memory_space<vmem>>) target(%dma_start3A_204 : memref<3x4096xf32, #tpu.memory_space<hbm>>) target_semaphore(%run_scoped3A_193 : memref<!tpu.dma_semaphore, #tpu.memory_space<semaphore_mem>>)
      %dma_wait3A = arith.constant 0 : i32
      %dma_wait3A_209 = arith.constant 0 : i32
      %dma_wait3A_210 = tpu.memref_slice %arg7[%run_scoped3A_81, %dma_wait3A, %dma_wait3A_209] : memref<3x3x4096xf32, #tpu.memory_space<vmem>> -> memref<1x3x4096xf32, #tpu.memory_space<vmem>>
      %dma_wait3A_211 = tpu.memref_squeeze %dma_wait3A_210 : memref<1x3x4096xf32, #tpu.memory_space<vmem>> -> memref<3x4096xf32, #tpu.memory_space<vmem>>
      %dma_wait3A_212 = arith.constant 0 : i32
      %dma_wait3A_213 = arith.constant 0 : i32
      %dma_wait3A_214 = tpu.memref_slice %arg5[%select_n3A, %run_scoped3A_82, %add3A_73, %dma_wait3A_212, %dma_wait3A_213] : memref<8x6x16x3x4096xf32, #tpu.memory_space<hbm>> -> memref<1x1x1x3x4096xf32, #tpu.memory_space<hbm>>
      %dma_wait3A_215 = tpu.memref_squeeze %dma_wait3A_214 : memref<1x1x1x3x4096xf32, #tpu.memory_space<hbm>> -> memref<3x4096xf32, #tpu.memory_space<hbm>>
      %dma_wait3A_216 = arith.constant 0 : i32
      %dma_wait3A_217 = arith.constant 0 : i32
      %dma_wait3A_218 = tpu.memref_slice %arg5[%select_n3A, %run_scoped3A_82, %add3A_73, %dma_wait3A_216, %dma_wait3A_217] : memref<8x6x16x3x4096xf32, #tpu.memory_space<hbm>> -> memref<1x1x1x3x4096xf32, #tpu.memory_space<hbm>>
      %dma_wait3A_219 = tpu.memref_squeeze %dma_wait3A_218 : memref<1x1x1x3x4096xf32, #tpu.memory_space<hbm>> -> memref<3x4096xf32, #tpu.memory_space<hbm>>
      %dma_wait3A_220 = arith.constant 0 : i32
      %dma_wait3A_221 = arith.constant 0 : i32
      %dma_wait3A_222 = tpu.memref_slice %arg7[%run_scoped3A_81, %dma_wait3A_220, %dma_wait3A_221] : memref<3x3x4096xf32, #tpu.memory_space<vmem>> -> memref<1x3x4096xf32, #tpu.memory_space<vmem>>
      %dma_wait3A_223 = tpu.memref_squeeze %dma_wait3A_222 : memref<1x3x4096xf32, #tpu.memory_space<vmem>> -> memref<3x4096xf32, #tpu.memory_space<vmem>>
      tpu.wait_dma2 semaphore(%run_scoped3A_193 : memref<!tpu.dma_semaphore, #tpu.memory_space<semaphore_mem>>) src(%dma_wait3A_223 : memref<3x4096xf32, #tpu.memory_space<vmem>>) dst(%dma_wait3A_219 : memref<3x4096xf32, #tpu.memory_space<hbm>>)
      tpu.yield
    }) : () -> ()
    %scan3A_83 = arith.constant 0 : i32
    %scan3A_84 = arith.constant 0 : i32
    %scan3A_85 = arith.constant 256 : i32
    %scan3A_86 = arith.addi %scan3A_84, %scan3A_85 : i32
    %scan3A_87 = arith.constant 1 : i32
    %scan3A_88 = scf.for %scan3A_193 = %scan3A_84 to %scan3A_86 step %scan3A_87 iter_args(%scan3A_194 = %scan3A_83) -> (i32)  : i32 {
      %mul3A_195 = arith.constant 16 : i32
      %mul3A_196 = arith.muli %scan3A_193, %mul3A_195 : i32
      %get3A = arith.constant 0 : i32
      %get3A_197 = arith.index_cast %get3A : i32 to index
      %get3A_198 = arith.index_cast %mul3A_196 : i32 to index
      %get3A_199 = tpu.vector_load %arg9[%get3A_197, %get3A_198] {strides = array<i32>} : memref<3x4096xf32, #tpu.memory_space<vmem>>, vector<16xf32>,
      %mul3A_200 = arith.constant 16 : i32
      %mul3A_201 = arith.muli %scan3A_193, %mul3A_200 : i32
      %get3A_202 = arith.constant 0 : i32
      %get3A_203 = arith.constant 0 : i32
      %get3A_204 = arith.index_cast %get3A_202 : i32 to index
      %get3A_205 = arith.index_cast %get3A_203 : i32 to index
      %get3A_206 = arith.index_cast %mul3A_201 : i32 to index
      %get3A_207 = tpu.vector_load %arg7[%get3A_204, %get3A_205, %get3A_206] {strides = array<i32>} : memref<3x3x4096xf32, #tpu.memory_space<vmem>>, vector<16xf32>,
      %sub3A_208 = arith.subf %get3A_199, %get3A_207 : vector<16xf32>
      %mul3A_209 = arith.constant 16 : i32
      %mul3A_210 = arith.muli %scan3A_193, %mul3A_209 : i32
      %swap3A = arith.constant 0 : i32
      %swap3A_211 = arith.index_cast %swap3A : i32 to index
      %swap3A_212 = arith.index_cast %mul3A_210 : i32 to index
      %swap3A_213 = tpu.vector_load %arg10[%swap3A_211, %swap3A_212] {strides = array<i32>} : memref<3x4096xf32, #tpu.memory_space<vmem>>, vector<16xf32>,
      tpu.vector_store %arg10[%swap3A_211, %swap3A_212], %sub3A_208 {strides = array<i32>} : memref<3x4096xf32, #tpu.memory_space<vmem>>, vector<16xf32>,
      %mul3A_214 = arith.constant 16 : i32
      %mul3A_215 = arith.muli %scan3A_193, %mul3A_214 : i32
      %get3A_216 = arith.constant 0 : i32
      %get3A_217 = arith.constant 1 : i32
      %get3A_218 = arith.index_cast %get3A_216 : i32 to index
      %get3A_219 = arith.index_cast %get3A_217 : i32 to index
      %get3A_220 = arith.index_cast %mul3A_215 : i32 to index
      %get3A_221 = tpu.vector_load %arg7[%get3A_218, %get3A_219, %get3A_220] {strides = array<i32>} : memref<3x3x4096xf32, #tpu.memory_space<vmem>>, vector<16xf32>,
      %sub3A_222 = arith.subf %get3A_199, %get3A_221 : vector<16xf32>
      %mul3A_223 = arith.constant 16 : i32
      %mul3A_224 = arith.muli %scan3A_193, %mul3A_223 : i32
      %swap3A_225 = arith.constant 1 : i32
      %swap3A_226 = arith.index_cast %swap3A_225 : i32 to index
      %swap3A_227 = arith.index_cast %mul3A_224 : i32 to index
      %swap3A_228 = tpu.vector_load %arg10[%swap3A_226, %swap3A_227] {strides = array<i32>} : memref<3x4096xf32, #tpu.memory_space<vmem>>, vector<16xf32>,
      tpu.vector_store %arg10[%swap3A_226, %swap3A_227], %sub3A_222 {strides = array<i32>} : memref<3x4096xf32, #tpu.memory_space<vmem>>, vector<16xf32>,
      %mul3A_229 = arith.constant 16 : i32
      %mul3A_230 = arith.muli %scan3A_193, %mul3A_229 : i32
      %get3A_231 = arith.constant 0 : i32
      %get3A_232 = arith.constant 2 : i32
      %get3A_233 = arith.index_cast %get3A_231 : i32 to index
      %get3A_234 = arith.index_cast %get3A_232 : i32 to index
      %get3A_235 = arith.index_cast %mul3A_230 : i32 to index
      %get3A_236 = tpu.vector_load %arg7[%get3A_233, %get3A_234, %get3A_235] {strides = array<i32>} : memref<3x3x4096xf32, #tpu.memory_space<vmem>>, vector<16xf32>,
      %sub3A_237 = arith.subf %get3A_199, %get3A_236 : vector<16xf32>
      %mul3A_238 = arith.constant 16 : i32
      %mul3A_239 = arith.muli %scan3A_193, %mul3A_238 : i32
      %swap3A_240 = arith.constant 2 : i32
      %swap3A_241 = arith.index_cast %swap3A_240 : i32 to index
      %swap3A_242 = arith.index_cast %mul3A_239 : i32 to index
      %swap3A_243 = tpu.vector_load %arg10[%swap3A_241, %swap3A_242] {strides = array<i32>} : memref<3x4096xf32, #tpu.memory_space<vmem>>, vector<16xf32>,
      tpu.vector_store %arg10[%swap3A_241, %swap3A_242], %sub3A_237 {strides = array<i32>} : memref<3x4096xf32, #tpu.memory_space<vmem>>, vector<16xf32>,
      %scan3A_244 = arith.constant 0 : i32
      scf.yield %scan3A_244 : i32
    }
    %scan3A_89 = arith.constant 256 : i32
    %run_scoped3A_90 = arith.constant 3 : i32
    "tpu.region"() ({
      %run_scoped3A_193 = tpu.sem_alloc : memref<!tpu.dma_semaphore, #tpu.memory_space<semaphore_mem>>
      %dma_start3A = arith.constant 0 : i32
      %dma_start3A_194 = arith.constant 0 : i32
      %dma_start3A_195 = tpu.memref_slice %arg5[%select_n3A, %run_scoped3A_90, %add3A_73, %dma_start3A, %dma_start3A_194] : memref<8x6x16x3x4096xf32, #tpu.memory_space<hbm>> -> memref<1x1x1x3x4096xf32, #tpu.memory_space<hbm>>
      %dma_start3A_196 = tpu.memref_squeeze %dma_start3A_195 : memref<1x1x1x3x4096xf32, #tpu.memory_space<hbm>> -> memref<3x4096xf32, #tpu.memory_space<hbm>>
      %dma_start3A_197 = arith.constant 0 : i32
      %dma_start3A_198 = arith.constant 0 : i32
      %dma_start3A_199 = tpu.memref_slice %arg5[%select_n3A, %run_scoped3A_90, %add3A_73, %dma_start3A_197, %dma_start3A_198] : memref<8x6x16x3x4096xf32, #tpu.memory_space<hbm>> -> memref<1x1x1x3x4096xf32, #tpu.memory_space<hbm>>
      %dma_start3A_200 = tpu.memref_squeeze %dma_start3A_199 : memref<1x1x1x3x4096xf32, #tpu.memory_space<hbm>> -> memref<3x4096xf32, #tpu.memory_space<hbm>>
      tpu.enqueue_dma source(%arg10 : memref<3x4096xf32, #tpu.memory_space<vmem>>) target(%dma_start3A_200 : memref<3x4096xf32, #tpu.memory_space<hbm>>) target_semaphore(%run_scoped3A_193 : memref<!tpu.dma_semaphore, #tpu.memory_space<semaphore_mem>>)
      %dma_wait3A = arith.constant 0 : i32
      %dma_wait3A_201 = arith.constant 0 : i32
      %dma_wait3A_202 = tpu.memref_slice %arg5[%select_n3A, %run_scoped3A_90, %add3A_73, %dma_wait3A, %dma_wait3A_201] : memref<8x6x16x3x4096xf32, #tpu.memory_space<hbm>> -> memref<1x1x1x3x4096xf32, #tpu.memory_space<hbm>>
      %dma_wait3A_203 = tpu.memref_squeeze %dma_wait3A_202 : memref<1x1x1x3x4096xf32, #tpu.memory_space<hbm>> -> memref<3x4096xf32, #tpu.memory_space<hbm>>
      %dma_wait3A_204 = arith.constant 0 : i32
      %dma_wait3A_205 = arith.constant 0 : i32
      %dma_wait3A_206 = tpu.memref_slice %arg5[%select_n3A, %run_scoped3A_90, %add3A_73, %dma_wait3A_204, %dma_wait3A_205] : memref<8x6x16x3x4096xf32, #tpu.memory_space<hbm>> -> memref<1x1x1x3x4096xf32, #tpu.memory_space<hbm>>
      %dma_wait3A_207 = tpu.memref_squeeze %dma_wait3A_206 : memref<1x1x1x3x4096xf32, #tpu.memory_space<hbm>> -> memref<3x4096xf32, #tpu.memory_space<hbm>>
      tpu.wait_dma2 semaphore(%run_scoped3A_193 : memref<!tpu.dma_semaphore, #tpu.memory_space<semaphore_mem>>) src(%arg10 : memref<3x4096xf32, #tpu.memory_space<vmem>>) dst(%dma_wait3A_207 : memref<3x4096xf32, #tpu.memory_space<hbm>>)
      tpu.yield
    }) : () -> ()
    %run_scoped3A_91 = arith.constant 1 : i32
    %run_scoped3A_92 = arith.constant 1 : i32
    "tpu.region"() ({
      %run_scoped3A_193 = tpu.sem_alloc : memref<!tpu.dma_semaphore, #tpu.memory_space<semaphore_mem>>
      %dma_start3A = arith.constant 0 : i32
      %dma_start3A_194 = arith.constant 0 : i32
      %dma_start3A_195 = tpu.memref_slice %arg7[%run_scoped3A_91, %dma_start3A, %dma_start3A_194] : memref<3x3x4096xf32, #tpu.memory_space<vmem>> -> memref<1x3x4096xf32, #tpu.memory_space<vmem>>
      %dma_start3A_196 = tpu.memref_squeeze %dma_start3A_195 : memref<1x3x4096xf32, #tpu.memory_space<vmem>> -> memref<3x4096xf32, #tpu.memory_space<vmem>>
      %dma_start3A_197 = arith.constant 0 : i32
      %dma_start3A_198 = arith.constant 0 : i32
      %dma_start3A_199 = tpu.memref_slice %arg5[%select_n3A, %run_scoped3A_92, %add3A_73, %dma_start3A_197, %dma_start3A_198] : memref<8x6x16x3x4096xf32, #tpu.memory_space<hbm>> -> memref<1x1x1x3x4096xf32, #tpu.memory_space<hbm>>
      %dma_start3A_200 = tpu.memref_squeeze %dma_start3A_199 : memref<1x1x1x3x4096xf32, #tpu.memory_space<hbm>> -> memref<3x4096xf32, #tpu.memory_space<hbm>>
      %dma_start3A_201 = arith.constant 0 : i32
      %dma_start3A_202 = arith.constant 0 : i32
      %dma_start3A_203 = tpu.memref_slice %arg5[%select_n3A, %run_scoped3A_92, %add3A_73, %dma_start3A_201, %dma_start3A_202] : memref<8x6x16x3x4096xf32, #tpu.memory_space<hbm>> -> memref<1x1x1x3x4096xf32, #tpu.memory_space<hbm>>
      %dma_start3A_204 = tpu.memref_squeeze %dma_start3A_203 : memref<1x1x1x3x4096xf32, #tpu.memory_space<hbm>> -> memref<3x4096xf32, #tpu.memory_space<hbm>>
      %dma_start3A_205 = arith.constant 0 : i32
      %dma_start3A_206 = arith.constant 0 : i32
      %dma_start3A_207 = tpu.memref_slice %arg7[%run_scoped3A_91, %dma_start3A_205, %dma_start3A_206] : memref<3x3x4096xf32, #tpu.memory_space<vmem>> -> memref<1x3x4096xf32, #tpu.memory_space<vmem>>
      %dma_start3A_208 = tpu.memref_squeeze %dma_start3A_207 : memref<1x3x4096xf32, #tpu.memory_space<vmem>> -> memref<3x4096xf32, #tpu.memory_space<vmem>>
      tpu.enqueue_dma source(%dma_start3A_208 : memref<3x4096xf32, #tpu.memory_space<vmem>>) target(%dma_start3A_204 : memref<3x4096xf32, #tpu.memory_space<hbm>>) target_semaphore(%run_scoped3A_193 : memref<!tpu.dma_semaphore, #tpu.memory_space<semaphore_mem>>)
      %dma_wait3A = arith.constant 0 : i32
      %dma_wait3A_209 = arith.constant 0 : i32
      %dma_wait3A_210 = tpu.memref_slice %arg7[%run_scoped3A_91, %dma_wait3A, %dma_wait3A_209] : memref<3x3x4096xf32, #tpu.memory_space<vmem>> -> memref<1x3x4096xf32, #tpu.memory_space<vmem>>
      %dma_wait3A_211 = tpu.memref_squeeze %dma_wait3A_210 : memref<1x3x4096xf32, #tpu.memory_space<vmem>> -> memref<3x4096xf32, #tpu.memory_space<vmem>>
      %dma_wait3A_212 = arith.constant 0 : i32
      %dma_wait3A_213 = arith.constant 0 : i32
      %dma_wait3A_214 = tpu.memref_slice %arg5[%select_n3A, %run_scoped3A_92, %add3A_73, %dma_wait3A_212, %dma_wait3A_213] : memref<8x6x16x3x4096xf32, #tpu.memory_space<hbm>> -> memref<1x1x1x3x4096xf32, #tpu.memory_space<hbm>>
      %dma_wait3A_215 = tpu.memref_squeeze %dma_wait3A_214 : memref<1x1x1x3x4096xf32, #tpu.memory_space<hbm>> -> memref<3x4096xf32, #tpu.memory_space<hbm>>
      %dma_wait3A_216 = arith.constant 0 : i32
      %dma_wait3A_217 = arith.constant 0 : i32
      %dma_wait3A_218 = tpu.memref_slice %arg5[%select_n3A, %run_scoped3A_92, %add3A_73, %dma_wait3A_216, %dma_wait3A_217] : memref<8x6x16x3x4096xf32, #tpu.memory_space<hbm>> -> memref<1x1x1x3x4096xf32, #tpu.memory_space<hbm>>
      %dma_wait3A_219 = tpu.memref_squeeze %dma_wait3A_218 : memref<1x1x1x3x4096xf32, #tpu.memory_space<hbm>> -> memref<3x4096xf32, #tpu.memory_space<hbm>>
      %dma_wait3A_220 = arith.constant 0 : i32
      %dma_wait3A_221 = arith.constant 0 : i32
      %dma_wait3A_222 = tpu.memref_slice %arg7[%run_scoped3A_91, %dma_wait3A_220, %dma_wait3A_221] : memref<3x3x4096xf32, #tpu.memory_space<vmem>> -> memref<1x3x4096xf32, #tpu.memory_space<vmem>>
      %dma_wait3A_223 = tpu.memref_squeeze %dma_wait3A_222 : memref<1x3x4096xf32, #tpu.memory_space<vmem>> -> memref<3x4096xf32, #tpu.memory_space<vmem>>
      tpu.wait_dma2 semaphore(%run_scoped3A_193 : memref<!tpu.dma_semaphore, #tpu.memory_space<semaphore_mem>>) src(%dma_wait3A_223 : memref<3x4096xf32, #tpu.memory_space<vmem>>) dst(%dma_wait3A_219 : memref<3x4096xf32, #tpu.memory_space<hbm>>)
      tpu.yield
    }) : () -> ()
    %scan3A_93 = arith.constant 0 : i32
    %scan3A_94 = arith.constant 0 : i32
    %scan3A_95 = arith.constant 256 : i32
    %scan3A_96 = arith.addi %scan3A_94, %scan3A_95 : i32
    %scan3A_97 = arith.constant 1 : i32
    %scan3A_98 = scf.for %scan3A_193 = %scan3A_94 to %scan3A_96 step %scan3A_97 iter_args(%scan3A_194 = %scan3A_93) -> (i32)  : i32 {
      %mul3A_195 = arith.constant 16 : i32
      %mul3A_196 = arith.muli %scan3A_193, %mul3A_195 : i32
      %get3A = arith.constant 1 : i32
      %get3A_197 = arith.index_cast %get3A : i32 to index
      %get3A_198 = arith.index_cast %mul3A_196 : i32 to index
      %get3A_199 = tpu.vector_load %arg9[%get3A_197, %get3A_198] {strides = array<i32>} : memref<3x4096xf32, #tpu.memory_space<vmem>>, vector<16xf32>,
      %mul3A_200 = arith.constant 16 : i32
      %mul3A_201 = arith.muli %scan3A_193, %mul3A_200 : i32
      %get3A_202 = arith.constant 1 : i32
      %get3A_203 = arith.constant 0 : i32
      %get3A_204 = arith.index_cast %get3A_202 : i32 to index
      %get3A_205 = arith.index_cast %get3A_203 : i32 to index
      %get3A_206 = arith.index_cast %mul3A_201 : i32 to index
      %get3A_207 = tpu.vector_load %arg7[%get3A_204, %get3A_205, %get3A_206] {strides = array<i32>} : memref<3x3x4096xf32, #tpu.memory_space<vmem>>, vector<16xf32>,
      %sub3A_208 = arith.subf %get3A_199, %get3A_207 : vector<16xf32>
      %mul3A_209 = arith.constant 16 : i32
      %mul3A_210 = arith.muli %scan3A_193, %mul3A_209 : i32
      %swap3A = arith.constant 0 : i32
      %swap3A_211 = arith.index_cast %swap3A : i32 to index
      %swap3A_212 = arith.index_cast %mul3A_210 : i32 to index
      %swap3A_213 = tpu.vector_load %arg10[%swap3A_211, %swap3A_212] {strides = array<i32>} : memref<3x4096xf32, #tpu.memory_space<vmem>>, vector<16xf32>,
      tpu.vector_store %arg10[%swap3A_211, %swap3A_212], %sub3A_208 {strides = array<i32>} : memref<3x4096xf32, #tpu.memory_space<vmem>>, vector<16xf32>,
      %mul3A_214 = arith.constant 16 : i32
      %mul3A_215 = arith.muli %scan3A_193, %mul3A_214 : i32
      %get3A_216 = arith.constant 1 : i32
      %get3A_217 = arith.constant 1 : i32
      %get3A_218 = arith.index_cast %get3A_216 : i32 to index
      %get3A_219 = arith.index_cast %get3A_217 : i32 to index
      %get3A_220 = arith.index_cast %mul3A_215 : i32 to index
      %get3A_221 = tpu.vector_load %arg7[%get3A_218, %get3A_219, %get3A_220] {strides = array<i32>} : memref<3x3x4096xf32, #tpu.memory_space<vmem>>, vector<16xf32>,
      %sub3A_222 = arith.subf %get3A_199, %get3A_221 : vector<16xf32>
      %mul3A_223 = arith.constant 16 : i32
      %mul3A_224 = arith.muli %scan3A_193, %mul3A_223 : i32
      %swap3A_225 = arith.constant 1 : i32
      %swap3A_226 = arith.index_cast %swap3A_225 : i32 to index
      %swap3A_227 = arith.index_cast %mul3A_224 : i32 to index
      %swap3A_228 = tpu.vector_load %arg10[%swap3A_226, %swap3A_227] {strides = array<i32>} : memref<3x4096xf32, #tpu.memory_space<vmem>>, vector<16xf32>,
      tpu.vector_store %arg10[%swap3A_226, %swap3A_227], %sub3A_222 {strides = array<i32>} : memref<3x4096xf32, #tpu.memory_space<vmem>>, vector<16xf32>,
      %mul3A_229 = arith.constant 16 : i32
      %mul3A_230 = arith.muli %scan3A_193, %mul3A_229 : i32
      %get3A_231 = arith.constant 1 : i32
      %get3A_232 = arith.constant 2 : i32
      %get3A_233 = arith.index_cast %get3A_231 : i32 to index
      %get3A_234 = arith.index_cast %get3A_232 : i32 to index
      %get3A_235 = arith.index_cast %mul3A_230 : i32 to index
      %get3A_236 = tpu.vector_load %arg7[%get3A_233, %get3A_234, %get3A_235] {strides = array<i32>} : memref<3x3x4096xf32, #tpu.memory_space<vmem>>, vector<16xf32>,
      %sub3A_237 = arith.subf %get3A_199, %get3A_236 : vector<16xf32>
      %mul3A_238 = arith.constant 16 : i32
      %mul3A_239 = arith.muli %scan3A_193, %mul3A_238 : i32
      %swap3A_240 = arith.constant 2 : i32
      %swap3A_241 = arith.index_cast %swap3A_240 : i32 to index
      %swap3A_242 = arith.index_cast %mul3A_239 : i32 to index
      %swap3A_243 = tpu.vector_load %arg10[%swap3A_241, %swap3A_242] {strides = array<i32>} : memref<3x4096xf32, #tpu.memory_space<vmem>>, vector<16xf32>,
      tpu.vector_store %arg10[%swap3A_241, %swap3A_242], %sub3A_237 {strides = array<i32>} : memref<3x4096xf32, #tpu.memory_space<vmem>>, vector<16xf32>,
      %scan3A_244 = arith.constant 0 : i32
      scf.yield %scan3A_244 : i32
    }
    %scan3A_99 = arith.constant 256 : i32
    %run_scoped3A_100 = arith.constant 4 : i32
    "tpu.region"() ({
      %run_scoped3A_193 = tpu.sem_alloc : memref<!tpu.dma_semaphore, #tpu.memory_space<semaphore_mem>>
      %dma_start3A = arith.constant 0 : i32
      %dma_start3A_194 = arith.constant 0 : i32
      %dma_start3A_195 = tpu.memref_slice %arg5[%select_n3A, %run_scoped3A_100, %add3A_73, %dma_start3A, %dma_start3A_194] : memref<8x6x16x3x4096xf32, #tpu.memory_space<hbm>> -> memref<1x1x1x3x4096xf32, #tpu.memory_space<hbm>>
      %dma_start3A_196 = tpu.memref_squeeze %dma_start3A_195 : memref<1x1x1x3x4096xf32, #tpu.memory_space<hbm>> -> memref<3x4096xf32, #tpu.memory_space<hbm>>
      %dma_start3A_197 = arith.constant 0 : i32
      %dma_start3A_198 = arith.constant 0 : i32
      %dma_start3A_199 = tpu.memref_slice %arg5[%select_n3A, %run_scoped3A_100, %add3A_73, %dma_start3A_197, %dma_start3A_198] : memref<8x6x16x3x4096xf32, #tpu.memory_space<hbm>> -> memref<1x1x1x3x4096xf32, #tpu.memory_space<hbm>>
      %dma_start3A_200 = tpu.memref_squeeze %dma_start3A_199 : memref<1x1x1x3x4096xf32, #tpu.memory_space<hbm>> -> memref<3x4096xf32, #tpu.memory_space<hbm>>
      tpu.enqueue_dma source(%arg10 : memref<3x4096xf32, #tpu.memory_space<vmem>>) target(%dma_start3A_200 : memref<3x4096xf32, #tpu.memory_space<hbm>>) target_semaphore(%run_scoped3A_193 : memref<!tpu.dma_semaphore, #tpu.memory_space<semaphore_mem>>)
      %dma_wait3A = arith.constant 0 : i32
      %dma_wait3A_201 = arith.constant 0 : i32
      %dma_wait3A_202 = tpu.memref_slice %arg5[%select_n3A, %run_scoped3A_100, %add3A_73, %dma_wait3A, %dma_wait3A_201] : memref<8x6x16x3x4096xf32, #tpu.memory_space<hbm>> -> memref<1x1x1x3x4096xf32, #tpu.memory_space<hbm>>
      %dma_wait3A_203 = tpu.memref_squeeze %dma_wait3A_202 : memref<1x1x1x3x4096xf32, #tpu.memory_space<hbm>> -> memref<3x4096xf32, #tpu.memory_space<hbm>>
      %dma_wait3A_204 = arith.constant 0 : i32
      %dma_wait3A_205 = arith.constant 0 : i32
      %dma_wait3A_206 = tpu.memref_slice %arg5[%select_n3A, %run_scoped3A_100, %add3A_73, %dma_wait3A_204, %dma_wait3A_205] : memref<8x6x16x3x4096xf32, #tpu.memory_space<hbm>> -> memref<1x1x1x3x4096xf32, #tpu.memory_space<hbm>>
      %dma_wait3A_207 = tpu.memref_squeeze %dma_wait3A_206 : memref<1x1x1x3x4096xf32, #tpu.memory_space<hbm>> -> memref<3x4096xf32, #tpu.memory_space<hbm>>
      tpu.wait_dma2 semaphore(%run_scoped3A_193 : memref<!tpu.dma_semaphore, #tpu.memory_space<semaphore_mem>>) src(%arg10 : memref<3x4096xf32, #tpu.memory_space<vmem>>) dst(%dma_wait3A_207 : memref<3x4096xf32, #tpu.memory_space<hbm>>)
      tpu.yield
    }) : () -> ()
    %run_scoped3A_101 = arith.constant 2 : i32
    %run_scoped3A_102 = arith.constant 2 : i32
    "tpu.region"() ({
      %run_scoped3A_193 = tpu.sem_alloc : memref<!tpu.dma_semaphore, #tpu.memory_space<semaphore_mem>>
      %dma_start3A = arith.constant 0 : i32
      %dma_start3A_194 = arith.constant 0 : i32
      %dma_start3A_195 = tpu.memref_slice %arg7[%run_scoped3A_101, %dma_start3A, %dma_start3A_194] : memref<3x3x4096xf32, #tpu.memory_space<vmem>> -> memref<1x3x4096xf32, #tpu.memory_space<vmem>>
      %dma_start3A_196 = tpu.memref_squeeze %dma_start3A_195 : memref<1x3x4096xf32, #tpu.memory_space<vmem>> -> memref<3x4096xf32, #tpu.memory_space<vmem>>
      %dma_start3A_197 = arith.constant 0 : i32
      %dma_start3A_198 = arith.constant 0 : i32
      %dma_start3A_199 = tpu.memref_slice %arg5[%select_n3A, %run_scoped3A_102, %add3A_73, %dma_start3A_197, %dma_start3A_198] : memref<8x6x16x3x4096xf32, #tpu.memory_space<hbm>> -> memref<1x1x1x3x4096xf32, #tpu.memory_space<hbm>>
      %dma_start3A_200 = tpu.memref_squeeze %dma_start3A_199 : memref<1x1x1x3x4096xf32, #tpu.memory_space<hbm>> -> memref<3x4096xf32, #tpu.memory_space<hbm>>
      %dma_start3A_201 = arith.constant 0 : i32
      %dma_start3A_202 = arith.constant 0 : i32
      %dma_start3A_203 = tpu.memref_slice %arg5[%select_n3A, %run_scoped3A_102, %add3A_73, %dma_start3A_201, %dma_start3A_202] : memref<8x6x16x3x4096xf32, #tpu.memory_space<hbm>> -> memref<1x1x1x3x4096xf32, #tpu.memory_space<hbm>>
      %dma_start3A_204 = tpu.memref_squeeze %dma_start3A_203 : memref<1x1x1x3x4096xf32, #tpu.memory_space<hbm>> -> memref<3x4096xf32, #tpu.memory_space<hbm>>
      %dma_start3A_205 = arith.constant 0 : i32
      %dma_start3A_206 = arith.constant 0 : i32
      %dma_start3A_207 = tpu.memref_slice %arg7[%run_scoped3A_101, %dma_start3A_205, %dma_start3A_206] : memref<3x3x4096xf32, #tpu.memory_space<vmem>> -> memref<1x3x4096xf32, #tpu.memory_space<vmem>>
      %dma_start3A_208 = tpu.memref_squeeze %dma_start3A_207 : memref<1x3x4096xf32, #tpu.memory_space<vmem>> -> memref<3x4096xf32, #tpu.memory_space<vmem>>
      tpu.enqueue_dma source(%dma_start3A_208 : memref<3x4096xf32, #tpu.memory_space<vmem>>) target(%dma_start3A_204 : memref<3x4096xf32, #tpu.memory_space<hbm>>) target_semaphore(%run_scoped3A_193 : memref<!tpu.dma_semaphore, #tpu.memory_space<semaphore_mem>>)
      %dma_wait3A = arith.constant 0 : i32
      %dma_wait3A_209 = arith.constant 0 : i32
      %dma_wait3A_210 = tpu.memref_slice %arg7[%run_scoped3A_101, %dma_wait3A, %dma_wait3A_209] : memref<3x3x4096xf32, #tpu.memory_space<vmem>> -> memref<1x3x4096xf32, #tpu.memory_space<vmem>>
      %dma_wait3A_211 = tpu.memref_squeeze %dma_wait3A_210 : memref<1x3x4096xf32, #tpu.memory_space<vmem>> -> memref<3x4096xf32, #tpu.memory_space<vmem>>
      %dma_wait3A_212 = arith.constant 0 : i32
      %dma_wait3A_213 = arith.constant 0 : i32
      %dma_wait3A_214 = tpu.memref_slice %arg5[%select_n3A, %run_scoped3A_102, %add3A_73, %dma_wait3A_212, %dma_wait3A_213] : memref<8x6x16x3x4096xf32, #tpu.memory_space<hbm>> -> memref<1x1x1x3x4096xf32, #tpu.memory_space<hbm>>
      %dma_wait3A_215 = tpu.memref_squeeze %dma_wait3A_214 : memref<1x1x1x3x4096xf32, #tpu.memory_space<hbm>> -> memref<3x4096xf32, #tpu.memory_space<hbm>>
      %dma_wait3A_216 = arith.constant 0 : i32
      %dma_wait3A_217 = arith.constant 0 : i32
      %dma_wait3A_218 = tpu.memref_slice %arg5[%select_n3A, %run_scoped3A_102, %add3A_73, %dma_wait3A_216, %dma_wait3A_217] : memref<8x6x16x3x4096xf32, #tpu.memory_space<hbm>> -> memref<1x1x1x3x4096xf32, #tpu.memory_space<hbm>>
      %dma_wait3A_219 = tpu.memref_squeeze %dma_wait3A_218 : memref<1x1x1x3x4096xf32, #tpu.memory_space<hbm>> -> memref<3x4096xf32, #tpu.memory_space<hbm>>
      %dma_wait3A_220 = arith.constant 0 : i32
      %dma_wait3A_221 = arith.constant 0 : i32
      %dma_wait3A_222 = tpu.memref_slice %arg7[%run_scoped3A_101, %dma_wait3A_220, %dma_wait3A_221] : memref<3x3x4096xf32, #tpu.memory_space<vmem>> -> memref<1x3x4096xf32, #tpu.memory_space<vmem>>
      %dma_wait3A_223 = tpu.memref_squeeze %dma_wait3A_222 : memref<1x3x4096xf32, #tpu.memory_space<vmem>> -> memref<3x4096xf32, #tpu.memory_space<vmem>>
      tpu.wait_dma2 semaphore(%run_scoped3A_193 : memref<!tpu.dma_semaphore, #tpu.memory_space<semaphore_mem>>) src(%dma_wait3A_223 : memref<3x4096xf32, #tpu.memory_space<vmem>>) dst(%dma_wait3A_219 : memref<3x4096xf32, #tpu.memory_space<hbm>>)
      tpu.yield
    }) : () -> ()
    %scan3A_103 = arith.constant 0 : i32
    %scan3A_104 = arith.constant 0 : i32
    %scan3A_105 = arith.constant 256 : i32
    %scan3A_106 = arith.addi %scan3A_104, %scan3A_105 : i32
    %scan3A_107 = arith.constant 1 : i32
    %scan3A_108 = scf.for %scan3A_193 = %scan3A_104 to %scan3A_106 step %scan3A_107 iter_args(%scan3A_194 = %scan3A_103) -> (i32)  : i32 {
      %mul3A_195 = arith.constant 16 : i32
      %mul3A_196 = arith.muli %scan3A_193, %mul3A_195 : i32
      %get3A = arith.constant 2 : i32
      %get3A_197 = arith.index_cast %get3A : i32 to index
      %get3A_198 = arith.index_cast %mul3A_196 : i32 to index
      %get3A_199 = tpu.vector_load %arg9[%get3A_197, %get3A_198] {strides = array<i32>} : memref<3x4096xf32, #tpu.memory_space<vmem>>, vector<16xf32>,
      %mul3A_200 = arith.constant 16 : i32
      %mul3A_201 = arith.muli %scan3A_193, %mul3A_200 : i32
      %get3A_202 = arith.constant 2 : i32
      %get3A_203 = arith.constant 0 : i32
      %get3A_204 = arith.index_cast %get3A_202 : i32 to index
      %get3A_205 = arith.index_cast %get3A_203 : i32 to index
      %get3A_206 = arith.index_cast %mul3A_201 : i32 to index
      %get3A_207 = tpu.vector_load %arg7[%get3A_204, %get3A_205, %get3A_206] {strides = array<i32>} : memref<3x3x4096xf32, #tpu.memory_space<vmem>>, vector<16xf32>,
      %sub3A_208 = arith.subf %get3A_199, %get3A_207 : vector<16xf32>
      %mul3A_209 = arith.constant 16 : i32
      %mul3A_210 = arith.muli %scan3A_193, %mul3A_209 : i32
      %swap3A = arith.constant 0 : i32
      %swap3A_211 = arith.index_cast %swap3A : i32 to index
      %swap3A_212 = arith.index_cast %mul3A_210 : i32 to index
      %swap3A_213 = tpu.vector_load %arg10[%swap3A_211, %swap3A_212] {strides = array<i32>} : memref<3x4096xf32, #tpu.memory_space<vmem>>, vector<16xf32>,
      tpu.vector_store %arg10[%swap3A_211, %swap3A_212], %sub3A_208 {strides = array<i32>} : memref<3x4096xf32, #tpu.memory_space<vmem>>, vector<16xf32>,
      %mul3A_214 = arith.constant 16 : i32
      %mul3A_215 = arith.muli %scan3A_193, %mul3A_214 : i32
      %get3A_216 = arith.constant 2 : i32
      %get3A_217 = arith.constant 1 : i32
      %get3A_218 = arith.index_cast %get3A_216 : i32 to index
      %get3A_219 = arith.index_cast %get3A_217 : i32 to index
      %get3A_220 = arith.index_cast %mul3A_215 : i32 to index
      %get3A_221 = tpu.vector_load %arg7[%get3A_218, %get3A_219, %get3A_220] {strides = array<i32>} : memref<3x3x4096xf32, #tpu.memory_space<vmem>>, vector<16xf32>,
      %sub3A_222 = arith.subf %get3A_199, %get3A_221 : vector<16xf32>
      %mul3A_223 = arith.constant 16 : i32
      %mul3A_224 = arith.muli %scan3A_193, %mul3A_223 : i32
      %swap3A_225 = arith.constant 1 : i32
      %swap3A_226 = arith.index_cast %swap3A_225 : i32 to index
      %swap3A_227 = arith.index_cast %mul3A_224 : i32 to index
      %swap3A_228 = tpu.vector_load %arg10[%swap3A_226, %swap3A_227] {strides = array<i32>} : memref<3x4096xf32, #tpu.memory_space<vmem>>, vector<16xf32>,
      tpu.vector_store %arg10[%swap3A_226, %swap3A_227], %sub3A_222 {strides = array<i32>} : memref<3x4096xf32, #tpu.memory_space<vmem>>, vector<16xf32>,
      %mul3A_229 = arith.constant 16 : i32
      %mul3A_230 = arith.muli %scan3A_193, %mul3A_229 : i32
      %get3A_231 = arith.constant 2 : i32
      %get3A_232 = arith.constant 2 : i32
      %get3A_233 = arith.index_cast %get3A_231 : i32 to index
      %get3A_234 = arith.index_cast %get3A_232 : i32 to index
      %get3A_235 = arith.index_cast %mul3A_230 : i32 to index
      %get3A_236 = tpu.vector_load %arg7[%get3A_233, %get3A_234, %get3A_235] {strides = array<i32>} : memref<3x3x4096xf32, #tpu.memory_space<vmem>>, vector<16xf32>,
      %sub3A_237 = arith.subf %get3A_199, %get3A_236 : vector<16xf32>
      %mul3A_238 = arith.constant 16 : i32
      %mul3A_239 = arith.muli %scan3A_193, %mul3A_238 : i32
      %swap3A_240 = arith.constant 2 : i32
      %swap3A_241 = arith.index_cast %swap3A_240 : i32 to index
      %swap3A_242 = arith.index_cast %mul3A_239 : i32 to index
      %swap3A_243 = tpu.vector_load %arg10[%swap3A_241, %swap3A_242] {strides = array<i32>} : memref<3x4096xf32, #tpu.memory_space<vmem>>, vector<16xf32>,
      tpu.vector_store %arg10[%swap3A_241, %swap3A_242], %sub3A_237 {strides = array<i32>} : memref<3x4096xf32, #tpu.memory_space<vmem>>, vector<16xf32>,
      %scan3A_244 = arith.constant 0 : i32
      scf.yield %scan3A_244 : i32
    }
    %scan3A_109 = arith.constant 256 : i32
    %run_scoped3A_110 = arith.constant 5 : i32
    "tpu.region"() ({
      %run_scoped3A_193 = tpu.sem_alloc : memref<!tpu.dma_semaphore, #tpu.memory_space<semaphore_mem>>
      %dma_start3A = arith.constant 0 : i32
      %dma_start3A_194 = arith.constant 0 : i32
      %dma_start3A_195 = tpu.memref_slice %arg5[%select_n3A, %run_scoped3A_110, %add3A_73, %dma_start3A, %dma_start3A_194] : memref<8x6x16x3x4096xf32, #tpu.memory_space<hbm>> -> memref<1x1x1x3x4096xf32, #tpu.memory_space<hbm>>
      %dma_start3A_196 = tpu.memref_squeeze %dma_start3A_195 : memref<1x1x1x3x4096xf32, #tpu.memory_space<hbm>> -> memref<3x4096xf32, #tpu.memory_space<hbm>>
      %dma_start3A_197 = arith.constant 0 : i32
      %dma_start3A_198 = arith.constant 0 : i32
      %dma_start3A_199 = tpu.memref_slice %arg5[%select_n3A, %run_scoped3A_110, %add3A_73, %dma_start3A_197, %dma_start3A_198] : memref<8x6x16x3x4096xf32, #tpu.memory_space<hbm>> -> memref<1x1x1x3x4096xf32, #tpu.memory_space<hbm>>
      %dma_start3A_200 = tpu.memref_squeeze %dma_start3A_199 : memref<1x1x1x3x4096xf32, #tpu.memory_space<hbm>> -> memref<3x4096xf32, #tpu.memory_space<hbm>>
      tpu.enqueue_dma source(%arg10 : memref<3x4096xf32, #tpu.memory_space<vmem>>) target(%dma_start3A_200 : memref<3x4096xf32, #tpu.memory_space<hbm>>) target_semaphore(%run_scoped3A_193 : memref<!tpu.dma_semaphore, #tpu.memory_space<semaphore_mem>>)
      %dma_wait3A = arith.constant 0 : i32
      %dma_wait3A_201 = arith.constant 0 : i32
      %dma_wait3A_202 = tpu.memref_slice %arg5[%select_n3A, %run_scoped3A_110, %add3A_73, %dma_wait3A, %dma_wait3A_201] : memref<8x6x16x3x4096xf32, #tpu.memory_space<hbm>> -> memref<1x1x1x3x4096xf32, #tpu.memory_space<hbm>>
      %dma_wait3A_203 = tpu.memref_squeeze %dma_wait3A_202 : memref<1x1x1x3x4096xf32, #tpu.memory_space<hbm>> -> memref<3x4096xf32, #tpu.memory_space<hbm>>
      %dma_wait3A_204 = arith.constant 0 : i32
      %dma_wait3A_205 = arith.constant 0 : i32
      %dma_wait3A_206 = tpu.memref_slice %arg5[%select_n3A, %run_scoped3A_110, %add3A_73, %dma_wait3A_204, %dma_wait3A_205] : memref<8x6x16x3x4096xf32, #tpu.memory_space<hbm>> -> memref<1x1x1x3x4096xf32, #tpu.memory_space<hbm>>
      %dma_wait3A_207 = tpu.memref_squeeze %dma_wait3A_206 : memref<1x1x1x3x4096xf32, #tpu.memory_space<hbm>> -> memref<3x4096xf32, #tpu.memory_space<hbm>>
      tpu.wait_dma2 semaphore(%run_scoped3A_193 : memref<!tpu.dma_semaphore, #tpu.memory_space<semaphore_mem>>) src(%arg10 : memref<3x4096xf32, #tpu.memory_space<vmem>>) dst(%dma_wait3A_207 : memref<3x4096xf32, #tpu.memory_space<hbm>>)
      tpu.yield
    }) : () -> ()
    %mul3A_111 = arith.constant 4 : i32
    %mul3A_112 = arith.muli %select_n3A_30, %mul3A_111 : i32
    %add3A_113 = arith.constant 2 : i32
    %add3A_114 = arith.addi %mul3A_112, %add3A_113 : i32
    "tpu.region"() ({
      %run_scoped3A_193 = tpu.sem_alloc : memref<!tpu.dma_semaphore, #tpu.memory_space<semaphore_mem>>
      %dma_start3A = arith.constant 0 : i32
      %dma_start3A_194 = tpu.memref_slice %arg4[%select_n3A, %add3A_114, %dma_start3A] : memref<8x16x4096xi32, #tpu.memory_space<hbm>> -> memref<1x1x4096xi32, #tpu.memory_space<hbm>>
      %dma_start3A_195 = tpu.memref_squeeze %dma_start3A_194 : memref<1x1x4096xi32, #tpu.memory_space<hbm>> -> memref<4096xi32, #tpu.memory_space<hbm>>
      %dma_start3A_196 = arith.constant 0 : i32
      %dma_start3A_197 = tpu.memref_slice %arg4[%select_n3A, %add3A_114, %dma_start3A_196] : memref<8x16x4096xi32, #tpu.memory_space<hbm>> -> memref<1x1x4096xi32, #tpu.memory_space<hbm>>
      %dma_start3A_198 = tpu.memref_squeeze %dma_start3A_197 : memref<1x1x4096xi32, #tpu.memory_space<hbm>> -> memref<4096xi32, #tpu.memory_space<hbm>>
      tpu.enqueue_dma source(%dma_start3A_198 : memref<4096xi32, #tpu.memory_space<hbm>>) target(%arg8 : memref<4096xi32, #tpu.memory_space<vmem>>) target_semaphore(%run_scoped3A_193 : memref<!tpu.dma_semaphore, #tpu.memory_space<semaphore_mem>>)
      %dma_wait3A = arith.constant 0 : i32
      %dma_wait3A_199 = tpu.memref_slice %arg4[%select_n3A, %add3A_114, %dma_wait3A] : memref<8x16x4096xi32, #tpu.memory_space<hbm>> -> memref<1x1x4096xi32, #tpu.memory_space<hbm>>
      %dma_wait3A_200 = tpu.memref_squeeze %dma_wait3A_199 : memref<1x1x4096xi32, #tpu.memory_space<hbm>> -> memref<4096xi32, #tpu.memory_space<hbm>>
      %dma_wait3A_201 = arith.constant 0 : i32
      %dma_wait3A_202 = tpu.memref_slice %arg4[%select_n3A, %add3A_114, %dma_wait3A_201] : memref<8x16x4096xi32, #tpu.memory_space<hbm>> -> memref<1x1x4096xi32, #tpu.memory_space<hbm>>
      %dma_wait3A_203 = tpu.memref_squeeze %dma_wait3A_202 : memref<1x1x4096xi32, #tpu.memory_space<hbm>> -> memref<4096xi32, #tpu.memory_space<hbm>>
      tpu.wait_dma2 semaphore(%run_scoped3A_193 : memref<!tpu.dma_semaphore, #tpu.memory_space<semaphore_mem>>) src(%dma_wait3A_203 : memref<4096xi32, #tpu.memory_space<hbm>>) dst(%arg8 : memref<4096xi32, #tpu.memory_space<vmem>>)
      tpu.yield
    }) : () -> ()
    %scan3A_115 = arith.constant 0 : i32
    %scan3A_116 = arith.constant 0 : i32
    %scan3A_117 = arith.constant 256 : i32
    %scan3A_118 = arith.addi %scan3A_116, %scan3A_117 : i32
    %scan3A_119 = arith.constant 1 : i32
    %scan3A_120 = scf.for %scan3A_193 = %scan3A_116 to %scan3A_118 step %scan3A_119 iter_args(%scan3A_194 = %scan3A_115) -> (i32)  : i32 {
      %mul3A_195 = arith.constant 16 : i32
      %mul3A_196 = arith.muli %scan3A_193, %mul3A_195 : i32
      %get3A = arith.index_cast %mul3A_196 : i32 to index
      %get3A_197 = tpu.vector_load %arg8[%get3A] {strides = array<i32>} : memref<4096xi32, #tpu.memory_space<vmem>>, vector<16xi32>,
      %add3A_198 = arith.constant 0 : i32
      %add3A_199 = vector.broadcast %add3A_198 : i32 to vector<16xi32>
      %add3A_200 = arith.addi %get3A_197, %add3A_199 : vector<16xi32>
      %gather3A = tpu.vector_load_idx %arg6[%add3A_200] : memref<12288xf32, #tpu.memory_space<vmem>>[vector<16xi32>], vector<16xf32>,
      %mul3A_201 = arith.constant 16 : i32
      %mul3A_202 = arith.muli %scan3A_193, %mul3A_201 : i32
      %swap3A = arith.constant 0 : i32
      %swap3A_203 = arith.index_cast %swap3A : i32 to index
      %swap3A_204 = arith.index_cast %mul3A_202 : i32 to index
      %swap3A_205 = tpu.vector_load %arg9[%swap3A_203, %swap3A_204] {strides = array<i32>} : memref<3x4096xf32, #tpu.memory_space<vmem>>, vector<16xf32>,
      tpu.vector_store %arg9[%swap3A_203, %swap3A_204], %gather3A {strides = array<i32>} : memref<3x4096xf32, #tpu.memory_space<vmem>>, vector<16xf32>,
      %add3A_206 = arith.constant 4096 : i32
      %add3A_207 = vector.broadcast %add3A_206 : i32 to vector<16xi32>
      %add3A_208 = arith.addi %get3A_197, %add3A_207 : vector<16xi32>
      %gather3A_209 = tpu.vector_load_idx %arg6[%add3A_208] : memref<12288xf32, #tpu.memory_space<vmem>>[vector<16xi32>], vector<16xf32>,
      %mul3A_210 = arith.constant 16 : i32
      %mul3A_211 = arith.muli %scan3A_193, %mul3A_210 : i32
      %swap3A_212 = arith.constant 1 : i32
      %swap3A_213 = arith.index_cast %swap3A_212 : i32 to index
      %swap3A_214 = arith.index_cast %mul3A_211 : i32 to index
      %swap3A_215 = tpu.vector_load %arg9[%swap3A_213, %swap3A_214] {strides = array<i32>} : memref<3x4096xf32, #tpu.memory_space<vmem>>, vector<16xf32>,
      tpu.vector_store %arg9[%swap3A_213, %swap3A_214], %gather3A_209 {strides = array<i32>} : memref<3x4096xf32, #tpu.memory_space<vmem>>, vector<16xf32>,
      %add3A_216 = arith.constant 8192 : i32
      %add3A_217 = vector.broadcast %add3A_216 : i32 to vector<16xi32>
      %add3A_218 = arith.addi %get3A_197, %add3A_217 : vector<16xi32>
      %gather3A_219 = tpu.vector_load_idx %arg6[%add3A_218] : memref<12288xf32, #tpu.memory_space<vmem>>[vector<16xi32>], vector<16xf32>,
      %mul3A_220 = arith.constant 16 : i32
      %mul3A_221 = arith.muli %scan3A_193, %mul3A_220 : i32
      %swap3A_222 = arith.constant 2 : i32
      %swap3A_223 = arith.index_cast %swap3A_222 : i32 to index
      %swap3A_224 = arith.index_cast %mul3A_221 : i32 to index
      %swap3A_225 = tpu.vector_load %arg9[%swap3A_223, %swap3A_224] {strides = array<i32>} : memref<3x4096xf32, #tpu.memory_space<vmem>>, vector<16xf32>,
      tpu.vector_store %arg9[%swap3A_223, %swap3A_224], %gather3A_219 {strides = array<i32>} : memref<3x4096xf32, #tpu.memory_space<vmem>>, vector<16xf32>,
      %scan3A_226 = arith.constant 0 : i32
      scf.yield %scan3A_226 : i32
    }
    %scan3A_121 = arith.constant 256 : i32
    %run_scoped3A_122 = arith.constant 0 : i32
    %run_scoped3A_123 = arith.constant 0 : i32
    "tpu.region"() ({
      %run_scoped3A_193 = tpu.sem_alloc : memref<!tpu.dma_semaphore, #tpu.memory_space<semaphore_mem>>
      %dma_start3A = arith.constant 0 : i32
      %dma_start3A_194 = arith.constant 0 : i32
      %dma_start3A_195 = tpu.memref_slice %arg7[%run_scoped3A_122, %dma_start3A, %dma_start3A_194] : memref<3x3x4096xf32, #tpu.memory_space<vmem>> -> memref<1x3x4096xf32, #tpu.memory_space<vmem>>
      %dma_start3A_196 = tpu.memref_squeeze %dma_start3A_195 : memref<1x3x4096xf32, #tpu.memory_space<vmem>> -> memref<3x4096xf32, #tpu.memory_space<vmem>>
      %dma_start3A_197 = arith.constant 0 : i32
      %dma_start3A_198 = arith.constant 0 : i32
      %dma_start3A_199 = tpu.memref_slice %arg5[%select_n3A, %run_scoped3A_123, %add3A_114, %dma_start3A_197, %dma_start3A_198] : memref<8x6x16x3x4096xf32, #tpu.memory_space<hbm>> -> memref<1x1x1x3x4096xf32, #tpu.memory_space<hbm>>
      %dma_start3A_200 = tpu.memref_squeeze %dma_start3A_199 : memref<1x1x1x3x4096xf32, #tpu.memory_space<hbm>> -> memref<3x4096xf32, #tpu.memory_space<hbm>>
      %dma_start3A_201 = arith.constant 0 : i32
      %dma_start3A_202 = arith.constant 0 : i32
      %dma_start3A_203 = tpu.memref_slice %arg5[%select_n3A, %run_scoped3A_123, %add3A_114, %dma_start3A_201, %dma_start3A_202] : memref<8x6x16x3x4096xf32, #tpu.memory_space<hbm>> -> memref<1x1x1x3x4096xf32, #tpu.memory_space<hbm>>
      %dma_start3A_204 = tpu.memref_squeeze %dma_start3A_203 : memref<1x1x1x3x4096xf32, #tpu.memory_space<hbm>> -> memref<3x4096xf32, #tpu.memory_space<hbm>>
      %dma_start3A_205 = arith.constant 0 : i32
      %dma_start3A_206 = arith.constant 0 : i32
      %dma_start3A_207 = tpu.memref_slice %arg7[%run_scoped3A_122, %dma_start3A_205, %dma_start3A_206] : memref<3x3x4096xf32, #tpu.memory_space<vmem>> -> memref<1x3x4096xf32, #tpu.memory_space<vmem>>
      %dma_start3A_208 = tpu.memref_squeeze %dma_start3A_207 : memref<1x3x4096xf32, #tpu.memory_space<vmem>> -> memref<3x4096xf32, #tpu.memory_space<vmem>>
      tpu.enqueue_dma source(%dma_start3A_208 : memref<3x4096xf32, #tpu.memory_space<vmem>>) target(%dma_start3A_204 : memref<3x4096xf32, #tpu.memory_space<hbm>>) target_semaphore(%run_scoped3A_193 : memref<!tpu.dma_semaphore, #tpu.memory_space<semaphore_mem>>)
      %dma_wait3A = arith.constant 0 : i32
      %dma_wait3A_209 = arith.constant 0 : i32
      %dma_wait3A_210 = tpu.memref_slice %arg7[%run_scoped3A_122, %dma_wait3A, %dma_wait3A_209] : memref<3x3x4096xf32, #tpu.memory_space<vmem>> -> memref<1x3x4096xf32, #tpu.memory_space<vmem>>
      %dma_wait3A_211 = tpu.memref_squeeze %dma_wait3A_210 : memref<1x3x4096xf32, #tpu.memory_space<vmem>> -> memref<3x4096xf32, #tpu.memory_space<vmem>>
      %dma_wait3A_212 = arith.constant 0 : i32
      %dma_wait3A_213 = arith.constant 0 : i32
      %dma_wait3A_214 = tpu.memref_slice %arg5[%select_n3A, %run_scoped3A_123, %add3A_114, %dma_wait3A_212, %dma_wait3A_213] : memref<8x6x16x3x4096xf32, #tpu.memory_space<hbm>> -> memref<1x1x1x3x4096xf32, #tpu.memory_space<hbm>>
      %dma_wait3A_215 = tpu.memref_squeeze %dma_wait3A_214 : memref<1x1x1x3x4096xf32, #tpu.memory_space<hbm>> -> memref<3x4096xf32, #tpu.memory_space<hbm>>
      %dma_wait3A_216 = arith.constant 0 : i32
      %dma_wait3A_217 = arith.constant 0 : i32
      %dma_wait3A_218 = tpu.memref_slice %arg5[%select_n3A, %run_scoped3A_123, %add3A_114, %dma_wait3A_216, %dma_wait3A_217] : memref<8x6x16x3x4096xf32, #tpu.memory_space<hbm>> -> memref<1x1x1x3x4096xf32, #tpu.memory_space<hbm>>
      %dma_wait3A_219 = tpu.memref_squeeze %dma_wait3A_218 : memref<1x1x1x3x4096xf32, #tpu.memory_space<hbm>> -> memref<3x4096xf32, #tpu.memory_space<hbm>>
      %dma_wait3A_220 = arith.constant 0 : i32
      %dma_wait3A_221 = arith.constant 0 : i32
      %dma_wait3A_222 = tpu.memref_slice %arg7[%run_scoped3A_122, %dma_wait3A_220, %dma_wait3A_221] : memref<3x3x4096xf32, #tpu.memory_space<vmem>> -> memref<1x3x4096xf32, #tpu.memory_space<vmem>>
      %dma_wait3A_223 = tpu.memref_squeeze %dma_wait3A_222 : memref<1x3x4096xf32, #tpu.memory_space<vmem>> -> memref<3x4096xf32, #tpu.memory_space<vmem>>
      tpu.wait_dma2 semaphore(%run_scoped3A_193 : memref<!tpu.dma_semaphore, #tpu.memory_space<semaphore_mem>>) src(%dma_wait3A_223 : memref<3x4096xf32, #tpu.memory_space<vmem>>) dst(%dma_wait3A_219 : memref<3x4096xf32, #tpu.memory_space<hbm>>)
      tpu.yield
    }) : () -> ()
    %scan3A_124 = arith.constant 0 : i32
    %scan3A_125 = arith.constant 0 : i32
    %scan3A_126 = arith.constant 256 : i32
    %scan3A_127 = arith.addi %scan3A_125, %scan3A_126 : i32
    %scan3A_128 = arith.constant 1 : i32
    %scan3A_129 = scf.for %scan3A_193 = %scan3A_125 to %scan3A_127 step %scan3A_128 iter_args(%scan3A_194 = %scan3A_124) -> (i32)  : i32 {
      %mul3A_195 = arith.constant 16 : i32
      %mul3A_196 = arith.muli %scan3A_193, %mul3A_195 : i32
      %get3A = arith.constant 0 : i32
      %get3A_197 = arith.index_cast %get3A : i32 to index
      %get3A_198 = arith.index_cast %mul3A_196 : i32 to index
      %get3A_199 = tpu.vector_load %arg9[%get3A_197, %get3A_198] {strides = array<i32>} : memref<3x4096xf32, #tpu.memory_space<vmem>>, vector<16xf32>,
      %mul3A_200 = arith.constant 16 : i32
      %mul3A_201 = arith.muli %scan3A_193, %mul3A_200 : i32
      %get3A_202 = arith.constant 0 : i32
      %get3A_203 = arith.constant 0 : i32
      %get3A_204 = arith.index_cast %get3A_202 : i32 to index
      %get3A_205 = arith.index_cast %get3A_203 : i32 to index
      %get3A_206 = arith.index_cast %mul3A_201 : i32 to index
      %get3A_207 = tpu.vector_load %arg7[%get3A_204, %get3A_205, %get3A_206] {strides = array<i32>} : memref<3x3x4096xf32, #tpu.memory_space<vmem>>, vector<16xf32>,
      %sub3A_208 = arith.subf %get3A_199, %get3A_207 : vector<16xf32>
      %mul3A_209 = arith.constant 16 : i32
      %mul3A_210 = arith.muli %scan3A_193, %mul3A_209 : i32
      %swap3A = arith.constant 0 : i32
      %swap3A_211 = arith.index_cast %swap3A : i32 to index
      %swap3A_212 = arith.index_cast %mul3A_210 : i32 to index
      %swap3A_213 = tpu.vector_load %arg10[%swap3A_211, %swap3A_212] {strides = array<i32>} : memref<3x4096xf32, #tpu.memory_space<vmem>>, vector<16xf32>,
      tpu.vector_store %arg10[%swap3A_211, %swap3A_212], %sub3A_208 {strides = array<i32>} : memref<3x4096xf32, #tpu.memory_space<vmem>>, vector<16xf32>,
      %mul3A_214 = arith.constant 16 : i32
      %mul3A_215 = arith.muli %scan3A_193, %mul3A_214 : i32
      %get3A_216 = arith.constant 0 : i32
      %get3A_217 = arith.constant 1 : i32
      %get3A_218 = arith.index_cast %get3A_216 : i32 to index
      %get3A_219 = arith.index_cast %get3A_217 : i32 to index
      %get3A_220 = arith.index_cast %mul3A_215 : i32 to index
      %get3A_221 = tpu.vector_load %arg7[%get3A_218, %get3A_219, %get3A_220] {strides = array<i32>} : memref<3x3x4096xf32, #tpu.memory_space<vmem>>, vector<16xf32>,
      %sub3A_222 = arith.subf %get3A_199, %get3A_221 : vector<16xf32>
      %mul3A_223 = arith.constant 16 : i32
      %mul3A_224 = arith.muli %scan3A_193, %mul3A_223 : i32
      %swap3A_225 = arith.constant 1 : i32
      %swap3A_226 = arith.index_cast %swap3A_225 : i32 to index
      %swap3A_227 = arith.index_cast %mul3A_224 : i32 to index
      %swap3A_228 = tpu.vector_load %arg10[%swap3A_226, %swap3A_227] {strides = array<i32>} : memref<3x4096xf32, #tpu.memory_space<vmem>>, vector<16xf32>,
      tpu.vector_store %arg10[%swap3A_226, %swap3A_227], %sub3A_222 {strides = array<i32>} : memref<3x4096xf32, #tpu.memory_space<vmem>>, vector<16xf32>,
      %mul3A_229 = arith.constant 16 : i32
      %mul3A_230 = arith.muli %scan3A_193, %mul3A_229 : i32
      %get3A_231 = arith.constant 0 : i32
      %get3A_232 = arith.constant 2 : i32
      %get3A_233 = arith.index_cast %get3A_231 : i32 to index
      %get3A_234 = arith.index_cast %get3A_232 : i32 to index
      %get3A_235 = arith.index_cast %mul3A_230 : i32 to index
      %get3A_236 = tpu.vector_load %arg7[%get3A_233, %get3A_234, %get3A_235] {strides = array<i32>} : memref<3x3x4096xf32, #tpu.memory_space<vmem>>, vector<16xf32>,
      %sub3A_237 = arith.subf %get3A_199, %get3A_236 : vector<16xf32>
      %mul3A_238 = arith.constant 16 : i32
      %mul3A_239 = arith.muli %scan3A_193, %mul3A_238 : i32
      %swap3A_240 = arith.constant 2 : i32
      %swap3A_241 = arith.index_cast %swap3A_240 : i32 to index
      %swap3A_242 = arith.index_cast %mul3A_239 : i32 to index
      %swap3A_243 = tpu.vector_load %arg10[%swap3A_241, %swap3A_242] {strides = array<i32>} : memref<3x4096xf32, #tpu.memory_space<vmem>>, vector<16xf32>,
      tpu.vector_store %arg10[%swap3A_241, %swap3A_242], %sub3A_237 {strides = array<i32>} : memref<3x4096xf32, #tpu.memory_space<vmem>>, vector<16xf32>,
      %scan3A_244 = arith.constant 0 : i32
      scf.yield %scan3A_244 : i32
    }
    %scan3A_130 = arith.constant 256 : i32
    %run_scoped3A_131 = arith.constant 3 : i32
    "tpu.region"() ({
      %run_scoped3A_193 = tpu.sem_alloc : memref<!tpu.dma_semaphore, #tpu.memory_space<semaphore_mem>>
      %dma_start3A = arith.constant 0 : i32
      %dma_start3A_194 = arith.constant 0 : i32
      %dma_start3A_195 = tpu.memref_slice %arg5[%select_n3A, %run_scoped3A_131, %add3A_114, %dma_start3A, %dma_start3A_194] : memref<8x6x16x3x4096xf32, #tpu.memory_space<hbm>> -> memref<1x1x1x3x4096xf32, #tpu.memory_space<hbm>>
      %dma_start3A_196 = tpu.memref_squeeze %dma_start3A_195 : memref<1x1x1x3x4096xf32, #tpu.memory_space<hbm>> -> memref<3x4096xf32, #tpu.memory_space<hbm>>
      %dma_start3A_197 = arith.constant 0 : i32
      %dma_start3A_198 = arith.constant 0 : i32
      %dma_start3A_199 = tpu.memref_slice %arg5[%select_n3A, %run_scoped3A_131, %add3A_114, %dma_start3A_197, %dma_start3A_198] : memref<8x6x16x3x4096xf32, #tpu.memory_space<hbm>> -> memref<1x1x1x3x4096xf32, #tpu.memory_space<hbm>>
      %dma_start3A_200 = tpu.memref_squeeze %dma_start3A_199 : memref<1x1x1x3x4096xf32, #tpu.memory_space<hbm>> -> memref<3x4096xf32, #tpu.memory_space<hbm>>
      tpu.enqueue_dma source(%arg10 : memref<3x4096xf32, #tpu.memory_space<vmem>>) target(%dma_start3A_200 : memref<3x4096xf32, #tpu.memory_space<hbm>>) target_semaphore(%run_scoped3A_193 : memref<!tpu.dma_semaphore, #tpu.memory_space<semaphore_mem>>)
      %dma_wait3A = arith.constant 0 : i32
      %dma_wait3A_201 = arith.constant 0 : i32
      %dma_wait3A_202 = tpu.memref_slice %arg5[%select_n3A, %run_scoped3A_131, %add3A_114, %dma_wait3A, %dma_wait3A_201] : memref<8x6x16x3x4096xf32, #tpu.memory_space<hbm>> -> memref<1x1x1x3x4096xf32, #tpu.memory_space<hbm>>
      %dma_wait3A_203 = tpu.memref_squeeze %dma_wait3A_202 : memref<1x1x1x3x4096xf32, #tpu.memory_space<hbm>> -> memref<3x4096xf32, #tpu.memory_space<hbm>>
      %dma_wait3A_204 = arith.constant 0 : i32
      %dma_wait3A_205 = arith.constant 0 : i32
      %dma_wait3A_206 = tpu.memref_slice %arg5[%select_n3A, %run_scoped3A_131, %add3A_114, %dma_wait3A_204, %dma_wait3A_205] : memref<8x6x16x3x4096xf32, #tpu.memory_space<hbm>> -> memref<1x1x1x3x4096xf32, #tpu.memory_space<hbm>>
      %dma_wait3A_207 = tpu.memref_squeeze %dma_wait3A_206 : memref<1x1x1x3x4096xf32, #tpu.memory_space<hbm>> -> memref<3x4096xf32, #tpu.memory_space<hbm>>
      tpu.wait_dma2 semaphore(%run_scoped3A_193 : memref<!tpu.dma_semaphore, #tpu.memory_space<semaphore_mem>>) src(%arg10 : memref<3x4096xf32, #tpu.memory_space<vmem>>) dst(%dma_wait3A_207 : memref<3x4096xf32, #tpu.memory_space<hbm>>)
      tpu.yield
    }) : () -> ()
    %run_scoped3A_132 = arith.constant 1 : i32
    %run_scoped3A_133 = arith.constant 1 : i32
    "tpu.region"() ({
      %run_scoped3A_193 = tpu.sem_alloc : memref<!tpu.dma_semaphore, #tpu.memory_space<semaphore_mem>>
      %dma_start3A = arith.constant 0 : i32
      %dma_start3A_194 = arith.constant 0 : i32
      %dma_start3A_195 = tpu.memref_slice %arg7[%run_scoped3A_132, %dma_start3A, %dma_start3A_194] : memref<3x3x4096xf32, #tpu.memory_space<vmem>> -> memref<1x3x4096xf32, #tpu.memory_space<vmem>>
      %dma_start3A_196 = tpu.memref_squeeze %dma_start3A_195 : memref<1x3x4096xf32, #tpu.memory_space<vmem>> -> memref<3x4096xf32, #tpu.memory_space<vmem>>
      %dma_start3A_197 = arith.constant 0 : i32
      %dma_start3A_198 = arith.constant 0 : i32
      %dma_start3A_199 = tpu.memref_slice %arg5[%select_n3A, %run_scoped3A_133, %add3A_114, %dma_start3A_197, %dma_start3A_198] : memref<8x6x16x3x4096xf32, #tpu.memory_space<hbm>> -> memref<1x1x1x3x4096xf32, #tpu.memory_space<hbm>>
      %dma_start3A_200 = tpu.memref_squeeze %dma_start3A_199 : memref<1x1x1x3x4096xf32, #tpu.memory_space<hbm>> -> memref<3x4096xf32, #tpu.memory_space<hbm>>
      %dma_start3A_201 = arith.constant 0 : i32
      %dma_start3A_202 = arith.constant 0 : i32
      %dma_start3A_203 = tpu.memref_slice %arg5[%select_n3A, %run_scoped3A_133, %add3A_114, %dma_start3A_201, %dma_start3A_202] : memref<8x6x16x3x4096xf32, #tpu.memory_space<hbm>> -> memref<1x1x1x3x4096xf32, #tpu.memory_space<hbm>>
      %dma_start3A_204 = tpu.memref_squeeze %dma_start3A_203 : memref<1x1x1x3x4096xf32, #tpu.memory_space<hbm>> -> memref<3x4096xf32, #tpu.memory_space<hbm>>
      %dma_start3A_205 = arith.constant 0 : i32
      %dma_start3A_206 = arith.constant 0 : i32
      %dma_start3A_207 = tpu.memref_slice %arg7[%run_scoped3A_132, %dma_start3A_205, %dma_start3A_206] : memref<3x3x4096xf32, #tpu.memory_space<vmem>> -> memref<1x3x4096xf32, #tpu.memory_space<vmem>>
      %dma_start3A_208 = tpu.memref_squeeze %dma_start3A_207 : memref<1x3x4096xf32, #tpu.memory_space<vmem>> -> memref<3x4096xf32, #tpu.memory_space<vmem>>
      tpu.enqueue_dma source(%dma_start3A_208 : memref<3x4096xf32, #tpu.memory_space<vmem>>) target(%dma_start3A_204 : memref<3x4096xf32, #tpu.memory_space<hbm>>) target_semaphore(%run_scoped3A_193 : memref<!tpu.dma_semaphore, #tpu.memory_space<semaphore_mem>>)
      %dma_wait3A = arith.constant 0 : i32
      %dma_wait3A_209 = arith.constant 0 : i32
      %dma_wait3A_210 = tpu.memref_slice %arg7[%run_scoped3A_132, %dma_wait3A, %dma_wait3A_209] : memref<3x3x4096xf32, #tpu.memory_space<vmem>> -> memref<1x3x4096xf32, #tpu.memory_space<vmem>>
      %dma_wait3A_211 = tpu.memref_squeeze %dma_wait3A_210 : memref<1x3x4096xf32, #tpu.memory_space<vmem>> -> memref<3x4096xf32, #tpu.memory_space<vmem>>
      %dma_wait3A_212 = arith.constant 0 : i32
      %dma_wait3A_213 = arith.constant 0 : i32
      %dma_wait3A_214 = tpu.memref_slice %arg5[%select_n3A, %run_scoped3A_133, %add3A_114, %dma_wait3A_212, %dma_wait3A_213] : memref<8x6x16x3x4096xf32, #tpu.memory_space<hbm>> -> memref<1x1x1x3x4096xf32, #tpu.memory_space<hbm>>
      %dma_wait3A_215 = tpu.memref_squeeze %dma_wait3A_214 : memref<1x1x1x3x4096xf32, #tpu.memory_space<hbm>> -> memref<3x4096xf32, #tpu.memory_space<hbm>>
      %dma_wait3A_216 = arith.constant 0 : i32
      %dma_wait3A_217 = arith.constant 0 : i32
      %dma_wait3A_218 = tpu.memref_slice %arg5[%select_n3A, %run_scoped3A_133, %add3A_114, %dma_wait3A_216, %dma_wait3A_217] : memref<8x6x16x3x4096xf32, #tpu.memory_space<hbm>> -> memref<1x1x1x3x4096xf32, #tpu.memory_space<hbm>>
      %dma_wait3A_219 = tpu.memref_squeeze %dma_wait3A_218 : memref<1x1x1x3x4096xf32, #tpu.memory_space<hbm>> -> memref<3x4096xf32, #tpu.memory_space<hbm>>
      %dma_wait3A_220 = arith.constant 0 : i32
      %dma_wait3A_221 = arith.constant 0 : i32
      %dma_wait3A_222 = tpu.memref_slice %arg7[%run_scoped3A_132, %dma_wait3A_220, %dma_wait3A_221] : memref<3x3x4096xf32, #tpu.memory_space<vmem>> -> memref<1x3x4096xf32, #tpu.memory_space<vmem>>
      %dma_wait3A_223 = tpu.memref_squeeze %dma_wait3A_222 : memref<1x3x4096xf32, #tpu.memory_space<vmem>> -> memref<3x4096xf32, #tpu.memory_space<vmem>>
      tpu.wait_dma2 semaphore(%run_scoped3A_193 : memref<!tpu.dma_semaphore, #tpu.memory_space<semaphore_mem>>) src(%dma_wait3A_223 : memref<3x4096xf32, #tpu.memory_space<vmem>>) dst(%dma_wait3A_219 : memref<3x4096xf32, #tpu.memory_space<hbm>>)
      tpu.yield
    }) : () -> ()
    %scan3A_134 = arith.constant 0 : i32
    %scan3A_135 = arith.constant 0 : i32
    %scan3A_136 = arith.constant 256 : i32
    %scan3A_137 = arith.addi %scan3A_135, %scan3A_136 : i32
    %scan3A_138 = arith.constant 1 : i32
    %scan3A_139 = scf.for %scan3A_193 = %scan3A_135 to %scan3A_137 step %scan3A_138 iter_args(%scan3A_194 = %scan3A_134) -> (i32)  : i32 {
      %mul3A_195 = arith.constant 16 : i32
      %mul3A_196 = arith.muli %scan3A_193, %mul3A_195 : i32
      %get3A = arith.constant 1 : i32
      %get3A_197 = arith.index_cast %get3A : i32 to index
      %get3A_198 = arith.index_cast %mul3A_196 : i32 to index
      %get3A_199 = tpu.vector_load %arg9[%get3A_197, %get3A_198] {strides = array<i32>} : memref<3x4096xf32, #tpu.memory_space<vmem>>, vector<16xf32>,
      %mul3A_200 = arith.constant 16 : i32
      %mul3A_201 = arith.muli %scan3A_193, %mul3A_200 : i32
      %get3A_202 = arith.constant 1 : i32
      %get3A_203 = arith.constant 0 : i32
      %get3A_204 = arith.index_cast %get3A_202 : i32 to index
      %get3A_205 = arith.index_cast %get3A_203 : i32 to index
      %get3A_206 = arith.index_cast %mul3A_201 : i32 to index
      %get3A_207 = tpu.vector_load %arg7[%get3A_204, %get3A_205, %get3A_206] {strides = array<i32>} : memref<3x3x4096xf32, #tpu.memory_space<vmem>>, vector<16xf32>,
      %sub3A_208 = arith.subf %get3A_199, %get3A_207 : vector<16xf32>
      %mul3A_209 = arith.constant 16 : i32
      %mul3A_210 = arith.muli %scan3A_193, %mul3A_209 : i32
      %swap3A = arith.constant 0 : i32
      %swap3A_211 = arith.index_cast %swap3A : i32 to index
      %swap3A_212 = arith.index_cast %mul3A_210 : i32 to index
      %swap3A_213 = tpu.vector_load %arg10[%swap3A_211, %swap3A_212] {strides = array<i32>} : memref<3x4096xf32, #tpu.memory_space<vmem>>, vector<16xf32>,
      tpu.vector_store %arg10[%swap3A_211, %swap3A_212], %sub3A_208 {strides = array<i32>} : memref<3x4096xf32, #tpu.memory_space<vmem>>, vector<16xf32>,
      %mul3A_214 = arith.constant 16 : i32
      %mul3A_215 = arith.muli %scan3A_193, %mul3A_214 : i32
      %get3A_216 = arith.constant 1 : i32
      %get3A_217 = arith.constant 1 : i32
      %get3A_218 = arith.index_cast %get3A_216 : i32 to index
      %get3A_219 = arith.index_cast %get3A_217 : i32 to index
      %get3A_220 = arith.index_cast %mul3A_215 : i32 to index
      %get3A_221 = tpu.vector_load %arg7[%get3A_218, %get3A_219, %get3A_220] {strides = array<i32>} : memref<3x3x4096xf32, #tpu.memory_space<vmem>>, vector<16xf32>,
      %sub3A_222 = arith.subf %get3A_199, %get3A_221 : vector<16xf32>
      %mul3A_223 = arith.constant 16 : i32
      %mul3A_224 = arith.muli %scan3A_193, %mul3A_223 : i32
      %swap3A_225 = arith.constant 1 : i32
      %swap3A_226 = arith.index_cast %swap3A_225 : i32 to index
      %swap3A_227 = arith.index_cast %mul3A_224 : i32 to index
      %swap3A_228 = tpu.vector_load %arg10[%swap3A_226, %swap3A_227] {strides = array<i32>} : memref<3x4096xf32, #tpu.memory_space<vmem>>, vector<16xf32>,
      tpu.vector_store %arg10[%swap3A_226, %swap3A_227], %sub3A_222 {strides = array<i32>} : memref<3x4096xf32, #tpu.memory_space<vmem>>, vector<16xf32>,
      %mul3A_229 = arith.constant 16 : i32
      %mul3A_230 = arith.muli %scan3A_193, %mul3A_229 : i32
      %get3A_231 = arith.constant 1 : i32
      %get3A_232 = arith.constant 2 : i32
      %get3A_233 = arith.index_cast %get3A_231 : i32 to index
      %get3A_234 = arith.index_cast %get3A_232 : i32 to index
      %get3A_235 = arith.index_cast %mul3A_230 : i32 to index
      %get3A_236 = tpu.vector_load %arg7[%get3A_233, %get3A_234, %get3A_235] {strides = array<i32>} : memref<3x3x4096xf32, #tpu.memory_space<vmem>>, vector<16xf32>,
      %sub3A_237 = arith.subf %get3A_199, %get3A_236 : vector<16xf32>
      %mul3A_238 = arith.constant 16 : i32
      %mul3A_239 = arith.muli %scan3A_193, %mul3A_238 : i32
      %swap3A_240 = arith.constant 2 : i32
      %swap3A_241 = arith.index_cast %swap3A_240 : i32 to index
      %swap3A_242 = arith.index_cast %mul3A_239 : i32 to index
      %swap3A_243 = tpu.vector_load %arg10[%swap3A_241, %swap3A_242] {strides = array<i32>} : memref<3x4096xf32, #tpu.memory_space<vmem>>, vector<16xf32>,
      tpu.vector_store %arg10[%swap3A_241, %swap3A_242], %sub3A_237 {strides = array<i32>} : memref<3x4096xf32, #tpu.memory_space<vmem>>, vector<16xf32>,
      %scan3A_244 = arith.constant 0 : i32
      scf.yield %scan3A_244 : i32
    }
    %scan3A_140 = arith.constant 256 : i32
    %run_scoped3A_141 = arith.constant 4 : i32
    "tpu.region"() ({
      %run_scoped3A_193 = tpu.sem_alloc : memref<!tpu.dma_semaphore, #tpu.memory_space<semaphore_mem>>
      %dma_start3A = arith.constant 0 : i32
      %dma_start3A_194 = arith.constant 0 : i32
      %dma_start3A_195 = tpu.memref_slice %arg5[%select_n3A, %run_scoped3A_141, %add3A_114, %dma_start3A, %dma_start3A_194] : memref<8x6x16x3x4096xf32, #tpu.memory_space<hbm>> -> memref<1x1x1x3x4096xf32, #tpu.memory_space<hbm>>
      %dma_start3A_196 = tpu.memref_squeeze %dma_start3A_195 : memref<1x1x1x3x4096xf32, #tpu.memory_space<hbm>> -> memref<3x4096xf32, #tpu.memory_space<hbm>>
      %dma_start3A_197 = arith.constant 0 : i32
      %dma_start3A_198 = arith.constant 0 : i32
      %dma_start3A_199 = tpu.memref_slice %arg5[%select_n3A, %run_scoped3A_141, %add3A_114, %dma_start3A_197, %dma_start3A_198] : memref<8x6x16x3x4096xf32, #tpu.memory_space<hbm>> -> memref<1x1x1x3x4096xf32, #tpu.memory_space<hbm>>
      %dma_start3A_200 = tpu.memref_squeeze %dma_start3A_199 : memref<1x1x1x3x4096xf32, #tpu.memory_space<hbm>> -> memref<3x4096xf32, #tpu.memory_space<hbm>>
      tpu.enqueue_dma source(%arg10 : memref<3x4096xf32, #tpu.memory_space<vmem>>) target(%dma_start3A_200 : memref<3x4096xf32, #tpu.memory_space<hbm>>) target_semaphore(%run_scoped3A_193 : memref<!tpu.dma_semaphore, #tpu.memory_space<semaphore_mem>>)
      %dma_wait3A = arith.constant 0 : i32
      %dma_wait3A_201 = arith.constant 0 : i32
      %dma_wait3A_202 = tpu.memref_slice %arg5[%select_n3A, %run_scoped3A_141, %add3A_114, %dma_wait3A, %dma_wait3A_201] : memref<8x6x16x3x4096xf32, #tpu.memory_space<hbm>> -> memref<1x1x1x3x4096xf32, #tpu.memory_space<hbm>>
      %dma_wait3A_203 = tpu.memref_squeeze %dma_wait3A_202 : memref<1x1x1x3x4096xf32, #tpu.memory_space<hbm>> -> memref<3x4096xf32, #tpu.memory_space<hbm>>
      %dma_wait3A_204 = arith.constant 0 : i32
      %dma_wait3A_205 = arith.constant 0 : i32
      %dma_wait3A_206 = tpu.memref_slice %arg5[%select_n3A, %run_scoped3A_141, %add3A_114, %dma_wait3A_204, %dma_wait3A_205] : memref<8x6x16x3x4096xf32, #tpu.memory_space<hbm>> -> memref<1x1x1x3x4096xf32, #tpu.memory_space<hbm>>
      %dma_wait3A_207 = tpu.memref_squeeze %dma_wait3A_206 : memref<1x1x1x3x4096xf32, #tpu.memory_space<hbm>> -> memref<3x4096xf32, #tpu.memory_space<hbm>>
      tpu.wait_dma2 semaphore(%run_scoped3A_193 : memref<!tpu.dma_semaphore, #tpu.memory_space<semaphore_mem>>) src(%arg10 : memref<3x4096xf32, #tpu.memory_space<vmem>>) dst(%dma_wait3A_207 : memref<3x4096xf32, #tpu.memory_space<hbm>>)
      tpu.yield
    }) : () -> ()
    %run_scoped3A_142 = arith.constant 2 : i32
    %run_scoped3A_143 = arith.constant 2 : i32
    "tpu.region"() ({
      %run_scoped3A_193 = tpu.sem_alloc : memref<!tpu.dma_semaphore, #tpu.memory_space<semaphore_mem>>
      %dma_start3A = arith.constant 0 : i32
      %dma_start3A_194 = arith.constant 0 : i32
      %dma_start3A_195 = tpu.memref_slice %arg7[%run_scoped3A_142, %dma_start3A, %dma_start3A_194] : memref<3x3x4096xf32, #tpu.memory_space<vmem>> -> memref<1x3x4096xf32, #tpu.memory_space<vmem>>
      %dma_start3A_196 = tpu.memref_squeeze %dma_start3A_195 : memref<1x3x4096xf32, #tpu.memory_space<vmem>> -> memref<3x4096xf32, #tpu.memory_space<vmem>>
      %dma_start3A_197 = arith.constant 0 : i32
      %dma_start3A_198 = arith.constant 0 : i32
      %dma_start3A_199 = tpu.memref_slice %arg5[%select_n3A, %run_scoped3A_143, %add3A_114, %dma_start3A_197, %dma_start3A_198] : memref<8x6x16x3x4096xf32, #tpu.memory_space<hbm>> -> memref<1x1x1x3x4096xf32, #tpu.memory_space<hbm>>
      %dma_start3A_200 = tpu.memref_squeeze %dma_start3A_199 : memref<1x1x1x3x4096xf32, #tpu.memory_space<hbm>> -> memref<3x4096xf32, #tpu.memory_space<hbm>>
      %dma_start3A_201 = arith.constant 0 : i32
      %dma_start3A_202 = arith.constant 0 : i32
      %dma_start3A_203 = tpu.memref_slice %arg5[%select_n3A, %run_scoped3A_143, %add3A_114, %dma_start3A_201, %dma_start3A_202] : memref<8x6x16x3x4096xf32, #tpu.memory_space<hbm>> -> memref<1x1x1x3x4096xf32, #tpu.memory_space<hbm>>
      %dma_start3A_204 = tpu.memref_squeeze %dma_start3A_203 : memref<1x1x1x3x4096xf32, #tpu.memory_space<hbm>> -> memref<3x4096xf32, #tpu.memory_space<hbm>>
      %dma_start3A_205 = arith.constant 0 : i32
      %dma_start3A_206 = arith.constant 0 : i32
      %dma_start3A_207 = tpu.memref_slice %arg7[%run_scoped3A_142, %dma_start3A_205, %dma_start3A_206] : memref<3x3x4096xf32, #tpu.memory_space<vmem>> -> memref<1x3x4096xf32, #tpu.memory_space<vmem>>
      %dma_start3A_208 = tpu.memref_squeeze %dma_start3A_207 : memref<1x3x4096xf32, #tpu.memory_space<vmem>> -> memref<3x4096xf32, #tpu.memory_space<vmem>>
      tpu.enqueue_dma source(%dma_start3A_208 : memref<3x4096xf32, #tpu.memory_space<vmem>>) target(%dma_start3A_204 : memref<3x4096xf32, #tpu.memory_space<hbm>>) target_semaphore(%run_scoped3A_193 : memref<!tpu.dma_semaphore, #tpu.memory_space<semaphore_mem>>)
      %dma_wait3A = arith.constant 0 : i32
      %dma_wait3A_209 = arith.constant 0 : i32
      %dma_wait3A_210 = tpu.memref_slice %arg7[%run_scoped3A_142, %dma_wait3A, %dma_wait3A_209] : memref<3x3x4096xf32, #tpu.memory_space<vmem>> -> memref<1x3x4096xf32, #tpu.memory_space<vmem>>
      %dma_wait3A_211 = tpu.memref_squeeze %dma_wait3A_210 : memref<1x3x4096xf32, #tpu.memory_space<vmem>> -> memref<3x4096xf32, #tpu.memory_space<vmem>>
      %dma_wait3A_212 = arith.constant 0 : i32
      %dma_wait3A_213 = arith.constant 0 : i32
      %dma_wait3A_214 = tpu.memref_slice %arg5[%select_n3A, %run_scoped3A_143, %add3A_114, %dma_wait3A_212, %dma_wait3A_213] : memref<8x6x16x3x4096xf32, #tpu.memory_space<hbm>> -> memref<1x1x1x3x4096xf32, #tpu.memory_space<hbm>>
      %dma_wait3A_215 = tpu.memref_squeeze %dma_wait3A_214 : memref<1x1x1x3x4096xf32, #tpu.memory_space<hbm>> -> memref<3x4096xf32, #tpu.memory_space<hbm>>
      %dma_wait3A_216 = arith.constant 0 : i32
      %dma_wait3A_217 = arith.constant 0 : i32
      %dma_wait3A_218 = tpu.memref_slice %arg5[%select_n3A, %run_scoped3A_143, %add3A_114, %dma_wait3A_216, %dma_wait3A_217] : memref<8x6x16x3x4096xf32, #tpu.memory_space<hbm>> -> memref<1x1x1x3x4096xf32, #tpu.memory_space<hbm>>
      %dma_wait3A_219 = tpu.memref_squeeze %dma_wait3A_218 : memref<1x1x1x3x4096xf32, #tpu.memory_space<hbm>> -> memref<3x4096xf32, #tpu.memory_space<hbm>>
      %dma_wait3A_220 = arith.constant 0 : i32
      %dma_wait3A_221 = arith.constant 0 : i32
      %dma_wait3A_222 = tpu.memref_slice %arg7[%run_scoped3A_142, %dma_wait3A_220, %dma_wait3A_221] : memref<3x3x4096xf32, #tpu.memory_space<vmem>> -> memref<1x3x4096xf32, #tpu.memory_space<vmem>>
      %dma_wait3A_223 = tpu.memref_squeeze %dma_wait3A_222 : memref<1x3x4096xf32, #tpu.memory_space<vmem>> -> memref<3x4096xf32, #tpu.memory_space<vmem>>
      tpu.wait_dma2 semaphore(%run_scoped3A_193 : memref<!tpu.dma_semaphore, #tpu.memory_space<semaphore_mem>>) src(%dma_wait3A_223 : memref<3x4096xf32, #tpu.memory_space<vmem>>) dst(%dma_wait3A_219 : memref<3x4096xf32, #tpu.memory_space<hbm>>)
      tpu.yield
    }) : () -> ()
    %scan3A_144 = arith.constant 0 : i32
    %scan3A_145 = arith.constant 0 : i32
    %scan3A_146 = arith.constant 256 : i32
    %scan3A_147 = arith.addi %scan3A_145, %scan3A_146 : i32
    %scan3A_148 = arith.constant 1 : i32
    %scan3A_149 = scf.for %scan3A_193 = %scan3A_145 to %scan3A_147 step %scan3A_148 iter_args(%scan3A_194 = %scan3A_144) -> (i32)  : i32 {
      %mul3A_195 = arith.constant 16 : i32
      %mul3A_196 = arith.muli %scan3A_193, %mul3A_195 : i32
      %get3A = arith.constant 2 : i32
      %get3A_197 = arith.index_cast %get3A : i32 to index
      %get3A_198 = arith.index_cast %mul3A_196 : i32 to index
      %get3A_199 = tpu.vector_load %arg9[%get3A_197, %get3A_198] {strides = array<i32>} : memref<3x4096xf32, #tpu.memory_space<vmem>>, vector<16xf32>,
      %mul3A_200 = arith.constant 16 : i32
      %mul3A_201 = arith.muli %scan3A_193, %mul3A_200 : i32
      %get3A_202 = arith.constant 2 : i32
      %get3A_203 = arith.constant 0 : i32
      %get3A_204 = arith.index_cast %get3A_202 : i32 to index
      %get3A_205 = arith.index_cast %get3A_203 : i32 to index
      %get3A_206 = arith.index_cast %mul3A_201 : i32 to index
      %get3A_207 = tpu.vector_load %arg7[%get3A_204, %get3A_205, %get3A_206] {strides = array<i32>} : memref<3x3x4096xf32, #tpu.memory_space<vmem>>, vector<16xf32>,
      %sub3A_208 = arith.subf %get3A_199, %get3A_207 : vector<16xf32>
      %mul3A_209 = arith.constant 16 : i32
      %mul3A_210 = arith.muli %scan3A_193, %mul3A_209 : i32
      %swap3A = arith.constant 0 : i32
      %swap3A_211 = arith.index_cast %swap3A : i32 to index
      %swap3A_212 = arith.index_cast %mul3A_210 : i32 to index
      %swap3A_213 = tpu.vector_load %arg10[%swap3A_211, %swap3A_212] {strides = array<i32>} : memref<3x4096xf32, #tpu.memory_space<vmem>>, vector<16xf32>,
      tpu.vector_store %arg10[%swap3A_211, %swap3A_212], %sub3A_208 {strides = array<i32>} : memref<3x4096xf32, #tpu.memory_space<vmem>>, vector<16xf32>,
      %mul3A_214 = arith.constant 16 : i32
      %mul3A_215 = arith.muli %scan3A_193, %mul3A_214 : i32
      %get3A_216 = arith.constant 2 : i32
      %get3A_217 = arith.constant 1 : i32
      %get3A_218 = arith.index_cast %get3A_216 : i32 to index
      %get3A_219 = arith.index_cast %get3A_217 : i32 to index
      %get3A_220 = arith.index_cast %mul3A_215 : i32 to index
      %get3A_221 = tpu.vector_load %arg7[%get3A_218, %get3A_219, %get3A_220] {strides = array<i32>} : memref<3x3x4096xf32, #tpu.memory_space<vmem>>, vector<16xf32>,
      %sub3A_222 = arith.subf %get3A_199, %get3A_221 : vector<16xf32>
      %mul3A_223 = arith.constant 16 : i32
      %mul3A_224 = arith.muli %scan3A_193, %mul3A_223 : i32
      %swap3A_225 = arith.constant 1 : i32
      %swap3A_226 = arith.index_cast %swap3A_225 : i32 to index
      %swap3A_227 = arith.index_cast %mul3A_224 : i32 to index
      %swap3A_228 = tpu.vector_load %arg10[%swap3A_226, %swap3A_227] {strides = array<i32>} : memref<3x4096xf32, #tpu.memory_space<vmem>>, vector<16xf32>,
      tpu.vector_store %arg10[%swap3A_226, %swap3A_227], %sub3A_222 {strides = array<i32>} : memref<3x4096xf32, #tpu.memory_space<vmem>>, vector<16xf32>,
      %mul3A_229 = arith.constant 16 : i32
      %mul3A_230 = arith.muli %scan3A_193, %mul3A_229 : i32
      %get3A_231 = arith.constant 2 : i32
      %get3A_232 = arith.constant 2 : i32
      %get3A_233 = arith.index_cast %get3A_231 : i32 to index
      %get3A_234 = arith.index_cast %get3A_232 : i32 to index
      %get3A_235 = arith.index_cast %mul3A_230 : i32 to index
      %get3A_236 = tpu.vector_load %arg7[%get3A_233, %get3A_234, %get3A_235] {strides = array<i32>} : memref<3x3x4096xf32, #tpu.memory_space<vmem>>, vector<16xf32>,
      %sub3A_237 = arith.subf %get3A_199, %get3A_236 : vector<16xf32>
      %mul3A_238 = arith.constant 16 : i32
      %mul3A_239 = arith.muli %scan3A_193, %mul3A_238 : i32
      %swap3A_240 = arith.constant 2 : i32
      %swap3A_241 = arith.index_cast %swap3A_240 : i32 to index
      %swap3A_242 = arith.index_cast %mul3A_239 : i32 to index
      %swap3A_243 = tpu.vector_load %arg10[%swap3A_241, %swap3A_242] {strides = array<i32>} : memref<3x4096xf32, #tpu.memory_space<vmem>>, vector<16xf32>,
      tpu.vector_store %arg10[%swap3A_241, %swap3A_242], %sub3A_237 {strides = array<i32>} : memref<3x4096xf32, #tpu.memory_space<vmem>>, vector<16xf32>,
      %scan3A_244 = arith.constant 0 : i32
      scf.yield %scan3A_244 : i32
    }
    %scan3A_150 = arith.constant 256 : i32
    %run_scoped3A_151 = arith.constant 5 : i32
    "tpu.region"() ({
      %run_scoped3A_193 = tpu.sem_alloc : memref<!tpu.dma_semaphore, #tpu.memory_space<semaphore_mem>>
      %dma_start3A = arith.constant 0 : i32
      %dma_start3A_194 = arith.constant 0 : i32
      %dma_start3A_195 = tpu.memref_slice %arg5[%select_n3A, %run_scoped3A_151, %add3A_114, %dma_start3A, %dma_start3A_194] : memref<8x6x16x3x4096xf32, #tpu.memory_space<hbm>> -> memref<1x1x1x3x4096xf32, #tpu.memory_space<hbm>>
      %dma_start3A_196 = tpu.memref_squeeze %dma_start3A_195 : memref<1x1x1x3x4096xf32, #tpu.memory_space<hbm>> -> memref<3x4096xf32, #tpu.memory_space<hbm>>
      %dma_start3A_197 = arith.constant 0 : i32
      %dma_start3A_198 = arith.constant 0 : i32
      %dma_start3A_199 = tpu.memref_slice %arg5[%select_n3A, %run_scoped3A_151, %add3A_114, %dma_start3A_197, %dma_start3A_198] : memref<8x6x16x3x4096xf32, #tpu.memory_space<hbm>> -> memref<1x1x1x3x4096xf32, #tpu.memory_space<hbm>>
      %dma_start3A_200 = tpu.memref_squeeze %dma_start3A_199 : memref<1x1x1x3x4096xf32, #tpu.memory_space<hbm>> -> memref<3x4096xf32, #tpu.memory_space<hbm>>
      tpu.enqueue_dma source(%arg10 : memref<3x4096xf32, #tpu.memory_space<vmem>>) target(%dma_start3A_200 : memref<3x4096xf32, #tpu.memory_space<hbm>>) target_semaphore(%run_scoped3A_193 : memref<!tpu.dma_semaphore, #tpu.memory_space<semaphore_mem>>)
      %dma_wait3A = arith.constant 0 : i32
      %dma_wait3A_201 = arith.constant 0 : i32
      %dma_wait3A_202 = tpu.memref_slice %arg5[%select_n3A, %run_scoped3A_151, %add3A_114, %dma_wait3A, %dma_wait3A_201] : memref<8x6x16x3x4096xf32, #tpu.memory_space<hbm>> -> memref<1x1x1x3x4096xf32, #tpu.memory_space<hbm>>
      %dma_wait3A_203 = tpu.memref_squeeze %dma_wait3A_202 : memref<1x1x1x3x4096xf32, #tpu.memory_space<hbm>> -> memref<3x4096xf32, #tpu.memory_space<hbm>>
      %dma_wait3A_204 = arith.constant 0 : i32
      %dma_wait3A_205 = arith.constant 0 : i32
      %dma_wait3A_206 = tpu.memref_slice %arg5[%select_n3A, %run_scoped3A_151, %add3A_114, %dma_wait3A_204, %dma_wait3A_205] : memref<8x6x16x3x4096xf32, #tpu.memory_space<hbm>> -> memref<1x1x1x3x4096xf32, #tpu.memory_space<hbm>>
      %dma_wait3A_207 = tpu.memref_squeeze %dma_wait3A_206 : memref<1x1x1x3x4096xf32, #tpu.memory_space<hbm>> -> memref<3x4096xf32, #tpu.memory_space<hbm>>
      tpu.wait_dma2 semaphore(%run_scoped3A_193 : memref<!tpu.dma_semaphore, #tpu.memory_space<semaphore_mem>>) src(%arg10 : memref<3x4096xf32, #tpu.memory_space<vmem>>) dst(%dma_wait3A_207 : memref<3x4096xf32, #tpu.memory_space<hbm>>)
      tpu.yield
    }) : () -> ()
    %mul3A_152 = arith.constant 4 : i32
    %mul3A_153 = arith.muli %select_n3A_30, %mul3A_152 : i32
    %add3A_154 = arith.constant 3 : i32
    %add3A_155 = arith.addi %mul3A_153, %add3A_154 : i32
    "tpu.region"() ({
      %run_scoped3A_193 = tpu.sem_alloc : memref<!tpu.dma_semaphore, #tpu.memory_space<semaphore_mem>>
      %dma_start3A = arith.constant 0 : i32
      %dma_start3A_194 = tpu.memref_slice %arg4[%select_n3A, %add3A_155, %dma_start3A] : memref<8x16x4096xi32, #tpu.memory_space<hbm>> -> memref<1x1x4096xi32, #tpu.memory_space<hbm>>
      %dma_start3A_195 = tpu.memref_squeeze %dma_start3A_194 : memref<1x1x4096xi32, #tpu.memory_space<hbm>> -> memref<4096xi32, #tpu.memory_space<hbm>>
      %dma_start3A_196 = arith.constant 0 : i32
      %dma_start3A_197 = tpu.memref_slice %arg4[%select_n3A, %add3A_155, %dma_start3A_196] : memref<8x16x4096xi32, #tpu.memory_space<hbm>> -> memref<1x1x4096xi32, #tpu.memory_space<hbm>>
      %dma_start3A_198 = tpu.memref_squeeze %dma_start3A_197 : memref<1x1x4096xi32, #tpu.memory_space<hbm>> -> memref<4096xi32, #tpu.memory_space<hbm>>
      tpu.enqueue_dma source(%dma_start3A_198 : memref<4096xi32, #tpu.memory_space<hbm>>) target(%arg8 : memref<4096xi32, #tpu.memory_space<vmem>>) target_semaphore(%run_scoped3A_193 : memref<!tpu.dma_semaphore, #tpu.memory_space<semaphore_mem>>)
      %dma_wait3A = arith.constant 0 : i32
      %dma_wait3A_199 = tpu.memref_slice %arg4[%select_n3A, %add3A_155, %dma_wait3A] : memref<8x16x4096xi32, #tpu.memory_space<hbm>> -> memref<1x1x4096xi32, #tpu.memory_space<hbm>>
      %dma_wait3A_200 = tpu.memref_squeeze %dma_wait3A_199 : memref<1x1x4096xi32, #tpu.memory_space<hbm>> -> memref<4096xi32, #tpu.memory_space<hbm>>
      %dma_wait3A_201 = arith.constant 0 : i32
      %dma_wait3A_202 = tpu.memref_slice %arg4[%select_n3A, %add3A_155, %dma_wait3A_201] : memref<8x16x4096xi32, #tpu.memory_space<hbm>> -> memref<1x1x4096xi32, #tpu.memory_space<hbm>>
      %dma_wait3A_203 = tpu.memref_squeeze %dma_wait3A_202 : memref<1x1x4096xi32, #tpu.memory_space<hbm>> -> memref<4096xi32, #tpu.memory_space<hbm>>
      tpu.wait_dma2 semaphore(%run_scoped3A_193 : memref<!tpu.dma_semaphore, #tpu.memory_space<semaphore_mem>>) src(%dma_wait3A_203 : memref<4096xi32, #tpu.memory_space<hbm>>) dst(%arg8 : memref<4096xi32, #tpu.memory_space<vmem>>)
      tpu.yield
    }) : () -> ()
    %scan3A_156 = arith.constant 0 : i32
    %scan3A_157 = arith.constant 0 : i32
    %scan3A_158 = arith.constant 256 : i32
    %scan3A_159 = arith.addi %scan3A_157, %scan3A_158 : i32
    %scan3A_160 = arith.constant 1 : i32
    %scan3A_161 = scf.for %scan3A_193 = %scan3A_157 to %scan3A_159 step %scan3A_160 iter_args(%scan3A_194 = %scan3A_156) -> (i32)  : i32 {
      %mul3A_195 = arith.constant 16 : i32
      %mul3A_196 = arith.muli %scan3A_193, %mul3A_195 : i32
      %get3A = arith.index_cast %mul3A_196 : i32 to index
      %get3A_197 = tpu.vector_load %arg8[%get3A] {strides = array<i32>} : memref<4096xi32, #tpu.memory_space<vmem>>, vector<16xi32>,
      %add3A_198 = arith.constant 0 : i32
      %add3A_199 = vector.broadcast %add3A_198 : i32 to vector<16xi32>
      %add3A_200 = arith.addi %get3A_197, %add3A_199 : vector<16xi32>
      %gather3A = tpu.vector_load_idx %arg6[%add3A_200] : memref<12288xf32, #tpu.memory_space<vmem>>[vector<16xi32>], vector<16xf32>,
      %mul3A_201 = arith.constant 16 : i32
      %mul3A_202 = arith.muli %scan3A_193, %mul3A_201 : i32
      %swap3A = arith.constant 0 : i32
      %swap3A_203 = arith.index_cast %swap3A : i32 to index
      %swap3A_204 = arith.index_cast %mul3A_202 : i32 to index
      %swap3A_205 = tpu.vector_load %arg9[%swap3A_203, %swap3A_204] {strides = array<i32>} : memref<3x4096xf32, #tpu.memory_space<vmem>>, vector<16xf32>,
      tpu.vector_store %arg9[%swap3A_203, %swap3A_204], %gather3A {strides = array<i32>} : memref<3x4096xf32, #tpu.memory_space<vmem>>, vector<16xf32>,
      %add3A_206 = arith.constant 4096 : i32
      %add3A_207 = vector.broadcast %add3A_206 : i32 to vector<16xi32>
      %add3A_208 = arith.addi %get3A_197, %add3A_207 : vector<16xi32>
      %gather3A_209 = tpu.vector_load_idx %arg6[%add3A_208] : memref<12288xf32, #tpu.memory_space<vmem>>[vector<16xi32>], vector<16xf32>,
      %mul3A_210 = arith.constant 16 : i32
      %mul3A_211 = arith.muli %scan3A_193, %mul3A_210 : i32
      %swap3A_212 = arith.constant 1 : i32
      %swap3A_213 = arith.index_cast %swap3A_212 : i32 to index
      %swap3A_214 = arith.index_cast %mul3A_211 : i32 to index
      %swap3A_215 = tpu.vector_load %arg9[%swap3A_213, %swap3A_214] {strides = array<i32>} : memref<3x4096xf32, #tpu.memory_space<vmem>>, vector<16xf32>,
      tpu.vector_store %arg9[%swap3A_213, %swap3A_214], %gather3A_209 {strides = array<i32>} : memref<3x4096xf32, #tpu.memory_space<vmem>>, vector<16xf32>,
      %add3A_216 = arith.constant 8192 : i32
      %add3A_217 = vector.broadcast %add3A_216 : i32 to vector<16xi32>
      %add3A_218 = arith.addi %get3A_197, %add3A_217 : vector<16xi32>
      %gather3A_219 = tpu.vector_load_idx %arg6[%add3A_218] : memref<12288xf32, #tpu.memory_space<vmem>>[vector<16xi32>], vector<16xf32>,
      %mul3A_220 = arith.constant 16 : i32
      %mul3A_221 = arith.muli %scan3A_193, %mul3A_220 : i32
      %swap3A_222 = arith.constant 2 : i32
      %swap3A_223 = arith.index_cast %swap3A_222 : i32 to index
      %swap3A_224 = arith.index_cast %mul3A_221 : i32 to index
      %swap3A_225 = tpu.vector_load %arg9[%swap3A_223, %swap3A_224] {strides = array<i32>} : memref<3x4096xf32, #tpu.memory_space<vmem>>, vector<16xf32>,
      tpu.vector_store %arg9[%swap3A_223, %swap3A_224], %gather3A_219 {strides = array<i32>} : memref<3x4096xf32, #tpu.memory_space<vmem>>, vector<16xf32>,
      %scan3A_226 = arith.constant 0 : i32
      scf.yield %scan3A_226 : i32
    }
    %scan3A_162 = arith.constant 256 : i32
    %run_scoped3A_163 = arith.constant 0 : i32
    %run_scoped3A_164 = arith.constant 0 : i32
    "tpu.region"() ({
      %run_scoped3A_193 = tpu.sem_alloc : memref<!tpu.dma_semaphore, #tpu.memory_space<semaphore_mem>>
      %dma_start3A = arith.constant 0 : i32
      %dma_start3A_194 = arith.constant 0 : i32
      %dma_start3A_195 = tpu.memref_slice %arg7[%run_scoped3A_163, %dma_start3A, %dma_start3A_194] : memref<3x3x4096xf32, #tpu.memory_space<vmem>> -> memref<1x3x4096xf32, #tpu.memory_space<vmem>>
      %dma_start3A_196 = tpu.memref_squeeze %dma_start3A_195 : memref<1x3x4096xf32, #tpu.memory_space<vmem>> -> memref<3x4096xf32, #tpu.memory_space<vmem>>
      %dma_start3A_197 = arith.constant 0 : i32
      %dma_start3A_198 = arith.constant 0 : i32
      %dma_start3A_199 = tpu.memref_slice %arg5[%select_n3A, %run_scoped3A_164, %add3A_155, %dma_start3A_197, %dma_start3A_198] : memref<8x6x16x3x4096xf32, #tpu.memory_space<hbm>> -> memref<1x1x1x3x4096xf32, #tpu.memory_space<hbm>>
      %dma_start3A_200 = tpu.memref_squeeze %dma_start3A_199 : memref<1x1x1x3x4096xf32, #tpu.memory_space<hbm>> -> memref<3x4096xf32, #tpu.memory_space<hbm>>
      %dma_start3A_201 = arith.constant 0 : i32
      %dma_start3A_202 = arith.constant 0 : i32
      %dma_start3A_203 = tpu.memref_slice %arg5[%select_n3A, %run_scoped3A_164, %add3A_155, %dma_start3A_201, %dma_start3A_202] : memref<8x6x16x3x4096xf32, #tpu.memory_space<hbm>> -> memref<1x1x1x3x4096xf32, #tpu.memory_space<hbm>>
      %dma_start3A_204 = tpu.memref_squeeze %dma_start3A_203 : memref<1x1x1x3x4096xf32, #tpu.memory_space<hbm>> -> memref<3x4096xf32, #tpu.memory_space<hbm>>
      %dma_start3A_205 = arith.constant 0 : i32
      %dma_start3A_206 = arith.constant 0 : i32
      %dma_start3A_207 = tpu.memref_slice %arg7[%run_scoped3A_163, %dma_start3A_205, %dma_start3A_206] : memref<3x3x4096xf32, #tpu.memory_space<vmem>> -> memref<1x3x4096xf32, #tpu.memory_space<vmem>>
      %dma_start3A_208 = tpu.memref_squeeze %dma_start3A_207 : memref<1x3x4096xf32, #tpu.memory_space<vmem>> -> memref<3x4096xf32, #tpu.memory_space<vmem>>
      tpu.enqueue_dma source(%dma_start3A_208 : memref<3x4096xf32, #tpu.memory_space<vmem>>) target(%dma_start3A_204 : memref<3x4096xf32, #tpu.memory_space<hbm>>) target_semaphore(%run_scoped3A_193 : memref<!tpu.dma_semaphore, #tpu.memory_space<semaphore_mem>>)
      %dma_wait3A = arith.constant 0 : i32
      %dma_wait3A_209 = arith.constant 0 : i32
      %dma_wait3A_210 = tpu.memref_slice %arg7[%run_scoped3A_163, %dma_wait3A, %dma_wait3A_209] : memref<3x3x4096xf32, #tpu.memory_space<vmem>> -> memref<1x3x4096xf32, #tpu.memory_space<vmem>>
      %dma_wait3A_211 = tpu.memref_squeeze %dma_wait3A_210 : memref<1x3x4096xf32, #tpu.memory_space<vmem>> -> memref<3x4096xf32, #tpu.memory_space<vmem>>
      %dma_wait3A_212 = arith.constant 0 : i32
      %dma_wait3A_213 = arith.constant 0 : i32
      %dma_wait3A_214 = tpu.memref_slice %arg5[%select_n3A, %run_scoped3A_164, %add3A_155, %dma_wait3A_212, %dma_wait3A_213] : memref<8x6x16x3x4096xf32, #tpu.memory_space<hbm>> -> memref<1x1x1x3x4096xf32, #tpu.memory_space<hbm>>
      %dma_wait3A_215 = tpu.memref_squeeze %dma_wait3A_214 : memref<1x1x1x3x4096xf32, #tpu.memory_space<hbm>> -> memref<3x4096xf32, #tpu.memory_space<hbm>>
      %dma_wait3A_216 = arith.constant 0 : i32
      %dma_wait3A_217 = arith.constant 0 : i32
      %dma_wait3A_218 = tpu.memref_slice %arg5[%select_n3A, %run_scoped3A_164, %add3A_155, %dma_wait3A_216, %dma_wait3A_217] : memref<8x6x16x3x4096xf32, #tpu.memory_space<hbm>> -> memref<1x1x1x3x4096xf32, #tpu.memory_space<hbm>>
      %dma_wait3A_219 = tpu.memref_squeeze %dma_wait3A_218 : memref<1x1x1x3x4096xf32, #tpu.memory_space<hbm>> -> memref<3x4096xf32, #tpu.memory_space<hbm>>
      %dma_wait3A_220 = arith.constant 0 : i32
      %dma_wait3A_221 = arith.constant 0 : i32
      %dma_wait3A_222 = tpu.memref_slice %arg7[%run_scoped3A_163, %dma_wait3A_220, %dma_wait3A_221] : memref<3x3x4096xf32, #tpu.memory_space<vmem>> -> memref<1x3x4096xf32, #tpu.memory_space<vmem>>
      %dma_wait3A_223 = tpu.memref_squeeze %dma_wait3A_222 : memref<1x3x4096xf32, #tpu.memory_space<vmem>> -> memref<3x4096xf32, #tpu.memory_space<vmem>>
      tpu.wait_dma2 semaphore(%run_scoped3A_193 : memref<!tpu.dma_semaphore, #tpu.memory_space<semaphore_mem>>) src(%dma_wait3A_223 : memref<3x4096xf32, #tpu.memory_space<vmem>>) dst(%dma_wait3A_219 : memref<3x4096xf32, #tpu.memory_space<hbm>>)
      tpu.yield
    }) : () -> ()
    %scan3A_165 = arith.constant 0 : i32
    %scan3A_166 = arith.constant 0 : i32
    %scan3A_167 = arith.constant 256 : i32
    %scan3A_168 = arith.addi %scan3A_166, %scan3A_167 : i32
    %scan3A_169 = arith.constant 1 : i32
    %scan3A_170 = scf.for %scan3A_193 = %scan3A_166 to %scan3A_168 step %scan3A_169 iter_args(%scan3A_194 = %scan3A_165) -> (i32)  : i32 {
      %mul3A_195 = arith.constant 16 : i32
      %mul3A_196 = arith.muli %scan3A_193, %mul3A_195 : i32
      %get3A = arith.constant 0 : i32
      %get3A_197 = arith.index_cast %get3A : i32 to index
      %get3A_198 = arith.index_cast %mul3A_196 : i32 to index
      %get3A_199 = tpu.vector_load %arg9[%get3A_197, %get3A_198] {strides = array<i32>} : memref<3x4096xf32, #tpu.memory_space<vmem>>, vector<16xf32>,
      %mul3A_200 = arith.constant 16 : i32
      %mul3A_201 = arith.muli %scan3A_193, %mul3A_200 : i32
      %get3A_202 = arith.constant 0 : i32
      %get3A_203 = arith.constant 0 : i32
      %get3A_204 = arith.index_cast %get3A_202 : i32 to index
      %get3A_205 = arith.index_cast %get3A_203 : i32 to index
      %get3A_206 = arith.index_cast %mul3A_201 : i32 to index
      %get3A_207 = tpu.vector_load %arg7[%get3A_204, %get3A_205, %get3A_206] {strides = array<i32>} : memref<3x3x4096xf32, #tpu.memory_space<vmem>>, vector<16xf32>,
      %sub3A_208 = arith.subf %get3A_199, %get3A_207 : vector<16xf32>
      %mul3A_209 = arith.constant 16 : i32
      %mul3A_210 = arith.muli %scan3A_193, %mul3A_209 : i32
      %swap3A = arith.constant 0 : i32
      %swap3A_211 = arith.index_cast %swap3A : i32 to index
      %swap3A_212 = arith.index_cast %mul3A_210 : i32 to index
      %swap3A_213 = tpu.vector_load %arg10[%swap3A_211, %swap3A_212] {strides = array<i32>} : memref<3x4096xf32, #tpu.memory_space<vmem>>, vector<16xf32>,
      tpu.vector_store %arg10[%swap3A_211, %swap3A_212], %sub3A_208 {strides = array<i32>} : memref<3x4096xf32, #tpu.memory_space<vmem>>, vector<16xf32>,
      %mul3A_214 = arith.constant 16 : i32
      %mul3A_215 = arith.muli %scan3A_193, %mul3A_214 : i32
      %get3A_216 = arith.constant 0 : i32
      %get3A_217 = arith.constant 1 : i32
      %get3A_218 = arith.index_cast %get3A_216 : i32 to index
      %get3A_219 = arith.index_cast %get3A_217 : i32 to index
      %get3A_220 = arith.index_cast %mul3A_215 : i32 to index
      %get3A_221 = tpu.vector_load %arg7[%get3A_218, %get3A_219, %get3A_220] {strides = array<i32>} : memref<3x3x4096xf32, #tpu.memory_space<vmem>>, vector<16xf32>,
      %sub3A_222 = arith.subf %get3A_199, %get3A_221 : vector<16xf32>
      %mul3A_223 = arith.constant 16 : i32
      %mul3A_224 = arith.muli %scan3A_193, %mul3A_223 : i32
      %swap3A_225 = arith.constant 1 : i32
      %swap3A_226 = arith.index_cast %swap3A_225 : i32 to index
      %swap3A_227 = arith.index_cast %mul3A_224 : i32 to index
      %swap3A_228 = tpu.vector_load %arg10[%swap3A_226, %swap3A_227] {strides = array<i32>} : memref<3x4096xf32, #tpu.memory_space<vmem>>, vector<16xf32>,
      tpu.vector_store %arg10[%swap3A_226, %swap3A_227], %sub3A_222 {strides = array<i32>} : memref<3x4096xf32, #tpu.memory_space<vmem>>, vector<16xf32>,
      %mul3A_229 = arith.constant 16 : i32
      %mul3A_230 = arith.muli %scan3A_193, %mul3A_229 : i32
      %get3A_231 = arith.constant 0 : i32
      %get3A_232 = arith.constant 2 : i32
      %get3A_233 = arith.index_cast %get3A_231 : i32 to index
      %get3A_234 = arith.index_cast %get3A_232 : i32 to index
      %get3A_235 = arith.index_cast %mul3A_230 : i32 to index
      %get3A_236 = tpu.vector_load %arg7[%get3A_233, %get3A_234, %get3A_235] {strides = array<i32>} : memref<3x3x4096xf32, #tpu.memory_space<vmem>>, vector<16xf32>,
      %sub3A_237 = arith.subf %get3A_199, %get3A_236 : vector<16xf32>
      %mul3A_238 = arith.constant 16 : i32
      %mul3A_239 = arith.muli %scan3A_193, %mul3A_238 : i32
      %swap3A_240 = arith.constant 2 : i32
      %swap3A_241 = arith.index_cast %swap3A_240 : i32 to index
      %swap3A_242 = arith.index_cast %mul3A_239 : i32 to index
      %swap3A_243 = tpu.vector_load %arg10[%swap3A_241, %swap3A_242] {strides = array<i32>} : memref<3x4096xf32, #tpu.memory_space<vmem>>, vector<16xf32>,
      tpu.vector_store %arg10[%swap3A_241, %swap3A_242], %sub3A_237 {strides = array<i32>} : memref<3x4096xf32, #tpu.memory_space<vmem>>, vector<16xf32>,
      %scan3A_244 = arith.constant 0 : i32
      scf.yield %scan3A_244 : i32
    }
    %scan3A_171 = arith.constant 256 : i32
    %run_scoped3A_172 = arith.constant 3 : i32
    "tpu.region"() ({
      %run_scoped3A_193 = tpu.sem_alloc : memref<!tpu.dma_semaphore, #tpu.memory_space<semaphore_mem>>
      %dma_start3A = arith.constant 0 : i32
      %dma_start3A_194 = arith.constant 0 : i32
      %dma_start3A_195 = tpu.memref_slice %arg5[%select_n3A, %run_scoped3A_172, %add3A_155, %dma_start3A, %dma_start3A_194] : memref<8x6x16x3x4096xf32, #tpu.memory_space<hbm>> -> memref<1x1x1x3x4096xf32, #tpu.memory_space<hbm>>
      %dma_start3A_196 = tpu.memref_squeeze %dma_start3A_195 : memref<1x1x1x3x4096xf32, #tpu.memory_space<hbm>> -> memref<3x4096xf32, #tpu.memory_space<hbm>>
      %dma_start3A_197 = arith.constant 0 : i32
      %dma_start3A_198 = arith.constant 0 : i32
      %dma_start3A_199 = tpu.memref_slice %arg5[%select_n3A, %run_scoped3A_172, %add3A_155, %dma_start3A_197, %dma_start3A_198] : memref<8x6x16x3x4096xf32, #tpu.memory_space<hbm>> -> memref<1x1x1x3x4096xf32, #tpu.memory_space<hbm>>
      %dma_start3A_200 = tpu.memref_squeeze %dma_start3A_199 : memref<1x1x1x3x4096xf32, #tpu.memory_space<hbm>> -> memref<3x4096xf32, #tpu.memory_space<hbm>>
      tpu.enqueue_dma source(%arg10 : memref<3x4096xf32, #tpu.memory_space<vmem>>) target(%dma_start3A_200 : memref<3x4096xf32, #tpu.memory_space<hbm>>) target_semaphore(%run_scoped3A_193 : memref<!tpu.dma_semaphore, #tpu.memory_space<semaphore_mem>>)
      %dma_wait3A = arith.constant 0 : i32
      %dma_wait3A_201 = arith.constant 0 : i32
      %dma_wait3A_202 = tpu.memref_slice %arg5[%select_n3A, %run_scoped3A_172, %add3A_155, %dma_wait3A, %dma_wait3A_201] : memref<8x6x16x3x4096xf32, #tpu.memory_space<hbm>> -> memref<1x1x1x3x4096xf32, #tpu.memory_space<hbm>>
      %dma_wait3A_203 = tpu.memref_squeeze %dma_wait3A_202 : memref<1x1x1x3x4096xf32, #tpu.memory_space<hbm>> -> memref<3x4096xf32, #tpu.memory_space<hbm>>
      %dma_wait3A_204 = arith.constant 0 : i32
      %dma_wait3A_205 = arith.constant 0 : i32
      %dma_wait3A_206 = tpu.memref_slice %arg5[%select_n3A, %run_scoped3A_172, %add3A_155, %dma_wait3A_204, %dma_wait3A_205] : memref<8x6x16x3x4096xf32, #tpu.memory_space<hbm>> -> memref<1x1x1x3x4096xf32, #tpu.memory_space<hbm>>
      %dma_wait3A_207 = tpu.memref_squeeze %dma_wait3A_206 : memref<1x1x1x3x4096xf32, #tpu.memory_space<hbm>> -> memref<3x4096xf32, #tpu.memory_space<hbm>>
      tpu.wait_dma2 semaphore(%run_scoped3A_193 : memref<!tpu.dma_semaphore, #tpu.memory_space<semaphore_mem>>) src(%arg10 : memref<3x4096xf32, #tpu.memory_space<vmem>>) dst(%dma_wait3A_207 : memref<3x4096xf32, #tpu.memory_space<hbm>>)
      tpu.yield
    }) : () -> ()
    %run_scoped3A_173 = arith.constant 1 : i32
    %run_scoped3A_174 = arith.constant 1 : i32
    "tpu.region"() ({
      %run_scoped3A_193 = tpu.sem_alloc : memref<!tpu.dma_semaphore, #tpu.memory_space<semaphore_mem>>
      %dma_start3A = arith.constant 0 : i32
      %dma_start3A_194 = arith.constant 0 : i32
      %dma_start3A_195 = tpu.memref_slice %arg7[%run_scoped3A_173, %dma_start3A, %dma_start3A_194] : memref<3x3x4096xf32, #tpu.memory_space<vmem>> -> memref<1x3x4096xf32, #tpu.memory_space<vmem>>
      %dma_start3A_196 = tpu.memref_squeeze %dma_start3A_195 : memref<1x3x4096xf32, #tpu.memory_space<vmem>> -> memref<3x4096xf32, #tpu.memory_space<vmem>>
      %dma_start3A_197 = arith.constant 0 : i32
      %dma_start3A_198 = arith.constant 0 : i32
      %dma_start3A_199 = tpu.memref_slice %arg5[%select_n3A, %run_scoped3A_174, %add3A_155, %dma_start3A_197, %dma_start3A_198] : memref<8x6x16x3x4096xf32, #tpu.memory_space<hbm>> -> memref<1x1x1x3x4096xf32, #tpu.memory_space<hbm>>
      %dma_start3A_200 = tpu.memref_squeeze %dma_start3A_199 : memref<1x1x1x3x4096xf32, #tpu.memory_space<hbm>> -> memref<3x4096xf32, #tpu.memory_space<hbm>>
      %dma_start3A_201 = arith.constant 0 : i32
      %dma_start3A_202 = arith.constant 0 : i32
      %dma_start3A_203 = tpu.memref_slice %arg5[%select_n3A, %run_scoped3A_174, %add3A_155, %dma_start3A_201, %dma_start3A_202] : memref<8x6x16x3x4096xf32, #tpu.memory_space<hbm>> -> memref<1x1x1x3x4096xf32, #tpu.memory_space<hbm>>
      %dma_start3A_204 = tpu.memref_squeeze %dma_start3A_203 : memref<1x1x1x3x4096xf32, #tpu.memory_space<hbm>> -> memref<3x4096xf32, #tpu.memory_space<hbm>>
      %dma_start3A_205 = arith.constant 0 : i32
      %dma_start3A_206 = arith.constant 0 : i32
      %dma_start3A_207 = tpu.memref_slice %arg7[%run_scoped3A_173, %dma_start3A_205, %dma_start3A_206] : memref<3x3x4096xf32, #tpu.memory_space<vmem>> -> memref<1x3x4096xf32, #tpu.memory_space<vmem>>
      %dma_start3A_208 = tpu.memref_squeeze %dma_start3A_207 : memref<1x3x4096xf32, #tpu.memory_space<vmem>> -> memref<3x4096xf32, #tpu.memory_space<vmem>>
      tpu.enqueue_dma source(%dma_start3A_208 : memref<3x4096xf32, #tpu.memory_space<vmem>>) target(%dma_start3A_204 : memref<3x4096xf32, #tpu.memory_space<hbm>>) target_semaphore(%run_scoped3A_193 : memref<!tpu.dma_semaphore, #tpu.memory_space<semaphore_mem>>)
      %dma_wait3A = arith.constant 0 : i32
      %dma_wait3A_209 = arith.constant 0 : i32
      %dma_wait3A_210 = tpu.memref_slice %arg7[%run_scoped3A_173, %dma_wait3A, %dma_wait3A_209] : memref<3x3x4096xf32, #tpu.memory_space<vmem>> -> memref<1x3x4096xf32, #tpu.memory_space<vmem>>
      %dma_wait3A_211 = tpu.memref_squeeze %dma_wait3A_210 : memref<1x3x4096xf32, #tpu.memory_space<vmem>> -> memref<3x4096xf32, #tpu.memory_space<vmem>>
      %dma_wait3A_212 = arith.constant 0 : i32
      %dma_wait3A_213 = arith.constant 0 : i32
      %dma_wait3A_214 = tpu.memref_slice %arg5[%select_n3A, %run_scoped3A_174, %add3A_155, %dma_wait3A_212, %dma_wait3A_213] : memref<8x6x16x3x4096xf32, #tpu.memory_space<hbm>> -> memref<1x1x1x3x4096xf32, #tpu.memory_space<hbm>>
      %dma_wait3A_215 = tpu.memref_squeeze %dma_wait3A_214 : memref<1x1x1x3x4096xf32, #tpu.memory_space<hbm>> -> memref<3x4096xf32, #tpu.memory_space<hbm>>
      %dma_wait3A_216 = arith.constant 0 : i32
      %dma_wait3A_217 = arith.constant 0 : i32
      %dma_wait3A_218 = tpu.memref_slice %arg5[%select_n3A, %run_scoped3A_174, %add3A_155, %dma_wait3A_216, %dma_wait3A_217] : memref<8x6x16x3x4096xf32, #tpu.memory_space<hbm>> -> memref<1x1x1x3x4096xf32, #tpu.memory_space<hbm>>
      %dma_wait3A_219 = tpu.memref_squeeze %dma_wait3A_218 : memref<1x1x1x3x4096xf32, #tpu.memory_space<hbm>> -> memref<3x4096xf32, #tpu.memory_space<hbm>>
      %dma_wait3A_220 = arith.constant 0 : i32
      %dma_wait3A_221 = arith.constant 0 : i32
      %dma_wait3A_222 = tpu.memref_slice %arg7[%run_scoped3A_173, %dma_wait3A_220, %dma_wait3A_221] : memref<3x3x4096xf32, #tpu.memory_space<vmem>> -> memref<1x3x4096xf32, #tpu.memory_space<vmem>>
      %dma_wait3A_223 = tpu.memref_squeeze %dma_wait3A_222 : memref<1x3x4096xf32, #tpu.memory_space<vmem>> -> memref<3x4096xf32, #tpu.memory_space<vmem>>
      tpu.wait_dma2 semaphore(%run_scoped3A_193 : memref<!tpu.dma_semaphore, #tpu.memory_space<semaphore_mem>>) src(%dma_wait3A_223 : memref<3x4096xf32, #tpu.memory_space<vmem>>) dst(%dma_wait3A_219 : memref<3x4096xf32, #tpu.memory_space<hbm>>)
      tpu.yield
    }) : () -> ()
    %scan3A_175 = arith.constant 0 : i32
    %scan3A_176 = arith.constant 0 : i32
    %scan3A_177 = arith.constant 256 : i32
    %scan3A_178 = arith.addi %scan3A_176, %scan3A_177 : i32
    %scan3A_179 = arith.constant 1 : i32
    %scan3A_180 = scf.for %scan3A_193 = %scan3A_176 to %scan3A_178 step %scan3A_179 iter_args(%scan3A_194 = %scan3A_175) -> (i32)  : i32 {
      %mul3A_195 = arith.constant 16 : i32
      %mul3A_196 = arith.muli %scan3A_193, %mul3A_195 : i32
      %get3A = arith.constant 1 : i32
      %get3A_197 = arith.index_cast %get3A : i32 to index
      %get3A_198 = arith.index_cast %mul3A_196 : i32 to index
      %get3A_199 = tpu.vector_load %arg9[%get3A_197, %get3A_198] {strides = array<i32>} : memref<3x4096xf32, #tpu.memory_space<vmem>>, vector<16xf32>,
      %mul3A_200 = arith.constant 16 : i32
      %mul3A_201 = arith.muli %scan3A_193, %mul3A_200 : i32
      %get3A_202 = arith.constant 1 : i32
      %get3A_203 = arith.constant 0 : i32
      %get3A_204 = arith.index_cast %get3A_202 : i32 to index
      %get3A_205 = arith.index_cast %get3A_203 : i32 to index
      %get3A_206 = arith.index_cast %mul3A_201 : i32 to index
      %get3A_207 = tpu.vector_load %arg7[%get3A_204, %get3A_205, %get3A_206] {strides = array<i32>} : memref<3x3x4096xf32, #tpu.memory_space<vmem>>, vector<16xf32>,
      %sub3A_208 = arith.subf %get3A_199, %get3A_207 : vector<16xf32>
      %mul3A_209 = arith.constant 16 : i32
      %mul3A_210 = arith.muli %scan3A_193, %mul3A_209 : i32
      %swap3A = arith.constant 0 : i32
      %swap3A_211 = arith.index_cast %swap3A : i32 to index
      %swap3A_212 = arith.index_cast %mul3A_210 : i32 to index
      %swap3A_213 = tpu.vector_load %arg10[%swap3A_211, %swap3A_212] {strides = array<i32>} : memref<3x4096xf32, #tpu.memory_space<vmem>>, vector<16xf32>,
      tpu.vector_store %arg10[%swap3A_211, %swap3A_212], %sub3A_208 {strides = array<i32>} : memref<3x4096xf32, #tpu.memory_space<vmem>>, vector<16xf32>,
      %mul3A_214 = arith.constant 16 : i32
      %mul3A_215 = arith.muli %scan3A_193, %mul3A_214 : i32
      %get3A_216 = arith.constant 1 : i32
      %get3A_217 = arith.constant 1 : i32
      %get3A_218 = arith.index_cast %get3A_216 : i32 to index
      %get3A_219 = arith.index_cast %get3A_217 : i32 to index
      %get3A_220 = arith.index_cast %mul3A_215 : i32 to index
      %get3A_221 = tpu.vector_load %arg7[%get3A_218, %get3A_219, %get3A_220] {strides = array<i32>} : memref<3x3x4096xf32, #tpu.memory_space<vmem>>, vector<16xf32>,
      %sub3A_222 = arith.subf %get3A_199, %get3A_221 : vector<16xf32>
      %mul3A_223 = arith.constant 16 : i32
      %mul3A_224 = arith.muli %scan3A_193, %mul3A_223 : i32
      %swap3A_225 = arith.constant 1 : i32
      %swap3A_226 = arith.index_cast %swap3A_225 : i32 to index
      %swap3A_227 = arith.index_cast %mul3A_224 : i32 to index
      %swap3A_228 = tpu.vector_load %arg10[%swap3A_226, %swap3A_227] {strides = array<i32>} : memref<3x4096xf32, #tpu.memory_space<vmem>>, vector<16xf32>,
      tpu.vector_store %arg10[%swap3A_226, %swap3A_227], %sub3A_222 {strides = array<i32>} : memref<3x4096xf32, #tpu.memory_space<vmem>>, vector<16xf32>,
      %mul3A_229 = arith.constant 16 : i32
      %mul3A_230 = arith.muli %scan3A_193, %mul3A_229 : i32
      %get3A_231 = arith.constant 1 : i32
      %get3A_232 = arith.constant 2 : i32
      %get3A_233 = arith.index_cast %get3A_231 : i32 to index
      %get3A_234 = arith.index_cast %get3A_232 : i32 to index
      %get3A_235 = arith.index_cast %mul3A_230 : i32 to index
      %get3A_236 = tpu.vector_load %arg7[%get3A_233, %get3A_234, %get3A_235] {strides = array<i32>} : memref<3x3x4096xf32, #tpu.memory_space<vmem>>, vector<16xf32>,
      %sub3A_237 = arith.subf %get3A_199, %get3A_236 : vector<16xf32>
      %mul3A_238 = arith.constant 16 : i32
      %mul3A_239 = arith.muli %scan3A_193, %mul3A_238 : i32
      %swap3A_240 = arith.constant 2 : i32
      %swap3A_241 = arith.index_cast %swap3A_240 : i32 to index
      %swap3A_242 = arith.index_cast %mul3A_239 : i32 to index
      %swap3A_243 = tpu.vector_load %arg10[%swap3A_241, %swap3A_242] {strides = array<i32>} : memref<3x4096xf32, #tpu.memory_space<vmem>>, vector<16xf32>,
      tpu.vector_store %arg10[%swap3A_241, %swap3A_242], %sub3A_237 {strides = array<i32>} : memref<3x4096xf32, #tpu.memory_space<vmem>>, vector<16xf32>,
      %scan3A_244 = arith.constant 0 : i32
      scf.yield %scan3A_244 : i32
    }
    %scan3A_181 = arith.constant 256 : i32
    %run_scoped3A_182 = arith.constant 4 : i32
    "tpu.region"() ({
      %run_scoped3A_193 = tpu.sem_alloc : memref<!tpu.dma_semaphore, #tpu.memory_space<semaphore_mem>>
      %dma_start3A = arith.constant 0 : i32
      %dma_start3A_194 = arith.constant 0 : i32
      %dma_start3A_195 = tpu.memref_slice %arg5[%select_n3A, %run_scoped3A_182, %add3A_155, %dma_start3A, %dma_start3A_194] : memref<8x6x16x3x4096xf32, #tpu.memory_space<hbm>> -> memref<1x1x1x3x4096xf32, #tpu.memory_space<hbm>>
      %dma_start3A_196 = tpu.memref_squeeze %dma_start3A_195 : memref<1x1x1x3x4096xf32, #tpu.memory_space<hbm>> -> memref<3x4096xf32, #tpu.memory_space<hbm>>
      %dma_start3A_197 = arith.constant 0 : i32
      %dma_start3A_198 = arith.constant 0 : i32
      %dma_start3A_199 = tpu.memref_slice %arg5[%select_n3A, %run_scoped3A_182, %add3A_155, %dma_start3A_197, %dma_start3A_198] : memref<8x6x16x3x4096xf32, #tpu.memory_space<hbm>> -> memref<1x1x1x3x4096xf32, #tpu.memory_space<hbm>>
      %dma_start3A_200 = tpu.memref_squeeze %dma_start3A_199 : memref<1x1x1x3x4096xf32, #tpu.memory_space<hbm>> -> memref<3x4096xf32, #tpu.memory_space<hbm>>
      tpu.enqueue_dma source(%arg10 : memref<3x4096xf32, #tpu.memory_space<vmem>>) target(%dma_start3A_200 : memref<3x4096xf32, #tpu.memory_space<hbm>>) target_semaphore(%run_scoped3A_193 : memref<!tpu.dma_semaphore, #tpu.memory_space<semaphore_mem>>)
      %dma_wait3A = arith.constant 0 : i32
      %dma_wait3A_201 = arith.constant 0 : i32
      %dma_wait3A_202 = tpu.memref_slice %arg5[%select_n3A, %run_scoped3A_182, %add3A_155, %dma_wait3A, %dma_wait3A_201] : memref<8x6x16x3x4096xf32, #tpu.memory_space<hbm>> -> memref<1x1x1x3x4096xf32, #tpu.memory_space<hbm>>
      %dma_wait3A_203 = tpu.memref_squeeze %dma_wait3A_202 : memref<1x1x1x3x4096xf32, #tpu.memory_space<hbm>> -> memref<3x4096xf32, #tpu.memory_space<hbm>>
      %dma_wait3A_204 = arith.constant 0 : i32
      %dma_wait3A_205 = arith.constant 0 : i32
      %dma_wait3A_206 = tpu.memref_slice %arg5[%select_n3A, %run_scoped3A_182, %add3A_155, %dma_wait3A_204, %dma_wait3A_205] : memref<8x6x16x3x4096xf32, #tpu.memory_space<hbm>> -> memref<1x1x1x3x4096xf32, #tpu.memory_space<hbm>>
      %dma_wait3A_207 = tpu.memref_squeeze %dma_wait3A_206 : memref<1x1x1x3x4096xf32, #tpu.memory_space<hbm>> -> memref<3x4096xf32, #tpu.memory_space<hbm>>
      tpu.wait_dma2 semaphore(%run_scoped3A_193 : memref<!tpu.dma_semaphore, #tpu.memory_space<semaphore_mem>>) src(%arg10 : memref<3x4096xf32, #tpu.memory_space<vmem>>) dst(%dma_wait3A_207 : memref<3x4096xf32, #tpu.memory_space<hbm>>)
      tpu.yield
    }) : () -> ()
    %run_scoped3A_183 = arith.constant 2 : i32
    %run_scoped3A_184 = arith.constant 2 : i32
    "tpu.region"() ({
      %run_scoped3A_193 = tpu.sem_alloc : memref<!tpu.dma_semaphore, #tpu.memory_space<semaphore_mem>>
      %dma_start3A = arith.constant 0 : i32
      %dma_start3A_194 = arith.constant 0 : i32
      %dma_start3A_195 = tpu.memref_slice %arg7[%run_scoped3A_183, %dma_start3A, %dma_start3A_194] : memref<3x3x4096xf32, #tpu.memory_space<vmem>> -> memref<1x3x4096xf32, #tpu.memory_space<vmem>>
      %dma_start3A_196 = tpu.memref_squeeze %dma_start3A_195 : memref<1x3x4096xf32, #tpu.memory_space<vmem>> -> memref<3x4096xf32, #tpu.memory_space<vmem>>
      %dma_start3A_197 = arith.constant 0 : i32
      %dma_start3A_198 = arith.constant 0 : i32
      %dma_start3A_199 = tpu.memref_slice %arg5[%select_n3A, %run_scoped3A_184, %add3A_155, %dma_start3A_197, %dma_start3A_198] : memref<8x6x16x3x4096xf32, #tpu.memory_space<hbm>> -> memref<1x1x1x3x4096xf32, #tpu.memory_space<hbm>>
      %dma_start3A_200 = tpu.memref_squeeze %dma_start3A_199 : memref<1x1x1x3x4096xf32, #tpu.memory_space<hbm>> -> memref<3x4096xf32, #tpu.memory_space<hbm>>
      %dma_start3A_201 = arith.constant 0 : i32
      %dma_start3A_202 = arith.constant 0 : i32
      %dma_start3A_203 = tpu.memref_slice %arg5[%select_n3A, %run_scoped3A_184, %add3A_155, %dma_start3A_201, %dma_start3A_202] : memref<8x6x16x3x4096xf32, #tpu.memory_space<hbm>> -> memref<1x1x1x3x4096xf32, #tpu.memory_space<hbm>>
      %dma_start3A_204 = tpu.memref_squeeze %dma_start3A_203 : memref<1x1x1x3x4096xf32, #tpu.memory_space<hbm>> -> memref<3x4096xf32, #tpu.memory_space<hbm>>
      %dma_start3A_205 = arith.constant 0 : i32
      %dma_start3A_206 = arith.constant 0 : i32
      %dma_start3A_207 = tpu.memref_slice %arg7[%run_scoped3A_183, %dma_start3A_205, %dma_start3A_206] : memref<3x3x4096xf32, #tpu.memory_space<vmem>> -> memref<1x3x4096xf32, #tpu.memory_space<vmem>>
      %dma_start3A_208 = tpu.memref_squeeze %dma_start3A_207 : memref<1x3x4096xf32, #tpu.memory_space<vmem>> -> memref<3x4096xf32, #tpu.memory_space<vmem>>
      tpu.enqueue_dma source(%dma_start3A_208 : memref<3x4096xf32, #tpu.memory_space<vmem>>) target(%dma_start3A_204 : memref<3x4096xf32, #tpu.memory_space<hbm>>) target_semaphore(%run_scoped3A_193 : memref<!tpu.dma_semaphore, #tpu.memory_space<semaphore_mem>>)
      %dma_wait3A = arith.constant 0 : i32
      %dma_wait3A_209 = arith.constant 0 : i32
      %dma_wait3A_210 = tpu.memref_slice %arg7[%run_scoped3A_183, %dma_wait3A, %dma_wait3A_209] : memref<3x3x4096xf32, #tpu.memory_space<vmem>> -> memref<1x3x4096xf32, #tpu.memory_space<vmem>>
      %dma_wait3A_211 = tpu.memref_squeeze %dma_wait3A_210 : memref<1x3x4096xf32, #tpu.memory_space<vmem>> -> memref<3x4096xf32, #tpu.memory_space<vmem>>
      %dma_wait3A_212 = arith.constant 0 : i32
      %dma_wait3A_213 = arith.constant 0 : i32
      %dma_wait3A_214 = tpu.memref_slice %arg5[%select_n3A, %run_scoped3A_184, %add3A_155, %dma_wait3A_212, %dma_wait3A_213] : memref<8x6x16x3x4096xf32, #tpu.memory_space<hbm>> -> memref<1x1x1x3x4096xf32, #tpu.memory_space<hbm>>
      %dma_wait3A_215 = tpu.memref_squeeze %dma_wait3A_214 : memref<1x1x1x3x4096xf32, #tpu.memory_space<hbm>> -> memref<3x4096xf32, #tpu.memory_space<hbm>>
      %dma_wait3A_216 = arith.constant 0 : i32
      %dma_wait3A_217 = arith.constant 0 : i32
      %dma_wait3A_218 = tpu.memref_slice %arg5[%select_n3A, %run_scoped3A_184, %add3A_155, %dma_wait3A_216, %dma_wait3A_217] : memref<8x6x16x3x4096xf32, #tpu.memory_space<hbm>> -> memref<1x1x1x3x4096xf32, #tpu.memory_space<hbm>>
      %dma_wait3A_219 = tpu.memref_squeeze %dma_wait3A_218 : memref<1x1x1x3x4096xf32, #tpu.memory_space<hbm>> -> memref<3x4096xf32, #tpu.memory_space<hbm>>
      %dma_wait3A_220 = arith.constant 0 : i32
      %dma_wait3A_221 = arith.constant 0 : i32
      %dma_wait3A_222 = tpu.memref_slice %arg7[%run_scoped3A_183, %dma_wait3A_220, %dma_wait3A_221] : memref<3x3x4096xf32, #tpu.memory_space<vmem>> -> memref<1x3x4096xf32, #tpu.memory_space<vmem>>
      %dma_wait3A_223 = tpu.memref_squeeze %dma_wait3A_222 : memref<1x3x4096xf32, #tpu.memory_space<vmem>> -> memref<3x4096xf32, #tpu.memory_space<vmem>>
      tpu.wait_dma2 semaphore(%run_scoped3A_193 : memref<!tpu.dma_semaphore, #tpu.memory_space<semaphore_mem>>) src(%dma_wait3A_223 : memref<3x4096xf32, #tpu.memory_space<vmem>>) dst(%dma_wait3A_219 : memref<3x4096xf32, #tpu.memory_space<hbm>>)
      tpu.yield
    }) : () -> ()
    %scan3A_185 = arith.constant 0 : i32
    %scan3A_186 = arith.constant 0 : i32
    %scan3A_187 = arith.constant 256 : i32
    %scan3A_188 = arith.addi %scan3A_186, %scan3A_187 : i32
    %scan3A_189 = arith.constant 1 : i32
    %scan3A_190 = scf.for %scan3A_193 = %scan3A_186 to %scan3A_188 step %scan3A_189 iter_args(%scan3A_194 = %scan3A_185) -> (i32)  : i32 {
      %mul3A_195 = arith.constant 16 : i32
      %mul3A_196 = arith.muli %scan3A_193, %mul3A_195 : i32
      %get3A = arith.constant 2 : i32
      %get3A_197 = arith.index_cast %get3A : i32 to index
      %get3A_198 = arith.index_cast %mul3A_196 : i32 to index
      %get3A_199 = tpu.vector_load %arg9[%get3A_197, %get3A_198] {strides = array<i32>} : memref<3x4096xf32, #tpu.memory_space<vmem>>, vector<16xf32>,
      %mul3A_200 = arith.constant 16 : i32
      %mul3A_201 = arith.muli %scan3A_193, %mul3A_200 : i32
      %get3A_202 = arith.constant 2 : i32
      %get3A_203 = arith.constant 0 : i32
      %get3A_204 = arith.index_cast %get3A_202 : i32 to index
      %get3A_205 = arith.index_cast %get3A_203 : i32 to index
      %get3A_206 = arith.index_cast %mul3A_201 : i32 to index
      %get3A_207 = tpu.vector_load %arg7[%get3A_204, %get3A_205, %get3A_206] {strides = array<i32>} : memref<3x3x4096xf32, #tpu.memory_space<vmem>>, vector<16xf32>,
      %sub3A_208 = arith.subf %get3A_199, %get3A_207 : vector<16xf32>
      %mul3A_209 = arith.constant 16 : i32
      %mul3A_210 = arith.muli %scan3A_193, %mul3A_209 : i32
      %swap3A = arith.constant 0 : i32
      %swap3A_211 = arith.index_cast %swap3A : i32 to index
      %swap3A_212 = arith.index_cast %mul3A_210 : i32 to index
      %swap3A_213 = tpu.vector_load %arg10[%swap3A_211, %swap3A_212] {strides = array<i32>} : memref<3x4096xf32, #tpu.memory_space<vmem>>, vector<16xf32>,
      tpu.vector_store %arg10[%swap3A_211, %swap3A_212], %sub3A_208 {strides = array<i32>} : memref<3x4096xf32, #tpu.memory_space<vmem>>, vector<16xf32>,
      %mul3A_214 = arith.constant 16 : i32
      %mul3A_215 = arith.muli %scan3A_193, %mul3A_214 : i32
      %get3A_216 = arith.constant 2 : i32
      %get3A_217 = arith.constant 1 : i32
      %get3A_218 = arith.index_cast %get3A_216 : i32 to index
      %get3A_219 = arith.index_cast %get3A_217 : i32 to index
      %get3A_220 = arith.index_cast %mul3A_215 : i32 to index
      %get3A_221 = tpu.vector_load %arg7[%get3A_218, %get3A_219, %get3A_220] {strides = array<i32>} : memref<3x3x4096xf32, #tpu.memory_space<vmem>>, vector<16xf32>,
      %sub3A_222 = arith.subf %get3A_199, %get3A_221 : vector<16xf32>
      %mul3A_223 = arith.constant 16 : i32
      %mul3A_224 = arith.muli %scan3A_193, %mul3A_223 : i32
      %swap3A_225 = arith.constant 1 : i32
      %swap3A_226 = arith.index_cast %swap3A_225 : i32 to index
      %swap3A_227 = arith.index_cast %mul3A_224 : i32 to index
      %swap3A_228 = tpu.vector_load %arg10[%swap3A_226, %swap3A_227] {strides = array<i32>} : memref<3x4096xf32, #tpu.memory_space<vmem>>, vector<16xf32>,
      tpu.vector_store %arg10[%swap3A_226, %swap3A_227], %sub3A_222 {strides = array<i32>} : memref<3x4096xf32, #tpu.memory_space<vmem>>, vector<16xf32>,
      %mul3A_229 = arith.constant 16 : i32
      %mul3A_230 = arith.muli %scan3A_193, %mul3A_229 : i32
      %get3A_231 = arith.constant 2 : i32
      %get3A_232 = arith.constant 2 : i32
      %get3A_233 = arith.index_cast %get3A_231 : i32 to index
      %get3A_234 = arith.index_cast %get3A_232 : i32 to index
      %get3A_235 = arith.index_cast %mul3A_230 : i32 to index
      %get3A_236 = tpu.vector_load %arg7[%get3A_233, %get3A_234, %get3A_235] {strides = array<i32>} : memref<3x3x4096xf32, #tpu.memory_space<vmem>>, vector<16xf32>,
      %sub3A_237 = arith.subf %get3A_199, %get3A_236 : vector<16xf32>
      %mul3A_238 = arith.constant 16 : i32
      %mul3A_239 = arith.muli %scan3A_193, %mul3A_238 : i32
      %swap3A_240 = arith.constant 2 : i32
      %swap3A_241 = arith.index_cast %swap3A_240 : i32 to index
      %swap3A_242 = arith.index_cast %mul3A_239 : i32 to index
      %swap3A_243 = tpu.vector_load %arg10[%swap3A_241, %swap3A_242] {strides = array<i32>} : memref<3x4096xf32, #tpu.memory_space<vmem>>, vector<16xf32>,
      tpu.vector_store %arg10[%swap3A_241, %swap3A_242], %sub3A_237 {strides = array<i32>} : memref<3x4096xf32, #tpu.memory_space<vmem>>, vector<16xf32>,
      %scan3A_244 = arith.constant 0 : i32
      scf.yield %scan3A_244 : i32
    }
    %scan3A_191 = arith.constant 256 : i32
    %run_scoped3A_192 = arith.constant 5 : i32
    "tpu.region"() ({
      %run_scoped3A_193 = tpu.sem_alloc : memref<!tpu.dma_semaphore, #tpu.memory_space<semaphore_mem>>
      %dma_start3A = arith.constant 0 : i32
      %dma_start3A_194 = arith.constant 0 : i32
      %dma_start3A_195 = tpu.memref_slice %arg5[%select_n3A, %run_scoped3A_192, %add3A_155, %dma_start3A, %dma_start3A_194] : memref<8x6x16x3x4096xf32, #tpu.memory_space<hbm>> -> memref<1x1x1x3x4096xf32, #tpu.memory_space<hbm>>
      %dma_start3A_196 = tpu.memref_squeeze %dma_start3A_195 : memref<1x1x1x3x4096xf32, #tpu.memory_space<hbm>> -> memref<3x4096xf32, #tpu.memory_space<hbm>>
      %dma_start3A_197 = arith.constant 0 : i32
      %dma_start3A_198 = arith.constant 0 : i32
      %dma_start3A_199 = tpu.memref_slice %arg5[%select_n3A, %run_scoped3A_192, %add3A_155, %dma_start3A_197, %dma_start3A_198] : memref<8x6x16x3x4096xf32, #tpu.memory_space<hbm>> -> memref<1x1x1x3x4096xf32, #tpu.memory_space<hbm>>
      %dma_start3A_200 = tpu.memref_squeeze %dma_start3A_199 : memref<1x1x1x3x4096xf32, #tpu.memory_space<hbm>> -> memref<3x4096xf32, #tpu.memory_space<hbm>>
      tpu.enqueue_dma source(%arg10 : memref<3x4096xf32, #tpu.memory_space<vmem>>) target(%dma_start3A_200 : memref<3x4096xf32, #tpu.memory_space<hbm>>) target_semaphore(%run_scoped3A_193 : memref<!tpu.dma_semaphore, #tpu.memory_space<semaphore_mem>>)
      %dma_wait3A = arith.constant 0 : i32
      %dma_wait3A_201 = arith.constant 0 : i32
      %dma_wait3A_202 = tpu.memref_slice %arg5[%select_n3A, %run_scoped3A_192, %add3A_155, %dma_wait3A, %dma_wait3A_201] : memref<8x6x16x3x4096xf32, #tpu.memory_space<hbm>> -> memref<1x1x1x3x4096xf32, #tpu.memory_space<hbm>>
      %dma_wait3A_203 = tpu.memref_squeeze %dma_wait3A_202 : memref<1x1x1x3x4096xf32, #tpu.memory_space<hbm>> -> memref<3x4096xf32, #tpu.memory_space<hbm>>
      %dma_wait3A_204 = arith.constant 0 : i32
      %dma_wait3A_205 = arith.constant 0 : i32
      %dma_wait3A_206 = tpu.memref_slice %arg5[%select_n3A, %run_scoped3A_192, %add3A_155, %dma_wait3A_204, %dma_wait3A_205] : memref<8x6x16x3x4096xf32, #tpu.memory_space<hbm>> -> memref<1x1x1x3x4096xf32, #tpu.memory_space<hbm>>
      %dma_wait3A_207 = tpu.memref_squeeze %dma_wait3A_206 : memref<1x1x1x3x4096xf32, #tpu.memory_space<hbm>> -> memref<3x4096xf32, #tpu.memory_space<hbm>>
      tpu.wait_dma2 semaphore(%run_scoped3A_193 : memref<!tpu.dma_semaphore, #tpu.memory_space<semaphore_mem>>) src(%arg10 : memref<3x4096xf32, #tpu.memory_space<vmem>>) dst(%dma_wait3A_207 : memref<3x4096xf32, #tpu.memory_space<hbm>>)
      tpu.yield
    }) : () -> ()
    return
  }
}

module attributes {stable_mosaic.version = 14 : i64} {
  func.func @_knn_body(%arg0: i32, %arg1: i32, %arg2: memref<1x3x4096xf32, #tpu.memory_space<vmem>>, %arg3: memref<1x3x256xf32, #tpu.memory_space<vmem>>, %arg4: memref<1x16x256xi32, #tpu.memory_space<vmem>>, %arg5: memref<256x4096xf32, #tpu.memory_space<vmem>>) attributes {dimension_semantics = [#tpu.dimension_semantics<arbitrary>, #tpu.dimension_semantics<arbitrary>], iteration_bounds = array<i64: 8, 16>, scalar_prefetch = 0 : i64, scratch_operands = 1 : i64, tpu.core_type = #tpu.core_type<tc>, window_params = [{transform_indices = @transform_0, window_bounds = array<i64: 1, 3, 4096>}, {transform_indices = @transform_1, window_bounds = array<i64: 1, 3, 256>}, {transform_indices = @transform_2, window_bounds = array<i64: 1, 16, 256>}]} {
    %get3A = arith.constant 0 : index
    %get3A_0 = arith.constant 0 : index
    %get3A_1 = arith.constant 0 : index
    %get3A_2 = vector.load %arg2[%get3A, %get3A_0, %get3A_1] : memref<1x3x4096xf32, #tpu.memory_space<vmem>>, vector<1x3x4096xf32>
    %get3A_3 = vector.shape_cast %get3A_2 : vector<1x3x4096xf32> to vector<3x4096xf32>
    %get3A_4 = arith.constant 0 : index
    %get3A_5 = arith.constant 0 : index
    %get3A_6 = arith.constant 0 : index
    %get3A_7 = vector.load %arg3[%get3A_4, %get3A_5, %get3A_6] : memref<1x3x256xf32, #tpu.memory_space<vmem>>, vector<1x3x256xf32>
    %get3A_8 = vector.shape_cast %get3A_7 : vector<1x3x256xf32> to vector<3x256xf32>
    %slice3A = vector.extract_strided_slice %get3A_3 {offsets = [0, 0], sizes = [1, 4096], strides = [1, 1]} : vector<3x4096xf32> to vector<1x4096xf32>
    %squeeze3A = vector.shape_cast %slice3A : vector<1x4096xf32> to vector<4096xf32>
    %slice3A_9 = vector.extract_strided_slice %get3A_3 {offsets = [0, 0], sizes = [1, 4096], strides = [1, 1]} : vector<3x4096xf32> to vector<1x4096xf32>
    %squeeze3A_10 = vector.shape_cast %slice3A_9 : vector<1x4096xf32> to vector<4096xf32>
    %mul3A = arith.mulf %squeeze3A, %squeeze3A_10 : vector<4096xf32>
    %slice3A_11 = vector.extract_strided_slice %get3A_3 {offsets = [1, 0], sizes = [1, 4096], strides = [1, 1]} : vector<3x4096xf32> to vector<1x4096xf32>
    %squeeze3A_12 = vector.shape_cast %slice3A_11 : vector<1x4096xf32> to vector<4096xf32>
    %slice3A_13 = vector.extract_strided_slice %get3A_3 {offsets = [1, 0], sizes = [1, 4096], strides = [1, 1]} : vector<3x4096xf32> to vector<1x4096xf32>
    %squeeze3A_14 = vector.shape_cast %slice3A_13 : vector<1x4096xf32> to vector<4096xf32>
    %mul3A_15 = arith.mulf %squeeze3A_12, %squeeze3A_14 : vector<4096xf32>
    %add3A = arith.addf %mul3A, %mul3A_15 : vector<4096xf32>
    %slice3A_16 = vector.extract_strided_slice %get3A_3 {offsets = [2, 0], sizes = [1, 4096], strides = [1, 1]} : vector<3x4096xf32> to vector<1x4096xf32>
    %squeeze3A_17 = vector.shape_cast %slice3A_16 : vector<1x4096xf32> to vector<4096xf32>
    %slice3A_18 = vector.extract_strided_slice %get3A_3 {offsets = [2, 0], sizes = [1, 4096], strides = [1, 1]} : vector<3x4096xf32> to vector<1x4096xf32>
    %squeeze3A_19 = vector.shape_cast %slice3A_18 : vector<1x4096xf32> to vector<4096xf32>
    %mul3A_20 = arith.mulf %squeeze3A_17, %squeeze3A_19 : vector<4096xf32>
    %add3A_21 = arith.addf %add3A, %mul3A_20 : vector<4096xf32>
    %slice3A_22 = vector.extract_strided_slice %get3A_8 {offsets = [0, 0], sizes = [1, 256], strides = [1, 1]} : vector<3x256xf32> to vector<1x256xf32>
    %squeeze3A_23 = vector.shape_cast %slice3A_22 : vector<1x256xf32> to vector<256xf32>
    %slice3A_24 = vector.extract_strided_slice %get3A_8 {offsets = [0, 0], sizes = [1, 256], strides = [1, 1]} : vector<3x256xf32> to vector<1x256xf32>
    %squeeze3A_25 = vector.shape_cast %slice3A_24 : vector<1x256xf32> to vector<256xf32>
    %mul3A_26 = arith.mulf %squeeze3A_23, %squeeze3A_25 : vector<256xf32>
    %slice3A_27 = vector.extract_strided_slice %get3A_8 {offsets = [1, 0], sizes = [1, 256], strides = [1, 1]} : vector<3x256xf32> to vector<1x256xf32>
    %squeeze3A_28 = vector.shape_cast %slice3A_27 : vector<1x256xf32> to vector<256xf32>
    %slice3A_29 = vector.extract_strided_slice %get3A_8 {offsets = [1, 0], sizes = [1, 256], strides = [1, 1]} : vector<3x256xf32> to vector<1x256xf32>
    %squeeze3A_30 = vector.shape_cast %slice3A_29 : vector<1x256xf32> to vector<256xf32>
    %mul3A_31 = arith.mulf %squeeze3A_28, %squeeze3A_30 : vector<256xf32>
    %add3A_32 = arith.addf %mul3A_26, %mul3A_31 : vector<256xf32>
    %slice3A_33 = vector.extract_strided_slice %get3A_8 {offsets = [2, 0], sizes = [1, 256], strides = [1, 1]} : vector<3x256xf32> to vector<1x256xf32>
    %squeeze3A_34 = vector.shape_cast %slice3A_33 : vector<1x256xf32> to vector<256xf32>
    %slice3A_35 = vector.extract_strided_slice %get3A_8 {offsets = [2, 0], sizes = [1, 256], strides = [1, 1]} : vector<3x256xf32> to vector<1x256xf32>
    %squeeze3A_36 = vector.shape_cast %slice3A_35 : vector<1x256xf32> to vector<256xf32>
    %mul3A_37 = arith.mulf %squeeze3A_34, %squeeze3A_36 : vector<256xf32>
    %add3A_38 = arith.addf %add3A_32, %mul3A_37 : vector<256xf32>
    %convert_element_type3A = arith.truncf %get3A_8 : vector<3x256xf32> to vector<3x256xbf16>
    %convert_element_type3A_39 = arith.truncf %get3A_3 : vector<3x4096xf32> to vector<3x4096xbf16>
    %dot_general3A = arith.constant dense<0.000000e+00> : vector<256x4096xf32>
    %dot_general3A_40 = tpu.matmul %convert_element_type3A, %convert_element_type3A_39, %dot_general3A {dimension_numbers = #tpu.dot_dimension_numbers<[0], [0], [1], [1], [0, 1, 1, 1], [], []>, transpose_lhs_hint = false} : vector<3x256xbf16>, vector<3x4096xbf16>, vector<256x4096xf32> -> vector<256x4096xf32>
    %broadcast_in_dim3A = vector.shape_cast %add3A_21 : vector<4096xf32> to vector<1x4096xf32>
    %broadcast_in_dim3A_41 = vector.shape_cast %add3A_38 : vector<256xf32> to vector<256x1xf32>
    %add3A_42 = vector.broadcast %broadcast_in_dim3A : vector<1x4096xf32> to vector<256x4096xf32>
    %add3A_43 = vector.broadcast %broadcast_in_dim3A_41 : vector<256x1xf32> to vector<256x4096xf32>
    %add3A_44 = arith.addf %add3A_42, %add3A_43 : vector<256x4096xf32>
    %mul3A_45 = arith.constant 2.000000e+00 : f32
    %mul3A_46 = vector.broadcast %mul3A_45 : f32 to vector<256x4096xf32>
    %mul3A_47 = arith.mulf %mul3A_46, %dot_general3A_40 : vector<256x4096xf32>
    %sub3A = arith.subf %add3A_44, %mul3A_47 : vector<256x4096xf32>
    %neg3A = arith.constant 0.000000e+00 : f32
    %neg3A_48 = vector.broadcast %neg3A : f32 to vector<256x4096xf32>
    %neg3A_49 = arith.subf %neg3A_48, %sub3A : vector<256x4096xf32>
    %swap3A = arith.constant 0 : index
    %swap3A_50 = arith.constant 0 : index
    %swap3A_51 = vector.load %arg5[%swap3A, %swap3A_50] : memref<256x4096xf32, #tpu.memory_space<vmem>>, vector<256x4096xf32>
    tpu.vector_store %arg5[%swap3A, %swap3A_50], %neg3A_49 {strides = array<i32>} : memref<256x4096xf32, #tpu.memory_space<vmem>>, vector<256x4096xf32>,
    %iota3A = tpu.iota {dimensions = array<i32: 1>} : vector<256x4096xi32>
    %get3A_52 = arith.constant 0 : index
    %get3A_53 = arith.constant 0 : index
    %get3A_54 = vector.load %arg5[%get3A_52, %get3A_53] : memref<256x4096xf32, #tpu.memory_space<vmem>>, vector<256x4096xf32>
    %reduce_max3A = arith.constant dense<0xFF800000> : vector<256xf32>
    %reduce_max3A_55 = vector.multi_reduction <maximumf>, %get3A_54, %reduce_max3A [1] : vector<256x4096xf32> to vector<256xf32>
    %broadcast_in_dim3A_56 = vector.shape_cast %reduce_max3A_55 : vector<256xf32> to vector<256x1xf32>
    %eq3A = vector.broadcast %broadcast_in_dim3A_56 : vector<256x1xf32> to vector<256x4096xf32>
    %eq3A_57 = arith.cmpf oeq, %get3A_54, %eq3A : vector<256x4096xf32>
    %jit3A = arith.constant 4096 : i32
    %broadcast_in_dim3A_58 = vector.broadcast %jit3A : i32 to vector<256x4096xi32>
    %select_n3A = arith.select %eq3A_57, %iota3A, %broadcast_in_dim3A_58 : vector<256x4096xi1>, vector<256x4096xi32>
    %reduce_min3A = arith.constant dense<2147483647> : vector<256xi32>
    %reduce_min3A_59 = vector.multi_reduction <minsi>, %select_n3A, %reduce_min3A [1] : vector<256x4096xi32> to vector<256xi32>
    %broadcast_in_dim3A_60 = vector.shape_cast %reduce_min3A_59 : vector<256xi32> to vector<256x1xi32>
    %eq3A_61 = vector.broadcast %broadcast_in_dim3A_60 : vector<256x1xi32> to vector<256x4096xi32>
    %eq3A_62 = arith.cmpi eq, %iota3A, %eq3A_61 : vector<256x4096xi32>
    %jit3A_63 = arith.constant 0xFF800000 : f32
    %broadcast_in_dim3A_64 = vector.broadcast %jit3A_63 : f32 to vector<256x4096xf32>
    %select_n3A_65 = arith.select %eq3A_62, %broadcast_in_dim3A_64, %get3A_54 : vector<256x4096xi1>, vector<256x4096xf32>
    %swap3A_66 = arith.constant 0 : index
    %swap3A_67 = arith.constant 0 : index
    %swap3A_68 = vector.load %arg5[%swap3A_66, %swap3A_67] : memref<256x4096xf32, #tpu.memory_space<vmem>>, vector<256x4096xf32>
    tpu.vector_store %arg5[%swap3A_66, %swap3A_67], %select_n3A_65 {strides = array<i32>} : memref<256x4096xf32, #tpu.memory_space<vmem>>, vector<256x4096xf32>,
    %get3A_69 = arith.constant 0 : index
    %get3A_70 = arith.constant 0 : index
    %get3A_71 = vector.load %arg5[%get3A_69, %get3A_70] : memref<256x4096xf32, #tpu.memory_space<vmem>>, vector<256x4096xf32>
    %reduce_max3A_72 = arith.constant dense<0xFF800000> : vector<256xf32>
    %reduce_max3A_73 = vector.multi_reduction <maximumf>, %get3A_71, %reduce_max3A_72 [1] : vector<256x4096xf32> to vector<256xf32>
    %broadcast_in_dim3A_74 = vector.shape_cast %reduce_max3A_73 : vector<256xf32> to vector<256x1xf32>
    %eq3A_75 = vector.broadcast %broadcast_in_dim3A_74 : vector<256x1xf32> to vector<256x4096xf32>
    %eq3A_76 = arith.cmpf oeq, %get3A_71, %eq3A_75 : vector<256x4096xf32>
    %jit3A_77 = arith.constant 4096 : i32
    %broadcast_in_dim3A_78 = vector.broadcast %jit3A_77 : i32 to vector<256x4096xi32>
    %select_n3A_79 = arith.select %eq3A_76, %iota3A, %broadcast_in_dim3A_78 : vector<256x4096xi1>, vector<256x4096xi32>
    %reduce_min3A_80 = arith.constant dense<2147483647> : vector<256xi32>
    %reduce_min3A_81 = vector.multi_reduction <minsi>, %select_n3A_79, %reduce_min3A_80 [1] : vector<256x4096xi32> to vector<256xi32>
    %swap3A_82 = arith.constant 0 : index
    %swap3A_83 = arith.constant 0 : index
    %swap3A_84 = arith.constant 0 : index
    %swap3A_85 = vector.load %arg4[%swap3A_82, %swap3A_83, %swap3A_84] : memref<1x16x256xi32, #tpu.memory_space<vmem>>, vector<1x1x256xi32>
    %swap3A_86 = vector.shape_cast %swap3A_85 : vector<1x1x256xi32> to vector<256xi32>
    %swap3A_87 = vector.shape_cast %reduce_min3A_81 : vector<256xi32> to vector<1x1x256xi32>
    tpu.vector_store %arg4[%swap3A_82, %swap3A_83, %swap3A_84], %swap3A_87 {strides = array<i32>} : memref<1x16x256xi32, #tpu.memory_space<vmem>>, vector<1x1x256xi32>,
    %broadcast_in_dim3A_88 = vector.shape_cast %reduce_min3A_81 : vector<256xi32> to vector<256x1xi32>
    %eq3A_89 = vector.broadcast %broadcast_in_dim3A_88 : vector<256x1xi32> to vector<256x4096xi32>
    %eq3A_90 = arith.cmpi eq, %iota3A, %eq3A_89 : vector<256x4096xi32>
    %jit3A_91 = arith.constant 0xFF800000 : f32
    %broadcast_in_dim3A_92 = vector.broadcast %jit3A_91 : f32 to vector<256x4096xf32>
    %select_n3A_93 = arith.select %eq3A_90, %broadcast_in_dim3A_92, %get3A_71 : vector<256x4096xi1>, vector<256x4096xf32>
    %swap3A_94 = arith.constant 0 : index
    %swap3A_95 = arith.constant 0 : index
    %swap3A_96 = vector.load %arg5[%swap3A_94, %swap3A_95] : memref<256x4096xf32, #tpu.memory_space<vmem>>, vector<256x4096xf32>
    tpu.vector_store %arg5[%swap3A_94, %swap3A_95], %select_n3A_93 {strides = array<i32>} : memref<256x4096xf32, #tpu.memory_space<vmem>>, vector<256x4096xf32>,
    %get3A_97 = arith.constant 0 : index
    %get3A_98 = arith.constant 0 : index
    %get3A_99 = vector.load %arg5[%get3A_97, %get3A_98] : memref<256x4096xf32, #tpu.memory_space<vmem>>, vector<256x4096xf32>
    %reduce_max3A_100 = arith.constant dense<0xFF800000> : vector<256xf32>
    %reduce_max3A_101 = vector.multi_reduction <maximumf>, %get3A_99, %reduce_max3A_100 [1] : vector<256x4096xf32> to vector<256xf32>
    %broadcast_in_dim3A_102 = vector.shape_cast %reduce_max3A_101 : vector<256xf32> to vector<256x1xf32>
    %eq3A_103 = vector.broadcast %broadcast_in_dim3A_102 : vector<256x1xf32> to vector<256x4096xf32>
    %eq3A_104 = arith.cmpf oeq, %get3A_99, %eq3A_103 : vector<256x4096xf32>
    %jit3A_105 = arith.constant 4096 : i32
    %broadcast_in_dim3A_106 = vector.broadcast %jit3A_105 : i32 to vector<256x4096xi32>
    %select_n3A_107 = arith.select %eq3A_104, %iota3A, %broadcast_in_dim3A_106 : vector<256x4096xi1>, vector<256x4096xi32>
    %reduce_min3A_108 = arith.constant dense<2147483647> : vector<256xi32>
    %reduce_min3A_109 = vector.multi_reduction <minsi>, %select_n3A_107, %reduce_min3A_108 [1] : vector<256x4096xi32> to vector<256xi32>
    %swap3A_110 = arith.constant 0 : index
    %swap3A_111 = arith.constant 1 : index
    %swap3A_112 = arith.constant 0 : index
    %swap3A_113 = vector.load %arg4[%swap3A_110, %swap3A_111, %swap3A_112] : memref<1x16x256xi32, #tpu.memory_space<vmem>>, vector<1x1x256xi32>
    %swap3A_114 = vector.shape_cast %swap3A_113 : vector<1x1x256xi32> to vector<256xi32>
    %swap3A_115 = vector.shape_cast %reduce_min3A_109 : vector<256xi32> to vector<1x1x256xi32>
    tpu.vector_store %arg4[%swap3A_110, %swap3A_111, %swap3A_112], %swap3A_115 {strides = array<i32>} : memref<1x16x256xi32, #tpu.memory_space<vmem>>, vector<1x1x256xi32>,
    %broadcast_in_dim3A_116 = vector.shape_cast %reduce_min3A_109 : vector<256xi32> to vector<256x1xi32>
    %eq3A_117 = vector.broadcast %broadcast_in_dim3A_116 : vector<256x1xi32> to vector<256x4096xi32>
    %eq3A_118 = arith.cmpi eq, %iota3A, %eq3A_117 : vector<256x4096xi32>
    %jit3A_119 = arith.constant 0xFF800000 : f32
    %broadcast_in_dim3A_120 = vector.broadcast %jit3A_119 : f32 to vector<256x4096xf32>
    %select_n3A_121 = arith.select %eq3A_118, %broadcast_in_dim3A_120, %get3A_99 : vector<256x4096xi1>, vector<256x4096xf32>
    %swap3A_122 = arith.constant 0 : index
    %swap3A_123 = arith.constant 0 : index
    %swap3A_124 = vector.load %arg5[%swap3A_122, %swap3A_123] : memref<256x4096xf32, #tpu.memory_space<vmem>>, vector<256x4096xf32>
    tpu.vector_store %arg5[%swap3A_122, %swap3A_123], %select_n3A_121 {strides = array<i32>} : memref<256x4096xf32, #tpu.memory_space<vmem>>, vector<256x4096xf32>,
    %get3A_125 = arith.constant 0 : index
    %get3A_126 = arith.constant 0 : index
    %get3A_127 = vector.load %arg5[%get3A_125, %get3A_126] : memref<256x4096xf32, #tpu.memory_space<vmem>>, vector<256x4096xf32>
    %reduce_max3A_128 = arith.constant dense<0xFF800000> : vector<256xf32>
    %reduce_max3A_129 = vector.multi_reduction <maximumf>, %get3A_127, %reduce_max3A_128 [1] : vector<256x4096xf32> to vector<256xf32>
    %broadcast_in_dim3A_130 = vector.shape_cast %reduce_max3A_129 : vector<256xf32> to vector<256x1xf32>
    %eq3A_131 = vector.broadcast %broadcast_in_dim3A_130 : vector<256x1xf32> to vector<256x4096xf32>
    %eq3A_132 = arith.cmpf oeq, %get3A_127, %eq3A_131 : vector<256x4096xf32>
    %jit3A_133 = arith.constant 4096 : i32
    %broadcast_in_dim3A_134 = vector.broadcast %jit3A_133 : i32 to vector<256x4096xi32>
    %select_n3A_135 = arith.select %eq3A_132, %iota3A, %broadcast_in_dim3A_134 : vector<256x4096xi1>, vector<256x4096xi32>
    %reduce_min3A_136 = arith.constant dense<2147483647> : vector<256xi32>
    %reduce_min3A_137 = vector.multi_reduction <minsi>, %select_n3A_135, %reduce_min3A_136 [1] : vector<256x4096xi32> to vector<256xi32>
    %swap3A_138 = arith.constant 0 : index
    %swap3A_139 = arith.constant 2 : index
    %swap3A_140 = arith.constant 0 : index
    %swap3A_141 = vector.load %arg4[%swap3A_138, %swap3A_139, %swap3A_140] : memref<1x16x256xi32, #tpu.memory_space<vmem>>, vector<1x1x256xi32>
    %swap3A_142 = vector.shape_cast %swap3A_141 : vector<1x1x256xi32> to vector<256xi32>
    %swap3A_143 = vector.shape_cast %reduce_min3A_137 : vector<256xi32> to vector<1x1x256xi32>
    tpu.vector_store %arg4[%swap3A_138, %swap3A_139, %swap3A_140], %swap3A_143 {strides = array<i32>} : memref<1x16x256xi32, #tpu.memory_space<vmem>>, vector<1x1x256xi32>,
    %broadcast_in_dim3A_144 = vector.shape_cast %reduce_min3A_137 : vector<256xi32> to vector<256x1xi32>
    %eq3A_145 = vector.broadcast %broadcast_in_dim3A_144 : vector<256x1xi32> to vector<256x4096xi32>
    %eq3A_146 = arith.cmpi eq, %iota3A, %eq3A_145 : vector<256x4096xi32>
    %jit3A_147 = arith.constant 0xFF800000 : f32
    %broadcast_in_dim3A_148 = vector.broadcast %jit3A_147 : f32 to vector<256x4096xf32>
    %select_n3A_149 = arith.select %eq3A_146, %broadcast_in_dim3A_148, %get3A_127 : vector<256x4096xi1>, vector<256x4096xf32>
    %swap3A_150 = arith.constant 0 : index
    %swap3A_151 = arith.constant 0 : index
    %swap3A_152 = vector.load %arg5[%swap3A_150, %swap3A_151] : memref<256x4096xf32, #tpu.memory_space<vmem>>, vector<256x4096xf32>
    tpu.vector_store %arg5[%swap3A_150, %swap3A_151], %select_n3A_149 {strides = array<i32>} : memref<256x4096xf32, #tpu.memory_space<vmem>>, vector<256x4096xf32>,
    %get3A_153 = arith.constant 0 : index
    %get3A_154 = arith.constant 0 : index
    %get3A_155 = vector.load %arg5[%get3A_153, %get3A_154] : memref<256x4096xf32, #tpu.memory_space<vmem>>, vector<256x4096xf32>
    %reduce_max3A_156 = arith.constant dense<0xFF800000> : vector<256xf32>
    %reduce_max3A_157 = vector.multi_reduction <maximumf>, %get3A_155, %reduce_max3A_156 [1] : vector<256x4096xf32> to vector<256xf32>
    %broadcast_in_dim3A_158 = vector.shape_cast %reduce_max3A_157 : vector<256xf32> to vector<256x1xf32>
    %eq3A_159 = vector.broadcast %broadcast_in_dim3A_158 : vector<256x1xf32> to vector<256x4096xf32>
    %eq3A_160 = arith.cmpf oeq, %get3A_155, %eq3A_159 : vector<256x4096xf32>
    %jit3A_161 = arith.constant 4096 : i32
    %broadcast_in_dim3A_162 = vector.broadcast %jit3A_161 : i32 to vector<256x4096xi32>
    %select_n3A_163 = arith.select %eq3A_160, %iota3A, %broadcast_in_dim3A_162 : vector<256x4096xi1>, vector<256x4096xi32>
    %reduce_min3A_164 = arith.constant dense<2147483647> : vector<256xi32>
    %reduce_min3A_165 = vector.multi_reduction <minsi>, %select_n3A_163, %reduce_min3A_164 [1] : vector<256x4096xi32> to vector<256xi32>
    %swap3A_166 = arith.constant 0 : index
    %swap3A_167 = arith.constant 3 : index
    %swap3A_168 = arith.constant 0 : index
    %swap3A_169 = vector.load %arg4[%swap3A_166, %swap3A_167, %swap3A_168] : memref<1x16x256xi32, #tpu.memory_space<vmem>>, vector<1x1x256xi32>
    %swap3A_170 = vector.shape_cast %swap3A_169 : vector<1x1x256xi32> to vector<256xi32>
    %swap3A_171 = vector.shape_cast %reduce_min3A_165 : vector<256xi32> to vector<1x1x256xi32>
    tpu.vector_store %arg4[%swap3A_166, %swap3A_167, %swap3A_168], %swap3A_171 {strides = array<i32>} : memref<1x16x256xi32, #tpu.memory_space<vmem>>, vector<1x1x256xi32>,
    %broadcast_in_dim3A_172 = vector.shape_cast %reduce_min3A_165 : vector<256xi32> to vector<256x1xi32>
    %eq3A_173 = vector.broadcast %broadcast_in_dim3A_172 : vector<256x1xi32> to vector<256x4096xi32>
    %eq3A_174 = arith.cmpi eq, %iota3A, %eq3A_173 : vector<256x4096xi32>
    %jit3A_175 = arith.constant 0xFF800000 : f32
    %broadcast_in_dim3A_176 = vector.broadcast %jit3A_175 : f32 to vector<256x4096xf32>
    %select_n3A_177 = arith.select %eq3A_174, %broadcast_in_dim3A_176, %get3A_155 : vector<256x4096xi1>, vector<256x4096xf32>
    %swap3A_178 = arith.constant 0 : index
    %swap3A_179 = arith.constant 0 : index
    %swap3A_180 = vector.load %arg5[%swap3A_178, %swap3A_179] : memref<256x4096xf32, #tpu.memory_space<vmem>>, vector<256x4096xf32>
    tpu.vector_store %arg5[%swap3A_178, %swap3A_179], %select_n3A_177 {strides = array<i32>} : memref<256x4096xf32, #tpu.memory_space<vmem>>, vector<256x4096xf32>,
    %get3A_181 = arith.constant 0 : index
    %get3A_182 = arith.constant 0 : index
    %get3A_183 = vector.load %arg5[%get3A_181, %get3A_182] : memref<256x4096xf32, #tpu.memory_space<vmem>>, vector<256x4096xf32>
    %reduce_max3A_184 = arith.constant dense<0xFF800000> : vector<256xf32>
    %reduce_max3A_185 = vector.multi_reduction <maximumf>, %get3A_183, %reduce_max3A_184 [1] : vector<256x4096xf32> to vector<256xf32>
    %broadcast_in_dim3A_186 = vector.shape_cast %reduce_max3A_185 : vector<256xf32> to vector<256x1xf32>
    %eq3A_187 = vector.broadcast %broadcast_in_dim3A_186 : vector<256x1xf32> to vector<256x4096xf32>
    %eq3A_188 = arith.cmpf oeq, %get3A_183, %eq3A_187 : vector<256x4096xf32>
    %jit3A_189 = arith.constant 4096 : i32
    %broadcast_in_dim3A_190 = vector.broadcast %jit3A_189 : i32 to vector<256x4096xi32>
    %select_n3A_191 = arith.select %eq3A_188, %iota3A, %broadcast_in_dim3A_190 : vector<256x4096xi1>, vector<256x4096xi32>
    %reduce_min3A_192 = arith.constant dense<2147483647> : vector<256xi32>
    %reduce_min3A_193 = vector.multi_reduction <minsi>, %select_n3A_191, %reduce_min3A_192 [1] : vector<256x4096xi32> to vector<256xi32>
    %swap3A_194 = arith.constant 0 : index
    %swap3A_195 = arith.constant 4 : index
    %swap3A_196 = arith.constant 0 : index
    %swap3A_197 = vector.load %arg4[%swap3A_194, %swap3A_195, %swap3A_196] : memref<1x16x256xi32, #tpu.memory_space<vmem>>, vector<1x1x256xi32>
    %swap3A_198 = vector.shape_cast %swap3A_197 : vector<1x1x256xi32> to vector<256xi32>
    %swap3A_199 = vector.shape_cast %reduce_min3A_193 : vector<256xi32> to vector<1x1x256xi32>
    tpu.vector_store %arg4[%swap3A_194, %swap3A_195, %swap3A_196], %swap3A_199 {strides = array<i32>} : memref<1x16x256xi32, #tpu.memory_space<vmem>>, vector<1x1x256xi32>,
    %broadcast_in_dim3A_200 = vector.shape_cast %reduce_min3A_193 : vector<256xi32> to vector<256x1xi32>
    %eq3A_201 = vector.broadcast %broadcast_in_dim3A_200 : vector<256x1xi32> to vector<256x4096xi32>
    %eq3A_202 = arith.cmpi eq, %iota3A, %eq3A_201 : vector<256x4096xi32>
    %jit3A_203 = arith.constant 0xFF800000 : f32
    %broadcast_in_dim3A_204 = vector.broadcast %jit3A_203 : f32 to vector<256x4096xf32>
    %select_n3A_205 = arith.select %eq3A_202, %broadcast_in_dim3A_204, %get3A_183 : vector<256x4096xi1>, vector<256x4096xf32>
    %swap3A_206 = arith.constant 0 : index
    %swap3A_207 = arith.constant 0 : index
    %swap3A_208 = vector.load %arg5[%swap3A_206, %swap3A_207] : memref<256x4096xf32, #tpu.memory_space<vmem>>, vector<256x4096xf32>
    tpu.vector_store %arg5[%swap3A_206, %swap3A_207], %select_n3A_205 {strides = array<i32>} : memref<256x4096xf32, #tpu.memory_space<vmem>>, vector<256x4096xf32>,
    %get3A_209 = arith.constant 0 : index
    %get3A_210 = arith.constant 0 : index
    %get3A_211 = vector.load %arg5[%get3A_209, %get3A_210] : memref<256x4096xf32, #tpu.memory_space<vmem>>, vector<256x4096xf32>
    %reduce_max3A_212 = arith.constant dense<0xFF800000> : vector<256xf32>
    %reduce_max3A_213 = vector.multi_reduction <maximumf>, %get3A_211, %reduce_max3A_212 [1] : vector<256x4096xf32> to vector<256xf32>
    %broadcast_in_dim3A_214 = vector.shape_cast %reduce_max3A_213 : vector<256xf32> to vector<256x1xf32>
    %eq3A_215 = vector.broadcast %broadcast_in_dim3A_214 : vector<256x1xf32> to vector<256x4096xf32>
    %eq3A_216 = arith.cmpf oeq, %get3A_211, %eq3A_215 : vector<256x4096xf32>
    %jit3A_217 = arith.constant 4096 : i32
    %broadcast_in_dim3A_218 = vector.broadcast %jit3A_217 : i32 to vector<256x4096xi32>
    %select_n3A_219 = arith.select %eq3A_216, %iota3A, %broadcast_in_dim3A_218 : vector<256x4096xi1>, vector<256x4096xi32>
    %reduce_min3A_220 = arith.constant dense<2147483647> : vector<256xi32>
    %reduce_min3A_221 = vector.multi_reduction <minsi>, %select_n3A_219, %reduce_min3A_220 [1] : vector<256x4096xi32> to vector<256xi32>
    %swap3A_222 = arith.constant 0 : index
    %swap3A_223 = arith.constant 5 : index
    %swap3A_224 = arith.constant 0 : index
    %swap3A_225 = vector.load %arg4[%swap3A_222, %swap3A_223, %swap3A_224] : memref<1x16x256xi32, #tpu.memory_space<vmem>>, vector<1x1x256xi32>
    %swap3A_226 = vector.shape_cast %swap3A_225 : vector<1x1x256xi32> to vector<256xi32>
    %swap3A_227 = vector.shape_cast %reduce_min3A_221 : vector<256xi32> to vector<1x1x256xi32>
    tpu.vector_store %arg4[%swap3A_222, %swap3A_223, %swap3A_224], %swap3A_227 {strides = array<i32>} : memref<1x16x256xi32, #tpu.memory_space<vmem>>, vector<1x1x256xi32>,
    %broadcast_in_dim3A_228 = vector.shape_cast %reduce_min3A_221 : vector<256xi32> to vector<256x1xi32>
    %eq3A_229 = vector.broadcast %broadcast_in_dim3A_228 : vector<256x1xi32> to vector<256x4096xi32>
    %eq3A_230 = arith.cmpi eq, %iota3A, %eq3A_229 : vector<256x4096xi32>
    %jit3A_231 = arith.constant 0xFF800000 : f32
    %broadcast_in_dim3A_232 = vector.broadcast %jit3A_231 : f32 to vector<256x4096xf32>
    %select_n3A_233 = arith.select %eq3A_230, %broadcast_in_dim3A_232, %get3A_211 : vector<256x4096xi1>, vector<256x4096xf32>
    %swap3A_234 = arith.constant 0 : index
    %swap3A_235 = arith.constant 0 : index
    %swap3A_236 = vector.load %arg5[%swap3A_234, %swap3A_235] : memref<256x4096xf32, #tpu.memory_space<vmem>>, vector<256x4096xf32>
    tpu.vector_store %arg5[%swap3A_234, %swap3A_235], %select_n3A_233 {strides = array<i32>} : memref<256x4096xf32, #tpu.memory_space<vmem>>, vector<256x4096xf32>,
    %get3A_237 = arith.constant 0 : index
    %get3A_238 = arith.constant 0 : index
    %get3A_239 = vector.load %arg5[%get3A_237, %get3A_238] : memref<256x4096xf32, #tpu.memory_space<vmem>>, vector<256x4096xf32>
    %reduce_max3A_240 = arith.constant dense<0xFF800000> : vector<256xf32>
    %reduce_max3A_241 = vector.multi_reduction <maximumf>, %get3A_239, %reduce_max3A_240 [1] : vector<256x4096xf32> to vector<256xf32>
    %broadcast_in_dim3A_242 = vector.shape_cast %reduce_max3A_241 : vector<256xf32> to vector<256x1xf32>
    %eq3A_243 = vector.broadcast %broadcast_in_dim3A_242 : vector<256x1xf32> to vector<256x4096xf32>
    %eq3A_244 = arith.cmpf oeq, %get3A_239, %eq3A_243 : vector<256x4096xf32>
    %jit3A_245 = arith.constant 4096 : i32
    %broadcast_in_dim3A_246 = vector.broadcast %jit3A_245 : i32 to vector<256x4096xi32>
    %select_n3A_247 = arith.select %eq3A_244, %iota3A, %broadcast_in_dim3A_246 : vector<256x4096xi1>, vector<256x4096xi32>
    %reduce_min3A_248 = arith.constant dense<2147483647> : vector<256xi32>
    %reduce_min3A_249 = vector.multi_reduction <minsi>, %select_n3A_247, %reduce_min3A_248 [1] : vector<256x4096xi32> to vector<256xi32>
    %swap3A_250 = arith.constant 0 : index
    %swap3A_251 = arith.constant 6 : index
    %swap3A_252 = arith.constant 0 : index
    %swap3A_253 = vector.load %arg4[%swap3A_250, %swap3A_251, %swap3A_252] : memref<1x16x256xi32, #tpu.memory_space<vmem>>, vector<1x1x256xi32>
    %swap3A_254 = vector.shape_cast %swap3A_253 : vector<1x1x256xi32> to vector<256xi32>
    %swap3A_255 = vector.shape_cast %reduce_min3A_249 : vector<256xi32> to vector<1x1x256xi32>
    tpu.vector_store %arg4[%swap3A_250, %swap3A_251, %swap3A_252], %swap3A_255 {strides = array<i32>} : memref<1x16x256xi32, #tpu.memory_space<vmem>>, vector<1x1x256xi32>,
    %broadcast_in_dim3A_256 = vector.shape_cast %reduce_min3A_249 : vector<256xi32> to vector<256x1xi32>
    %eq3A_257 = vector.broadcast %broadcast_in_dim3A_256 : vector<256x1xi32> to vector<256x4096xi32>
    %eq3A_258 = arith.cmpi eq, %iota3A, %eq3A_257 : vector<256x4096xi32>
    %jit3A_259 = arith.constant 0xFF800000 : f32
    %broadcast_in_dim3A_260 = vector.broadcast %jit3A_259 : f32 to vector<256x4096xf32>
    %select_n3A_261 = arith.select %eq3A_258, %broadcast_in_dim3A_260, %get3A_239 : vector<256x4096xi1>, vector<256x4096xf32>
    %swap3A_262 = arith.constant 0 : index
    %swap3A_263 = arith.constant 0 : index
    %swap3A_264 = vector.load %arg5[%swap3A_262, %swap3A_263] : memref<256x4096xf32, #tpu.memory_space<vmem>>, vector<256x4096xf32>
    tpu.vector_store %arg5[%swap3A_262, %swap3A_263], %select_n3A_261 {strides = array<i32>} : memref<256x4096xf32, #tpu.memory_space<vmem>>, vector<256x4096xf32>,
    %get3A_265 = arith.constant 0 : index
    %get3A_266 = arith.constant 0 : index
    %get3A_267 = vector.load %arg5[%get3A_265, %get3A_266] : memref<256x4096xf32, #tpu.memory_space<vmem>>, vector<256x4096xf32>
    %reduce_max3A_268 = arith.constant dense<0xFF800000> : vector<256xf32>
    %reduce_max3A_269 = vector.multi_reduction <maximumf>, %get3A_267, %reduce_max3A_268 [1] : vector<256x4096xf32> to vector<256xf32>
    %broadcast_in_dim3A_270 = vector.shape_cast %reduce_max3A_269 : vector<256xf32> to vector<256x1xf32>
    %eq3A_271 = vector.broadcast %broadcast_in_dim3A_270 : vector<256x1xf32> to vector<256x4096xf32>
    %eq3A_272 = arith.cmpf oeq, %get3A_267, %eq3A_271 : vector<256x4096xf32>
    %jit3A_273 = arith.constant 4096 : i32
    %broadcast_in_dim3A_274 = vector.broadcast %jit3A_273 : i32 to vector<256x4096xi32>
    %select_n3A_275 = arith.select %eq3A_272, %iota3A, %broadcast_in_dim3A_274 : vector<256x4096xi1>, vector<256x4096xi32>
    %reduce_min3A_276 = arith.constant dense<2147483647> : vector<256xi32>
    %reduce_min3A_277 = vector.multi_reduction <minsi>, %select_n3A_275, %reduce_min3A_276 [1] : vector<256x4096xi32> to vector<256xi32>
    %swap3A_278 = arith.constant 0 : index
    %swap3A_279 = arith.constant 7 : index
    %swap3A_280 = arith.constant 0 : index
    %swap3A_281 = vector.load %arg4[%swap3A_278, %swap3A_279, %swap3A_280] : memref<1x16x256xi32, #tpu.memory_space<vmem>>, vector<1x1x256xi32>
    %swap3A_282 = vector.shape_cast %swap3A_281 : vector<1x1x256xi32> to vector<256xi32>
    %swap3A_283 = vector.shape_cast %reduce_min3A_277 : vector<256xi32> to vector<1x1x256xi32>
    tpu.vector_store %arg4[%swap3A_278, %swap3A_279, %swap3A_280], %swap3A_283 {strides = array<i32>} : memref<1x16x256xi32, #tpu.memory_space<vmem>>, vector<1x1x256xi32>,
    %broadcast_in_dim3A_284 = vector.shape_cast %reduce_min3A_277 : vector<256xi32> to vector<256x1xi32>
    %eq3A_285 = vector.broadcast %broadcast_in_dim3A_284 : vector<256x1xi32> to vector<256x4096xi32>
    %eq3A_286 = arith.cmpi eq, %iota3A, %eq3A_285 : vector<256x4096xi32>
    %jit3A_287 = arith.constant 0xFF800000 : f32
    %broadcast_in_dim3A_288 = vector.broadcast %jit3A_287 : f32 to vector<256x4096xf32>
    %select_n3A_289 = arith.select %eq3A_286, %broadcast_in_dim3A_288, %get3A_267 : vector<256x4096xi1>, vector<256x4096xf32>
    %swap3A_290 = arith.constant 0 : index
    %swap3A_291 = arith.constant 0 : index
    %swap3A_292 = vector.load %arg5[%swap3A_290, %swap3A_291] : memref<256x4096xf32, #tpu.memory_space<vmem>>, vector<256x4096xf32>
    tpu.vector_store %arg5[%swap3A_290, %swap3A_291], %select_n3A_289 {strides = array<i32>} : memref<256x4096xf32, #tpu.memory_space<vmem>>, vector<256x4096xf32>,
    %get3A_293 = arith.constant 0 : index
    %get3A_294 = arith.constant 0 : index
    %get3A_295 = vector.load %arg5[%get3A_293, %get3A_294] : memref<256x4096xf32, #tpu.memory_space<vmem>>, vector<256x4096xf32>
    %reduce_max3A_296 = arith.constant dense<0xFF800000> : vector<256xf32>
    %reduce_max3A_297 = vector.multi_reduction <maximumf>, %get3A_295, %reduce_max3A_296 [1] : vector<256x4096xf32> to vector<256xf32>
    %broadcast_in_dim3A_298 = vector.shape_cast %reduce_max3A_297 : vector<256xf32> to vector<256x1xf32>
    %eq3A_299 = vector.broadcast %broadcast_in_dim3A_298 : vector<256x1xf32> to vector<256x4096xf32>
    %eq3A_300 = arith.cmpf oeq, %get3A_295, %eq3A_299 : vector<256x4096xf32>
    %jit3A_301 = arith.constant 4096 : i32
    %broadcast_in_dim3A_302 = vector.broadcast %jit3A_301 : i32 to vector<256x4096xi32>
    %select_n3A_303 = arith.select %eq3A_300, %iota3A, %broadcast_in_dim3A_302 : vector<256x4096xi1>, vector<256x4096xi32>
    %reduce_min3A_304 = arith.constant dense<2147483647> : vector<256xi32>
    %reduce_min3A_305 = vector.multi_reduction <minsi>, %select_n3A_303, %reduce_min3A_304 [1] : vector<256x4096xi32> to vector<256xi32>
    %swap3A_306 = arith.constant 0 : index
    %swap3A_307 = arith.constant 8 : index
    %swap3A_308 = arith.constant 0 : index
    %swap3A_309 = vector.load %arg4[%swap3A_306, %swap3A_307, %swap3A_308] : memref<1x16x256xi32, #tpu.memory_space<vmem>>, vector<1x1x256xi32>
    %swap3A_310 = vector.shape_cast %swap3A_309 : vector<1x1x256xi32> to vector<256xi32>
    %swap3A_311 = vector.shape_cast %reduce_min3A_305 : vector<256xi32> to vector<1x1x256xi32>
    tpu.vector_store %arg4[%swap3A_306, %swap3A_307, %swap3A_308], %swap3A_311 {strides = array<i32>} : memref<1x16x256xi32, #tpu.memory_space<vmem>>, vector<1x1x256xi32>,
    %broadcast_in_dim3A_312 = vector.shape_cast %reduce_min3A_305 : vector<256xi32> to vector<256x1xi32>
    %eq3A_313 = vector.broadcast %broadcast_in_dim3A_312 : vector<256x1xi32> to vector<256x4096xi32>
    %eq3A_314 = arith.cmpi eq, %iota3A, %eq3A_313 : vector<256x4096xi32>
    %jit3A_315 = arith.constant 0xFF800000 : f32
    %broadcast_in_dim3A_316 = vector.broadcast %jit3A_315 : f32 to vector<256x4096xf32>
    %select_n3A_317 = arith.select %eq3A_314, %broadcast_in_dim3A_316, %get3A_295 : vector<256x4096xi1>, vector<256x4096xf32>
    %swap3A_318 = arith.constant 0 : index
    %swap3A_319 = arith.constant 0 : index
    %swap3A_320 = vector.load %arg5[%swap3A_318, %swap3A_319] : memref<256x4096xf32, #tpu.memory_space<vmem>>, vector<256x4096xf32>
    tpu.vector_store %arg5[%swap3A_318, %swap3A_319], %select_n3A_317 {strides = array<i32>} : memref<256x4096xf32, #tpu.memory_space<vmem>>, vector<256x4096xf32>,
    %get3A_321 = arith.constant 0 : index
    %get3A_322 = arith.constant 0 : index
    %get3A_323 = vector.load %arg5[%get3A_321, %get3A_322] : memref<256x4096xf32, #tpu.memory_space<vmem>>, vector<256x4096xf32>
    %reduce_max3A_324 = arith.constant dense<0xFF800000> : vector<256xf32>
    %reduce_max3A_325 = vector.multi_reduction <maximumf>, %get3A_323, %reduce_max3A_324 [1] : vector<256x4096xf32> to vector<256xf32>
    %broadcast_in_dim3A_326 = vector.shape_cast %reduce_max3A_325 : vector<256xf32> to vector<256x1xf32>
    %eq3A_327 = vector.broadcast %broadcast_in_dim3A_326 : vector<256x1xf32> to vector<256x4096xf32>
    %eq3A_328 = arith.cmpf oeq, %get3A_323, %eq3A_327 : vector<256x4096xf32>
    %jit3A_329 = arith.constant 4096 : i32
    %broadcast_in_dim3A_330 = vector.broadcast %jit3A_329 : i32 to vector<256x4096xi32>
    %select_n3A_331 = arith.select %eq3A_328, %iota3A, %broadcast_in_dim3A_330 : vector<256x4096xi1>, vector<256x4096xi32>
    %reduce_min3A_332 = arith.constant dense<2147483647> : vector<256xi32>
    %reduce_min3A_333 = vector.multi_reduction <minsi>, %select_n3A_331, %reduce_min3A_332 [1] : vector<256x4096xi32> to vector<256xi32>
    %swap3A_334 = arith.constant 0 : index
    %swap3A_335 = arith.constant 9 : index
    %swap3A_336 = arith.constant 0 : index
    %swap3A_337 = vector.load %arg4[%swap3A_334, %swap3A_335, %swap3A_336] : memref<1x16x256xi32, #tpu.memory_space<vmem>>, vector<1x1x256xi32>
    %swap3A_338 = vector.shape_cast %swap3A_337 : vector<1x1x256xi32> to vector<256xi32>
    %swap3A_339 = vector.shape_cast %reduce_min3A_333 : vector<256xi32> to vector<1x1x256xi32>
    tpu.vector_store %arg4[%swap3A_334, %swap3A_335, %swap3A_336], %swap3A_339 {strides = array<i32>} : memref<1x16x256xi32, #tpu.memory_space<vmem>>, vector<1x1x256xi32>,
    %broadcast_in_dim3A_340 = vector.shape_cast %reduce_min3A_333 : vector<256xi32> to vector<256x1xi32>
    %eq3A_341 = vector.broadcast %broadcast_in_dim3A_340 : vector<256x1xi32> to vector<256x4096xi32>
    %eq3A_342 = arith.cmpi eq, %iota3A, %eq3A_341 : vector<256x4096xi32>
    %jit3A_343 = arith.constant 0xFF800000 : f32
    %broadcast_in_dim3A_344 = vector.broadcast %jit3A_343 : f32 to vector<256x4096xf32>
    %select_n3A_345 = arith.select %eq3A_342, %broadcast_in_dim3A_344, %get3A_323 : vector<256x4096xi1>, vector<256x4096xf32>
    %swap3A_346 = arith.constant 0 : index
    %swap3A_347 = arith.constant 0 : index
    %swap3A_348 = vector.load %arg5[%swap3A_346, %swap3A_347] : memref<256x4096xf32, #tpu.memory_space<vmem>>, vector<256x4096xf32>
    tpu.vector_store %arg5[%swap3A_346, %swap3A_347], %select_n3A_345 {strides = array<i32>} : memref<256x4096xf32, #tpu.memory_space<vmem>>, vector<256x4096xf32>,
    %get3A_349 = arith.constant 0 : index
    %get3A_350 = arith.constant 0 : index
    %get3A_351 = vector.load %arg5[%get3A_349, %get3A_350] : memref<256x4096xf32, #tpu.memory_space<vmem>>, vector<256x4096xf32>
    %reduce_max3A_352 = arith.constant dense<0xFF800000> : vector<256xf32>
    %reduce_max3A_353 = vector.multi_reduction <maximumf>, %get3A_351, %reduce_max3A_352 [1] : vector<256x4096xf32> to vector<256xf32>
    %broadcast_in_dim3A_354 = vector.shape_cast %reduce_max3A_353 : vector<256xf32> to vector<256x1xf32>
    %eq3A_355 = vector.broadcast %broadcast_in_dim3A_354 : vector<256x1xf32> to vector<256x4096xf32>
    %eq3A_356 = arith.cmpf oeq, %get3A_351, %eq3A_355 : vector<256x4096xf32>
    %jit3A_357 = arith.constant 4096 : i32
    %broadcast_in_dim3A_358 = vector.broadcast %jit3A_357 : i32 to vector<256x4096xi32>
    %select_n3A_359 = arith.select %eq3A_356, %iota3A, %broadcast_in_dim3A_358 : vector<256x4096xi1>, vector<256x4096xi32>
    %reduce_min3A_360 = arith.constant dense<2147483647> : vector<256xi32>
    %reduce_min3A_361 = vector.multi_reduction <minsi>, %select_n3A_359, %reduce_min3A_360 [1] : vector<256x4096xi32> to vector<256xi32>
    %swap3A_362 = arith.constant 0 : index
    %swap3A_363 = arith.constant 10 : index
    %swap3A_364 = arith.constant 0 : index
    %swap3A_365 = vector.load %arg4[%swap3A_362, %swap3A_363, %swap3A_364] : memref<1x16x256xi32, #tpu.memory_space<vmem>>, vector<1x1x256xi32>
    %swap3A_366 = vector.shape_cast %swap3A_365 : vector<1x1x256xi32> to vector<256xi32>
    %swap3A_367 = vector.shape_cast %reduce_min3A_361 : vector<256xi32> to vector<1x1x256xi32>
    tpu.vector_store %arg4[%swap3A_362, %swap3A_363, %swap3A_364], %swap3A_367 {strides = array<i32>} : memref<1x16x256xi32, #tpu.memory_space<vmem>>, vector<1x1x256xi32>,
    %broadcast_in_dim3A_368 = vector.shape_cast %reduce_min3A_361 : vector<256xi32> to vector<256x1xi32>
    %eq3A_369 = vector.broadcast %broadcast_in_dim3A_368 : vector<256x1xi32> to vector<256x4096xi32>
    %eq3A_370 = arith.cmpi eq, %iota3A, %eq3A_369 : vector<256x4096xi32>
    %jit3A_371 = arith.constant 0xFF800000 : f32
    %broadcast_in_dim3A_372 = vector.broadcast %jit3A_371 : f32 to vector<256x4096xf32>
    %select_n3A_373 = arith.select %eq3A_370, %broadcast_in_dim3A_372, %get3A_351 : vector<256x4096xi1>, vector<256x4096xf32>
    %swap3A_374 = arith.constant 0 : index
    %swap3A_375 = arith.constant 0 : index
    %swap3A_376 = vector.load %arg5[%swap3A_374, %swap3A_375] : memref<256x4096xf32, #tpu.memory_space<vmem>>, vector<256x4096xf32>
    tpu.vector_store %arg5[%swap3A_374, %swap3A_375], %select_n3A_373 {strides = array<i32>} : memref<256x4096xf32, #tpu.memory_space<vmem>>, vector<256x4096xf32>,
    %get3A_377 = arith.constant 0 : index
    %get3A_378 = arith.constant 0 : index
    %get3A_379 = vector.load %arg5[%get3A_377, %get3A_378] : memref<256x4096xf32, #tpu.memory_space<vmem>>, vector<256x4096xf32>
    %reduce_max3A_380 = arith.constant dense<0xFF800000> : vector<256xf32>
    %reduce_max3A_381 = vector.multi_reduction <maximumf>, %get3A_379, %reduce_max3A_380 [1] : vector<256x4096xf32> to vector<256xf32>
    %broadcast_in_dim3A_382 = vector.shape_cast %reduce_max3A_381 : vector<256xf32> to vector<256x1xf32>
    %eq3A_383 = vector.broadcast %broadcast_in_dim3A_382 : vector<256x1xf32> to vector<256x4096xf32>
    %eq3A_384 = arith.cmpf oeq, %get3A_379, %eq3A_383 : vector<256x4096xf32>
    %jit3A_385 = arith.constant 4096 : i32
    %broadcast_in_dim3A_386 = vector.broadcast %jit3A_385 : i32 to vector<256x4096xi32>
    %select_n3A_387 = arith.select %eq3A_384, %iota3A, %broadcast_in_dim3A_386 : vector<256x4096xi1>, vector<256x4096xi32>
    %reduce_min3A_388 = arith.constant dense<2147483647> : vector<256xi32>
    %reduce_min3A_389 = vector.multi_reduction <minsi>, %select_n3A_387, %reduce_min3A_388 [1] : vector<256x4096xi32> to vector<256xi32>
    %swap3A_390 = arith.constant 0 : index
    %swap3A_391 = arith.constant 11 : index
    %swap3A_392 = arith.constant 0 : index
    %swap3A_393 = vector.load %arg4[%swap3A_390, %swap3A_391, %swap3A_392] : memref<1x16x256xi32, #tpu.memory_space<vmem>>, vector<1x1x256xi32>
    %swap3A_394 = vector.shape_cast %swap3A_393 : vector<1x1x256xi32> to vector<256xi32>
    %swap3A_395 = vector.shape_cast %reduce_min3A_389 : vector<256xi32> to vector<1x1x256xi32>
    tpu.vector_store %arg4[%swap3A_390, %swap3A_391, %swap3A_392], %swap3A_395 {strides = array<i32>} : memref<1x16x256xi32, #tpu.memory_space<vmem>>, vector<1x1x256xi32>,
    %broadcast_in_dim3A_396 = vector.shape_cast %reduce_min3A_389 : vector<256xi32> to vector<256x1xi32>
    %eq3A_397 = vector.broadcast %broadcast_in_dim3A_396 : vector<256x1xi32> to vector<256x4096xi32>
    %eq3A_398 = arith.cmpi eq, %iota3A, %eq3A_397 : vector<256x4096xi32>
    %jit3A_399 = arith.constant 0xFF800000 : f32
    %broadcast_in_dim3A_400 = vector.broadcast %jit3A_399 : f32 to vector<256x4096xf32>
    %select_n3A_401 = arith.select %eq3A_398, %broadcast_in_dim3A_400, %get3A_379 : vector<256x4096xi1>, vector<256x4096xf32>
    %swap3A_402 = arith.constant 0 : index
    %swap3A_403 = arith.constant 0 : index
    %swap3A_404 = vector.load %arg5[%swap3A_402, %swap3A_403] : memref<256x4096xf32, #tpu.memory_space<vmem>>, vector<256x4096xf32>
    tpu.vector_store %arg5[%swap3A_402, %swap3A_403], %select_n3A_401 {strides = array<i32>} : memref<256x4096xf32, #tpu.memory_space<vmem>>, vector<256x4096xf32>,
    %get3A_405 = arith.constant 0 : index
    %get3A_406 = arith.constant 0 : index
    %get3A_407 = vector.load %arg5[%get3A_405, %get3A_406] : memref<256x4096xf32, #tpu.memory_space<vmem>>, vector<256x4096xf32>
    %reduce_max3A_408 = arith.constant dense<0xFF800000> : vector<256xf32>
    %reduce_max3A_409 = vector.multi_reduction <maximumf>, %get3A_407, %reduce_max3A_408 [1] : vector<256x4096xf32> to vector<256xf32>
    %broadcast_in_dim3A_410 = vector.shape_cast %reduce_max3A_409 : vector<256xf32> to vector<256x1xf32>
    %eq3A_411 = vector.broadcast %broadcast_in_dim3A_410 : vector<256x1xf32> to vector<256x4096xf32>
    %eq3A_412 = arith.cmpf oeq, %get3A_407, %eq3A_411 : vector<256x4096xf32>
    %jit3A_413 = arith.constant 4096 : i32
    %broadcast_in_dim3A_414 = vector.broadcast %jit3A_413 : i32 to vector<256x4096xi32>
    %select_n3A_415 = arith.select %eq3A_412, %iota3A, %broadcast_in_dim3A_414 : vector<256x4096xi1>, vector<256x4096xi32>
    %reduce_min3A_416 = arith.constant dense<2147483647> : vector<256xi32>
    %reduce_min3A_417 = vector.multi_reduction <minsi>, %select_n3A_415, %reduce_min3A_416 [1] : vector<256x4096xi32> to vector<256xi32>
    %swap3A_418 = arith.constant 0 : index
    %swap3A_419 = arith.constant 12 : index
    %swap3A_420 = arith.constant 0 : index
    %swap3A_421 = vector.load %arg4[%swap3A_418, %swap3A_419, %swap3A_420] : memref<1x16x256xi32, #tpu.memory_space<vmem>>, vector<1x1x256xi32>
    %swap3A_422 = vector.shape_cast %swap3A_421 : vector<1x1x256xi32> to vector<256xi32>
    %swap3A_423 = vector.shape_cast %reduce_min3A_417 : vector<256xi32> to vector<1x1x256xi32>
    tpu.vector_store %arg4[%swap3A_418, %swap3A_419, %swap3A_420], %swap3A_423 {strides = array<i32>} : memref<1x16x256xi32, #tpu.memory_space<vmem>>, vector<1x1x256xi32>,
    %broadcast_in_dim3A_424 = vector.shape_cast %reduce_min3A_417 : vector<256xi32> to vector<256x1xi32>
    %eq3A_425 = vector.broadcast %broadcast_in_dim3A_424 : vector<256x1xi32> to vector<256x4096xi32>
    %eq3A_426 = arith.cmpi eq, %iota3A, %eq3A_425 : vector<256x4096xi32>
    %jit3A_427 = arith.constant 0xFF800000 : f32
    %broadcast_in_dim3A_428 = vector.broadcast %jit3A_427 : f32 to vector<256x4096xf32>
    %select_n3A_429 = arith.select %eq3A_426, %broadcast_in_dim3A_428, %get3A_407 : vector<256x4096xi1>, vector<256x4096xf32>
    %swap3A_430 = arith.constant 0 : index
    %swap3A_431 = arith.constant 0 : index
    %swap3A_432 = vector.load %arg5[%swap3A_430, %swap3A_431] : memref<256x4096xf32, #tpu.memory_space<vmem>>, vector<256x4096xf32>
    tpu.vector_store %arg5[%swap3A_430, %swap3A_431], %select_n3A_429 {strides = array<i32>} : memref<256x4096xf32, #tpu.memory_space<vmem>>, vector<256x4096xf32>,
    %get3A_433 = arith.constant 0 : index
    %get3A_434 = arith.constant 0 : index
    %get3A_435 = vector.load %arg5[%get3A_433, %get3A_434] : memref<256x4096xf32, #tpu.memory_space<vmem>>, vector<256x4096xf32>
    %reduce_max3A_436 = arith.constant dense<0xFF800000> : vector<256xf32>
    %reduce_max3A_437 = vector.multi_reduction <maximumf>, %get3A_435, %reduce_max3A_436 [1] : vector<256x4096xf32> to vector<256xf32>
    %broadcast_in_dim3A_438 = vector.shape_cast %reduce_max3A_437 : vector<256xf32> to vector<256x1xf32>
    %eq3A_439 = vector.broadcast %broadcast_in_dim3A_438 : vector<256x1xf32> to vector<256x4096xf32>
    %eq3A_440 = arith.cmpf oeq, %get3A_435, %eq3A_439 : vector<256x4096xf32>
    %jit3A_441 = arith.constant 4096 : i32
    %broadcast_in_dim3A_442 = vector.broadcast %jit3A_441 : i32 to vector<256x4096xi32>
    %select_n3A_443 = arith.select %eq3A_440, %iota3A, %broadcast_in_dim3A_442 : vector<256x4096xi1>, vector<256x4096xi32>
    %reduce_min3A_444 = arith.constant dense<2147483647> : vector<256xi32>
    %reduce_min3A_445 = vector.multi_reduction <minsi>, %select_n3A_443, %reduce_min3A_444 [1] : vector<256x4096xi32> to vector<256xi32>
    %swap3A_446 = arith.constant 0 : index
    %swap3A_447 = arith.constant 13 : index
    %swap3A_448 = arith.constant 0 : index
    %swap3A_449 = vector.load %arg4[%swap3A_446, %swap3A_447, %swap3A_448] : memref<1x16x256xi32, #tpu.memory_space<vmem>>, vector<1x1x256xi32>
    %swap3A_450 = vector.shape_cast %swap3A_449 : vector<1x1x256xi32> to vector<256xi32>
    %swap3A_451 = vector.shape_cast %reduce_min3A_445 : vector<256xi32> to vector<1x1x256xi32>
    tpu.vector_store %arg4[%swap3A_446, %swap3A_447, %swap3A_448], %swap3A_451 {strides = array<i32>} : memref<1x16x256xi32, #tpu.memory_space<vmem>>, vector<1x1x256xi32>,
    %broadcast_in_dim3A_452 = vector.shape_cast %reduce_min3A_445 : vector<256xi32> to vector<256x1xi32>
    %eq3A_453 = vector.broadcast %broadcast_in_dim3A_452 : vector<256x1xi32> to vector<256x4096xi32>
    %eq3A_454 = arith.cmpi eq, %iota3A, %eq3A_453 : vector<256x4096xi32>
    %jit3A_455 = arith.constant 0xFF800000 : f32
    %broadcast_in_dim3A_456 = vector.broadcast %jit3A_455 : f32 to vector<256x4096xf32>
    %select_n3A_457 = arith.select %eq3A_454, %broadcast_in_dim3A_456, %get3A_435 : vector<256x4096xi1>, vector<256x4096xf32>
    %swap3A_458 = arith.constant 0 : index
    %swap3A_459 = arith.constant 0 : index
    %swap3A_460 = vector.load %arg5[%swap3A_458, %swap3A_459] : memref<256x4096xf32, #tpu.memory_space<vmem>>, vector<256x4096xf32>
    tpu.vector_store %arg5[%swap3A_458, %swap3A_459], %select_n3A_457 {strides = array<i32>} : memref<256x4096xf32, #tpu.memory_space<vmem>>, vector<256x4096xf32>,
    %get3A_461 = arith.constant 0 : index
    %get3A_462 = arith.constant 0 : index
    %get3A_463 = vector.load %arg5[%get3A_461, %get3A_462] : memref<256x4096xf32, #tpu.memory_space<vmem>>, vector<256x4096xf32>
    %reduce_max3A_464 = arith.constant dense<0xFF800000> : vector<256xf32>
    %reduce_max3A_465 = vector.multi_reduction <maximumf>, %get3A_463, %reduce_max3A_464 [1] : vector<256x4096xf32> to vector<256xf32>
    %broadcast_in_dim3A_466 = vector.shape_cast %reduce_max3A_465 : vector<256xf32> to vector<256x1xf32>
    %eq3A_467 = vector.broadcast %broadcast_in_dim3A_466 : vector<256x1xf32> to vector<256x4096xf32>
    %eq3A_468 = arith.cmpf oeq, %get3A_463, %eq3A_467 : vector<256x4096xf32>
    %jit3A_469 = arith.constant 4096 : i32
    %broadcast_in_dim3A_470 = vector.broadcast %jit3A_469 : i32 to vector<256x4096xi32>
    %select_n3A_471 = arith.select %eq3A_468, %iota3A, %broadcast_in_dim3A_470 : vector<256x4096xi1>, vector<256x4096xi32>
    %reduce_min3A_472 = arith.constant dense<2147483647> : vector<256xi32>
    %reduce_min3A_473 = vector.multi_reduction <minsi>, %select_n3A_471, %reduce_min3A_472 [1] : vector<256x4096xi32> to vector<256xi32>
    %swap3A_474 = arith.constant 0 : index
    %swap3A_475 = arith.constant 14 : index
    %swap3A_476 = arith.constant 0 : index
    %swap3A_477 = vector.load %arg4[%swap3A_474, %swap3A_475, %swap3A_476] : memref<1x16x256xi32, #tpu.memory_space<vmem>>, vector<1x1x256xi32>
    %swap3A_478 = vector.shape_cast %swap3A_477 : vector<1x1x256xi32> to vector<256xi32>
    %swap3A_479 = vector.shape_cast %reduce_min3A_473 : vector<256xi32> to vector<1x1x256xi32>
    tpu.vector_store %arg4[%swap3A_474, %swap3A_475, %swap3A_476], %swap3A_479 {strides = array<i32>} : memref<1x16x256xi32, #tpu.memory_space<vmem>>, vector<1x1x256xi32>,
    %broadcast_in_dim3A_480 = vector.shape_cast %reduce_min3A_473 : vector<256xi32> to vector<256x1xi32>
    %eq3A_481 = vector.broadcast %broadcast_in_dim3A_480 : vector<256x1xi32> to vector<256x4096xi32>
    %eq3A_482 = arith.cmpi eq, %iota3A, %eq3A_481 : vector<256x4096xi32>
    %jit3A_483 = arith.constant 0xFF800000 : f32
    %broadcast_in_dim3A_484 = vector.broadcast %jit3A_483 : f32 to vector<256x4096xf32>
    %select_n3A_485 = arith.select %eq3A_482, %broadcast_in_dim3A_484, %get3A_463 : vector<256x4096xi1>, vector<256x4096xf32>
    %swap3A_486 = arith.constant 0 : index
    %swap3A_487 = arith.constant 0 : index
    %swap3A_488 = vector.load %arg5[%swap3A_486, %swap3A_487] : memref<256x4096xf32, #tpu.memory_space<vmem>>, vector<256x4096xf32>
    tpu.vector_store %arg5[%swap3A_486, %swap3A_487], %select_n3A_485 {strides = array<i32>} : memref<256x4096xf32, #tpu.memory_space<vmem>>, vector<256x4096xf32>,
    %get3A_489 = arith.constant 0 : index
    %get3A_490 = arith.constant 0 : index
    %get3A_491 = vector.load %arg5[%get3A_489, %get3A_490] : memref<256x4096xf32, #tpu.memory_space<vmem>>, vector<256x4096xf32>
    %reduce_max3A_492 = arith.constant dense<0xFF800000> : vector<256xf32>
    %reduce_max3A_493 = vector.multi_reduction <maximumf>, %get3A_491, %reduce_max3A_492 [1] : vector<256x4096xf32> to vector<256xf32>
    %broadcast_in_dim3A_494 = vector.shape_cast %reduce_max3A_493 : vector<256xf32> to vector<256x1xf32>
    %eq3A_495 = vector.broadcast %broadcast_in_dim3A_494 : vector<256x1xf32> to vector<256x4096xf32>
    %eq3A_496 = arith.cmpf oeq, %get3A_491, %eq3A_495 : vector<256x4096xf32>
    %jit3A_497 = arith.constant 4096 : i32
    %broadcast_in_dim3A_498 = vector.broadcast %jit3A_497 : i32 to vector<256x4096xi32>
    %select_n3A_499 = arith.select %eq3A_496, %iota3A, %broadcast_in_dim3A_498 : vector<256x4096xi1>, vector<256x4096xi32>
    %reduce_min3A_500 = arith.constant dense<2147483647> : vector<256xi32>
    %reduce_min3A_501 = vector.multi_reduction <minsi>, %select_n3A_499, %reduce_min3A_500 [1] : vector<256x4096xi32> to vector<256xi32>
    %swap3A_502 = arith.constant 0 : index
    %swap3A_503 = arith.constant 15 : index
    %swap3A_504 = arith.constant 0 : index
    %swap3A_505 = vector.load %arg4[%swap3A_502, %swap3A_503, %swap3A_504] : memref<1x16x256xi32, #tpu.memory_space<vmem>>, vector<1x1x256xi32>
    %swap3A_506 = vector.shape_cast %swap3A_505 : vector<1x1x256xi32> to vector<256xi32>
    %swap3A_507 = vector.shape_cast %reduce_min3A_501 : vector<256xi32> to vector<1x1x256xi32>
    tpu.vector_store %arg4[%swap3A_502, %swap3A_503, %swap3A_504], %swap3A_507 {strides = array<i32>} : memref<1x16x256xi32, #tpu.memory_space<vmem>>, vector<1x1x256xi32>,
    return
  }
  func.func @transform_0(%arg0: i32, %arg1: i32) -> (i32, i32, i32) {
    %c0_i32 = arith.constant 0 : i32
    %c0_i32_0 = arith.constant 0 : i32
    %c0_i32_1 = arith.constant 0 : i32
    return %arg0, %c0_i32, %c0_i32_0 : i32, i32, i32
  }
  func.func @transform_1(%arg0: i32, %arg1: i32) -> (i32, i32, i32) {
    %c0_i32 = arith.constant 0 : i32
    %c0_i32_0 = arith.constant 0 : i32
    return %arg0, %c0_i32, %arg1 : i32, i32, i32
  }
  func.func @transform_2(%arg0: i32, %arg1: i32) -> (i32, i32, i32) {
    %c0_i32 = arith.constant 0 : i32
    %c0_i32_0 = arith.constant 0 : i32
    return %arg0, %c0_i32, %arg1 : i32, i32, i32
  }
}

</mosaic_0001>

<sc_bundles>
// kernel: kernel.4.cloned.1.call-start
scs
__scs_entry_jumppad:
0x0: {  	(pc) =	sbr.rel $0x88, $3  }
0x1: {  	(tag) =	ssettag $0x0;
	lr =	simm.s32 $0x1  }
0x2: {  	[smem:$0x3F9F] =	sst lr;
	_ =	strace $0xD0000000  }
0x3: {  	_ = 	snop  }
0x4: {  	_ = 	snop  }
0x5: {  	_ = 	snop  }
0x6: {  	_ = 	snop  }
0x7: {  	_ = 	snop  }
__scs_overlays_trampoline_lowered:
0x8: {  	[smem:$0x3FAE] =	sst s0  }
0x9: {  	[smem:$0x3FAF] =	sst s1  }
0xa: {  	[smem:$0x3FB0] =	sst s2  }
0xb: {  	[smem:$0x3FB1] =	sst s3  }
0xc: {  	[smem:$0x3FB2] =	sst s4  }
0xd: {  	[smem:$0x3FB3] =	sst s5  }
0xe: {  	[smem:$0x3FB4] =	sst s6  }
0xf: {  	[smem:$0x3FB5] =	sst s7  }
0x10: {  	[smem:$0x3FB6] =	sst s8  }
0x11: {  	[smem:$0x3FB7] =	sst s9;
	s0 =	simm.s32 @!p0 $0x0  }
0x12: {  	s1 =	sld [smem:$0x3F9D];
	s0 =	simm.s32 @p0 $0x1  }
0x13: {  	[smem:$0x3FB8] =	sst s0;
	s0 =	simm.s32 @!p1 $0x0  }
0x14: {  	s2 =	sld [smem:$0x3F9C];
	s0 =	simm.s32 @p1 $0x1  }
0x15: {  	[smem:$0x3FB9] =	sst s0;
	s0 =	simm.s32 @!p2 $0x0  }
0x16: {  	s3 =	sld [smem:$0x3FDB];
	s0 =	simm.s32 @p2 $0x1  }
0x17: {  	s4 =	simm.s32 $0x1BF5;
	[smem:$0x3FBB] =	sst s0  }
0x18: {  	s0 =	sld [smem:$0x3F9E];
	_ =	swait.ge [sflag:s4], $0x0  }
0x19: {  	s7 =	sld [smem:$0x3F9F]  }
0x1a: {  	s8 =	sadd.s32 $0xFFFFE003, lr  }
0x1b: {  	s9 =	sadd.s32 $0xFFFFFEF7, lr;
	s5 =	simm.s32 $0xFFFFFFFF;
	p2 =	slt.u32 s8, $0xFFFFF086  }
0x1c: {  	p1 =	slt.u32 s9, $0xF7A;
	s5 =	simm.s32 @!p2 $0x0  }
0x1d: {  	s5 =	simm.s32 @p1 $0x1;
	p0 =	seq.s32 s7, s2  }
0x1e: {  	s7 =	smul.u32 @!p0 $0xF7A, s2;
	p2 =	seq.s32 @!p0 s5, $0x0  }
0x1f: {  	s9 =	smul.u32 $0xF7A, s1;
	s8 =	simm.s32 @!p0 $0x1BF5;
	p2 =	por !p2, p0  }
0x20: {  	[sflag:s8] =	ssyncset.s32 @!p0 $0xFFFFF086;
	s6 =	sadd.s32 @!p0 s3, s7;
	s7 =	simm.s32 @!p0 $0x108  }
0x21: {  	s3 =	sadd.s32 s3, s9;
	s6 =	sadd.s32 @!p0 $0x88, s6;
	s7 =	simm.s32 @p2 $0x1082  }
0x22: {  	[simem:s7], [sflag:s8] =	dma.local @!p0 [hbm:s6], $0xF7A  }
0x23: {  	s9 =	sor.u32 $0xD0000000, s2;
	s6 =	simm.s32 $0x108;
	_ =	swait.ge @!p0 [sflag:s8], $0x0  }
0x24: {  	s3 =	sadd.s32 $0x88, s3;
	s6 =	simm.s32 @!p1 $0x1082;
	[sflag:s4] =	ssyncset.s32 $0xFFFFF086  }
0x25: {  	[simem:s6], [sflag:s4] =	dma.local [hbm:s3], $0xF7A  }
0x26: {  	[smem:$0x3F9F] =	sst s1;
	(tag) =	ssettag s2;
	_ =	strace s9  }
0x27: {  	s1 =	sld [smem:$0x3FAF]  }
0x28: {  	s2 =	sld [smem:$0x3FB0]  }
0x29: {  	s4 =	sld [smem:$0x3FB2]  }
0x2a: {  	p0 =	seq.s32 s5, $0x0;
	s5 =	sld [smem:$0x3FB3]  }
0x2b: {  	s6 =	sld [smem:$0x3FB4]  }
0x2c: {  	s7 =	sld [smem:$0x3FB5]  }
0x2d: {  	s3 =	simm.s32 $0x108;
	s8 =	sld [smem:$0x3FB6]  }
0x2e: {  	s3 =	simm.s32 @!p0 $0x1082;
	s9 =	sld [smem:$0x3FB7]  }
0x2f: {  	lr =	sadd.s32 s0, s3;
	s0 =	sld [smem:$0x3FAE]  }
0x30: {  	s3 =	sld [smem:$0x3FB1]  }
0x31: {  	[smem:$0x3FBA] =	sst s10  }
0x32: {  	s10 =	sld [smem:$0x3FB8];
	_ =	sdelay $0x3  }
0x33: {  	p0 =	seq.s32 s10, $0x1;
	s10 =	sld [smem:$0x3FBA];
	_ =	sdelay $0x3  }
0x34: {  	[smem:$0x3FBA] =	sst s10  }
0x35: {  	s10 =	sld [smem:$0x3FB9];
	_ =	sdelay $0x3  }
0x36: {  	p1 =	seq.s32 s10, $0x1;
	s10 =	sld [smem:$0x3FBA];
	_ =	sdelay $0x3  }
0x37: {  	[smem:$0x3FBA] =	sst s10  }
0x38: {  	s10 =	sld [smem:$0x3FBB]  }
0x39: {  	_ = 	snop;
	(pc) =	sbr.ind lr, $3  }
0x3a: {  	_ = 	snop  }
0x3b: {  	_ = 	snop  }
0x3c: {  	p2 =	seq.s32 s10, $0x1;
	s10 =	sld [smem:$0x3FBA]  }
0x3d: {  	_ =	shalt  }
0x3e: {  	_ =	shalt  }
0x3f: {  	_ =	shalt  }
0x40: {  	_ =	shalt  }
0x41: {  	_ =	shalt  }
0x42: {  	_ =	shalt  }
0x43: {  	_ =	shalt  }
0x44: {  	_ =	shalt  }
0x45: {  	_ =	shalt  }
0x46: {  	_ =	shalt  }
0x47: {  	_ =	shalt  }
0x48: {  	_ =	shalt  }
0x49: {  	_ =	shalt  }
0x4a: {  	_ =	shalt  }
0x4b: {  	_ =	shalt  }
0x4c: {  	_ =	shalt  }
0x4d: {  	_ =	shalt  }
0x4e: {  	_ =	shalt  }
0x4f: {  	_ =	shalt  }
0x50: {  	_ =	shalt  }
0x51: {  	_ =	shalt  }
0x52: {  	_ =	shalt  }
0x53: {  	_ =	shalt  }
0x54: {  	_ =	shalt  }
0x55: {  	_ =	shalt  }
0x56: {  	_ =	shalt  }
0x57: {  	_ =	shalt  }
0x58: {  	_ =	shalt  }
0x59: {  	_ =	shalt  }
0x5a: {  	_ =	shalt  }
0x5b: {  	_ =	shalt  }
0x5c: {  	_ =	shalt  }
0x5d: {  	_ =	shalt  }
0x5e: {  	_ =	shalt  }
0x5f: {  	_ =	shalt  }
0x60: {  	_ =	shalt  }
0x61: {  	_ =	shalt  }
0x62: {  	_ =	shalt  }
0x63: {  	_ =	shalt  }
0x64: {  	_ =	shalt  }
0x65: {  	_ =	shalt  }
0x66: {  	_ =	shalt  }
0x67: {  	_ =	shalt  }
0x68: {  	_ =	shalt  }
0x69: {  	_ =	shalt  }
0x6a: {  	_ =	shalt  }
0x6b: {  	_ =	shalt  }
0x6c: {  	_ =	shalt  }
0x6d: {  	_ =	shalt  }
0x6e: {  	_ =	shalt  }
0x6f: {  	_ =	shalt  }
0x70: {  	_ =	shalt  }
0x71: {  	_ =	shalt  }
0x72: {  	_ =	shalt  }
0x73: {  	_ =	shalt  }
0x74: {  	_ =	shalt  }
0x75: {  	_ =	shalt  }
0x76: {  	_ =	shalt  }
0x77: {  	_ =	shalt  }
0x78: {  	_ =	shalt  }
0x79: {  	_ =	shalt  }
0x7a: {  	_ =	shalt  }
0x7b: {  	_ =	shalt  }
0x7c: {  	_ =	shalt  }
0x7d: {  	_ =	shalt  }
0x7e: {  	_ =	shalt  }
0x7f: {  	_ =	shalt  }
0x80: {  	_ =	shalt  }
0x81: {  	_ =	shalt  }
0x82: {  	_ =	shalt  }
0x83: {  	_ =	shalt  }
0x84: {  	_ =	shalt  }
0x85: {  	_ =	shalt  }
0x86: {  	_ =	shalt  }
0x87: {  	_ =	shalt  }
.Lfunc_end0:
.L_simem_size_0:
called_computation_lowered:
.L_overlay_start_0:
0x88: {  	s2 =	sld [smem:$0x3FD9]  }
0x89: {  	s3 =	sld [smem:$0x3FFE];
	_ =	sdelay $0x1  }
0x8a: {  	s1 =	srdreg.scid  }
0x8b: {  	s0 =	sand.u32 $0x1, s1  }
0x8c: {  	s14 =	sshll.u32 s0, $0xA;
	s2 =	sadd.s32 s3, s2  }
0x8d: {  	s2 =	sadd.s32 s2, s14  }
0x8e: {  	[smem:$0x3FC6] =	sst s2  }
0x8f: {  	_ = 	snop  }
0x90: {  	s2 =	sld [smem:$0x3FD0];
	_ =	sdelay $0x2  }
0x91: {  	s4 =	simm.s32 $0xA;
	s5 =	simm.s32 $0x10;
	s15 =	sld [smem:$0x3FC9]  }
0x92: {  	[smem:s5], [sflag:s4] =	dma.local [hbm:s2], $0x1  }
0x93: {  	_ =	swait.eq [sflag:s4], $0x1  }
0x94: {  	[sflag:s4] =	ssyncset.done $0x0  }
0x95: {  	s16 =	sld [smem:$0x10];
	[sflag:s4] =	ssyncadd.s32 $0xFFFFFFFF  }
0x96: {  	s17 =	sld [smem:$0x11];
	(tm) =	ssettm $0x1  }
0x97: {  	s18 =	sld [smem:$0x3FFB];
	_ =	sdelay $0x3  }
0x98: {  	_ =	strace s18  }
0x99: {  	s5 =	sld [smem:$0x3FFC];
	_ =	sdelay $0x3  }
0x9a: {  	_ =	strace s5  }
0x9b: {  	s5 =	sld [smem:$0x3FFD];
	_ =	sdelay $0x3  }
0x9c: {  	_ =	strace s5  }
0x9d: {  	_ =	strace $0x8FFFFFFF  }
0x9e: {  	s19 =	sld [smem:$0x3FDB];
	_ =	sdelay $0x1  }
0x9f: {  	s6 =	simm.s32 $_scs_section_size  }
0xa0: {  	s7 =	simm.s32 $_size__tile_overlayer_lowered;
	s8 =	simm.s32 $_tile_overlayer_lowered  }
0xa1: {  	s22 =	simm.s32 $0x1BFF;
	s21 =	sshll.u32 s8, $0x1;
	s5 =	sadd.s32 s6, s19  }
0xa2: {  	s9 =	simm.s32 $0x0;
	s20 =	sshll.u32 s7, $0x1;
	s7 =	sadd.s32 s21, s5  }
0xa3: {  	[timem:s9], [sflag:s22] =	dma.local [hbm:s7], s20  }
0xa4: {  	_ =	swait.ge [sflag:s22], s20  }
0xa5: {  	s6 =	ssub.s32 $0x0, s20;
	[sflag:s22] =	ssyncset.done $0x0  }
0xa6: {  	[sflag:s22] =	ssyncadd.s32 s6;
	_ =	sdelay $0x1  }
0xa7: {  	s23 =	simm.s32 $0x1B8B  }
0xa8: {  	_ =	swait.ge [sflag:s23], $0x1  }
0xa9: {  	[sflag:s23] =	ssyncset.done $0x0  }
0xaa: {  	s25 =	simm.s32 $0x1B8E;
	s24 =	sld [smem:$0x3FFE];
	[sflag:s23] =	ssyncadd.s32 $0xFFFFFFFF  }
0xab: {  	s26 =	simm.s32 $execute0_lowered;
	[smem:$0x3FD2] =	sst s25  }
0xac: {  	s7 =	sshll.u32 s26, $0x1;
	_ =	strace $0x80000046;
	[dreg:$0x1] =	wrdreg $0xFFFFFFFF  }
0xad: {  	s28 =	simm.s32 $_size_execute0_lowered;
	s5 =	sadd.s32 s5, s7;
	[dreg:$0x0] =	wrdreg $0x0  }
0xae: {  	s7 =	sshll.u32 s28, $0x1;
	[dreg:$0x2] =	wrdreg s5  }
0xaf: {  	[dreg:$0x3] =	wrdreg s7  }
0xb0: {  	[dreg:$0x4] =	wrdreg $0xC0  }
0xb1: {  	_ =	task [dreg:s9], $0x5FFFF  }
0xb2: {  	[dreg:$0x1] =	wrdreg $0xFFFFFFFF  }
0xb3: {  	[dreg:$0x0] =	wrdreg $0x60  }
0xb4: {  	[dreg:$0x2] =	wrdreg s15  }
0xb5: {  	[dreg:$0x3] =	wrdreg s16  }
0xb6: {  	[dreg:$0x4] =	wrdreg s17  }
0xb7: {  	[dreg:$0x5] =	wrdreg s24  }
0xb8: {  	[dreg:$0x6] =	wrdreg $0x9  }
0xb9: {  	_ =	task.clear_ibuf [dreg:s9], $0x7FFFF;
	_ =	strace $0x90000046  }
0xba: {  	s29 =	simm.s32 $0x9;
	_ =	strace $0x80000048  }
0xbb: {  	_ =	swait.ge [sflag:s29], $0x1  }
0xbc: {  	[sflag:s29] =	ssyncadd.s32 $0xFFFFFFFF  }
0xbd: {  	_ =	strace $0x90000048  }
0xbe: {  	_ =	sfence  }
0xbf: {  	s30 =	sld [smem:$0x0];
	_ =	sdelay $0x2  }
0xc0: {  	s31 =	sshll.u32 s1, $0xD;
	s1 =	sshrl.u32 s1, $0x2  }
0xc1: {  	s3 =	sand.u32 $0x4000, s31;
	s1 =	sadd.s32 s1, s30  }
0xc2: {  	s0 =	sor.u32 s3, s0;
	s1 =	sshll.u32 s1, $0x11  }
0xc3: {  	s0 =	sor.u32 s1, s0  }
0xc4: {  	s0 =	sadd.s32 $0x8F2B, s0  }
0xc5: {  	[sflag:s0] =	ssyncadd.remote.s32 $0x1  }
0xc6: {  	_ =	sfence.sel $0xFFFF  }
0xc7: {  	[dreg:$0x0] =	wrdreg $0xFFFFFFFF;
	(pc) =	sbr.abs _section_cstart, $3  }
0xc8: {  	[dreg:$0x1] =	wrdreg $0xFFFFFFFF  }
0xc9: {  	_ =	task.clear_ibuf [dreg:s9], $0x2FFFF;
	_ =	strace $0x9FFFFFFF  }
0xca: {  	(tm) =	ssettm $0x7FFFFFFF  }
0xcb: {  	_ =	shalt  }
tec
execute0_lowered:
.L_overlay_start_1:
0x0: {  	(tag) =	ssettag $0x1  }
0x1: {  	s4 =	rddreg [dreg:$0x0]  }
0x2: {  	s5 =	rddreg [dreg:$0x1]  }
0x3: {  	s0 =	rddreg [dreg:$0x2]  }
0x4: {  	s7 =	rddreg [dreg:$0x3];
	s2 =	simm.s32 $0x0;
	s1 =	srdreg.scid  }
0x5: {  	s13 =	stileid.u32;
	[smem:$0x7FF] =	sst s2  }
0x6: {  	s6 =	sand.u32 $0x1, s1;
	s1 =	sadd.s32 $0x600, s7;
	s8 =	sshll.u32 s13, $0x1  }
0x7: {  	s10 =	sshrl.u32 s13, $0x1;
	s21 =	sshll.u32 s13, $0xF;
	s7 =	sadd.s32 $0x8600, s7  }
0x8: {  	_ =	strace $0x80000047;
	s3 =	ssub.s32 $0x2, s6;
	s8 =	sand.u32 $0x2, s8  }
0x9: {  	s11 =	sshll.u32 s10, $0x4;
	s12 =	smul.u32 $0x1800, s10;
	s14 =	sshll.u32 s10, $0x10  }
0xa: {  	s24 =	sand.u32 $0x8000, s21;
	s10 =	smul.u32 $0x180000, s10;
	s9 =	sshrl.u32 s3, $0x1  }
0xb: {  	s8 =	sor.u32 s6, s8;
	s4 =	sadd.s32 s4, s11;
	s6 =	sshll.u32 s6, $0x9  }
0xc: {  	s3 =	ssub.s32 s3, s9;
	[dreg:$0x5] =	wrdreg s4;
	s5 =	sadd.s32 s5, s12  }
0xd: {  	s20 =	sshll.u32 s8, $0x2;
	s6 =	sor.u32 s6, s24;
	[dreg:$0x6] =	wrdreg s5  }
0xe: {  	s5 =	sshllo.u32 s8, $0x2;
	s9 =	sor.u32 $0x2, s20;
	s4 =	sor.u32 $0x1, s20  }
0xf: {  	s8 =	sshll.u32 s8, $0x10;
	s6 =	sor.u32 s14, s6;
	s22 =	sshll.u32 s5, $0x7  }
0x10: {  	s23 =	sshll.u32 s9, $0x7;
	s25 =	sshll.u32 s4, $0x7;
	s8 =	sor.u32 s10, s8  }
0x11: {  	s6 =	sshrl.u32 s6, $0x3;
	s4 =	sshll.u32 s4, $0xE;
	s24 =	sshll.u32 s9, $0xE  }
0x12: {  	s9 =	simm.s32 $0xF000;
	s15 =	sor.u32 s22, s21;
	s13 =	sor.u32 s23, s21  }
0x13: {  	s11 =	sor.u32 s25, s21;
	s8 =	sshrl.u32 s8, $0x3;
	s6 =	sadd.s32 s0, s6  }
0x14: {  	s4 =	sor.u32 s10, s4;
	s25 =	sshll.u32 s5, $0xE;
	s5 =	simm.s32 $0x400  }
0x15: {  	[dreg:$0x7] =	wrdreg s6;
	s6 =	sadd.s32 s1, s8;
	s8 =	sadd.s32 s8, s7  }
0x16: {  	s16 =	sand.u32 $0x8280, s11;
	s26 =	sadd.s32 $0x18000, s6;
	[dreg:$0x9] =	wrdreg s8  }
0x17: {  	s4 =	sshrl.u32 s4, $0x3;
	s12 =	sadd.s32 $0x20000, s6;
	[dreg:$0x8] =	wrdreg s26  }
0x18: {  	s20 =	sand.u32 $0x8300, s13;
	s17 =	sadd.s32 $0x10000, s6;
	[dreg:$0xa] =	wrdreg s12  }
0x19: {  	s22 =	sand.u32 $0x8380, s15;
	s18 =	sadd.s32 $0x28000, s6;
	[dreg:$0xb] =	wrdreg s17  }
0x1a: {  	s11 =	simm.s32 $0x7000;
	s8 =	sor.u32 s14, s16;
	[dreg:$0xc] =	wrdreg s18  }
0x1b: {  	s8 =	sshrl.u32 s8, $0x3;
	s12 =	sadd.s32 s1, s4;
	s4 =	sadd.s32 s4, s7  }
0x1c: {  	s13 =	simm.s32 $0xB000;
	s8 =	sadd.s32 s0, s8;
	[dreg:$0xf] =	wrdreg s4  }
0x1d: {  	s21 =	sor.u32 s14, s20;
	s19 =	sadd.s32 $0x18000, s12;
	[dreg:$0xd] =	wrdreg s8  }
0x1e: {  	s23 =	sadd.s32 $0x20000, s12;
	s4 =	sshrl.u32 s21, $0x3;
	[dreg:$0xe] =	wrdreg s19  }
0x1f: {  	s26 =	sadd.s32 $0x10000, s12;
	s8 =	sor.u32 s14, s22;
	[dreg:$0x10] =	wrdreg s23  }
0x20: {  	s4 =	sadd.s32 s0, s4;
	[dreg:$0x13] =	wrdreg s26;
	s14 =	simm.s32 $0x0  }
0x21: {  	[dreg:$0x11] =	wrdreg s4;
	s8 =	sshrl.u32 s8, $0x3;
	s4 =	sor.u32 s10, s24  }
0x22: {  	s24 =	sadd.s32 $0x28000, s12;
	s0 =	sadd.s32 s0, s8;
	s4 =	sshrl.u32 s4, $0x3  }
0x23: {  	s8 =	simm.s32 $0x3000;
	[dreg:$0x12] =	wrdreg s0;
	s0 =	sor.u32 s10, s25  }
0x24: {  	s20 =	sadd.s32 s1, s4;
	s4 =	sadd.s32 s4, s7;
	s25 =	smax.u32 s3, $0x1  }
0x25: {  	s10 =	simm.s32 $0x14000;
	[dreg:$0x14] =	wrdreg s4;
	s0 =	sshrl.u32 s0, $0x3  }
0x26: {  	s26 =	sadd.s32 $0x18000, s20;
	s28 =	sadd.s32 $0x20000, s20;
	s29 =	sadd.s32 $0x10000, s20  }
0x27: {  	s30 =	sadd.s32 $0x28000, s20;
	s4 =	simm.s32 $0x80;
	s22 =	sadd.s32 s1, s0  }
0x28: {  	s23 =	sadd.s32 s0, s7;
	s7 =	simm.s32 $0x1;
	s31 =	sadd.s32 $0x18000, s22  }
0x29: {  	s0 =	sadd.s32 $0x20000, s22;
	s1 =	sadd.s32 $0x10000, s22;
	s3 =	sadd.s32 $0x28000, s22  }
.LBB2_1:
0x2a: {  	s15 =	rddreg [dreg:$0x5]  }
0x2b: {  	[tilespmem:s2], [sflag:$0x1] =	stream.strided.gather [hbm4b:s15+s4], $0x3000, s5, s4, $0x38;
	[tilespmem:$0x18000] =	vst v63  }
0x2c: {  	_ =	swait.ge [sflag:s7], $0x3000  }
0x2d: {  	[sflag:s7] =	ssyncset.done $0x0  }
0x2e: {  	s17 =	rddreg [dreg:$0x6];
	[sflag:s7] =	ssyncadd.s32 $0xFFFFD000  }
0x2f: {  	[tilespmem:s8], [sflag:$0x1] =	stream.linear.gather [hbm4b:s17+s2], $0xC000, $0x38;
	[tilespmem:$0x18000] =	vst v63  }
0x30: {  	_ =	swait.ge [sflag:s7], $0xC000  }
0x31: {  	[sflag:s7] =	ssyncset.done $0x0  }
0x32: {  	s18 =	rddreg [dreg:$0x7];
	[sflag:s7] =	ssyncadd.s32 $0xFFFF4000  }
0x33: {  	[tilespmem:s9], [sflag:$0x1] =	stream.strided.gather [hbm4b:s18+s4], $0x1000, s5, s4, $0x38;
	[tilespmem:$0x18000] =	vst v63  }
0x34: {  	_ =	swait.ge [sflag:s7], $0x1000  }
0x35: {  	[sflag:s7] =	ssyncset.done $0x0  }
0x36: {  	s19 =	simm.s32 $0x0;
	[sflag:s7] =	ssyncadd.s32 $0xFFFFF000  }
0x37: {  	v0 =	vld [tilespmem:s19+$0xF000];
	_ =	sdelay $0x7  }
0x38: {  	v1 =	vld.idx.msk [tilespmem:v0+s2+$0x0], $0xffff  }
0x39: {  	v2 =	vadd.s32 $0x1000, v0;
	_ =	sdelay $0x1  }
0x3a: {  	s21 =	sand.u32 $0x70, s2;
	s16 =	sand.u32 $0x3E00, s2  }
0x3b: {  	s18 =	sor.u32 s21, s16  }
0x3c: {  	[tilespmem:s18+$0x10000] =	vst v1  }
0x3d: {  	v1 =	vld.idx.msk [tilespmem:v2+s2+$0x0], $0xffff  }
0x3e: {  	v0 =	vadd.s32 $0x2000, v0;
	_ =	sdelay $0x3  }
0x3f: {  	[tilespmem:s18+$0x10080] =	vst v1  }
0x40: {  	v0 =	vld.idx.msk [tilespmem:v0+s2+$0x0], $0xffff;
	_ =	sdelay $0x2  }
0x41: {  	s15 =	simm.s32 $0x10;
	s17 =	simm.s32 $0x20;
	s16 =	simm.s32 $0x40  }
.LBB2_2:
0x42: {  	p0 =	sne.s32 s17, $0xFF0  }
0x43: {  	s19 =	sshra.s32 s16, $0x2;
	[tilespmem:s18+$0x10100] =	vst v0;
	s18 =	smov.u32 s17;
	s17 =	sadd.s32 $0x10, s17  }
0x44: {  	v0 =	vld [tilespmem:s19+$0xF000];
	_ =	sdelay $0x7  }
0x45: {  	v1 =	vld.idx.msk [tilespmem:v0+s2+$0x0], $0xffff;
	_ =	sdelay $0x1  }
0x46: {  	v2 =	vadd.s32 $0x1000, v0;
	_ =	sdelay $0x1  }
0x47: {  	s21 =	sand.u32 $0x3E00, s16;
	s19 =	sand.u32 $0x70, s15;
	s15 =	smov.u32 s18  }
0x48: {  	s18 =	sor.u32 s19, s21  }
0x49: {  	[tilespmem:s18+$0x10000] =	vst v1  }
0x4a: {  	v1 =	vld.idx.msk [tilespmem:v2+s2+$0x0], $0xffff;
	_ =	sdelay $0x1  }
0x4b: {  	v0 =	vadd.s32 $0x2000, v0;
	_ =	sdelay $0x3  }
0x4c: {  	[tilespmem:s18+$0x10080] =	vst v1  }
0x4d: {  	v0 =	vld.idx.msk [tilespmem:v0+s2+$0x0], $0xffff  }
.Ltmp0:
0x4e: {  	(pc) =	sbr.rel @p0 .LBB2_2-.Ltmp0, $2  }
0x4f: {  	_ =	sdelay $0x2  }
0x50: {  	s16 =	sadd.s32 $0x40, s16  }
0x51: {  	s17 =	sshra.s32 s16, $0x2;
	[tilespmem:s18+$0x10100] =	vst v0  }
0x52: {  	v0 =	vld [tilespmem:s17+$0xF000];
	_ =	sdelay $0x7  }
0x53: {  	v1 =	vld.idx.msk [tilespmem:v0+s2+$0x0], $0xffff  }
0x54: {  	v2 =	vadd.s32 $0x1000, v0;
	_ =	sdelay $0x1  }
0x55: {  	s15 =	sand.u32 $0x70, s15;
	s21 =	sand.u32 $0x3E00, s16  }
0x56: {  	s15 =	sor.u32 s15, s21  }
0x57: {  	[tilespmem:s15+$0x10000] =	vst v1  }
0x58: {  	v1 =	vld.idx.msk [tilespmem:v2+s2+$0x0], $0xffff  }
0x59: {  	v0 =	vadd.s32 $0x2000, v0;
	_ =	sdelay $0x3  }
0x5a: {  	[tilespmem:s15+$0x10080] =	vst v1  }
0x5b: {  	v0 =	vld.idx.msk [tilespmem:v0+s2+$0x0], $0xffff;
	_ =	sdelay $0x4  }
0x5c: {  	s17 =	simm.s32 $0x0;
	[tilespmem:s15+$0x10100] =	vst v0  }
0x5d: {  	[hbm4b:s6+s17] =	stream.linear.scatter [tilespmem:s8], [sflag:$0x1], $0x4000, $0x38;
	[tilespmem:$0x18000] =	vst v63  }
0x5e: {  	_ =	swait.ge [sflag:s7], $0x4000  }
0x5f: {  	s18 =	sand.u32 $0x70, s17;
	s15 =	sand.u32 $0x3E00, s17;
	[sflag:s7] =	ssyncset.done $0x0  }
0x60: {  	s15 =	sor.u32 s18, s15;
	[sflag:s7] =	ssyncadd.s32 $0xFFFFC000  }
0x61: {  	v4 =	vld [tilespmem:s15+$0x10000]  }
0x62: {  	v1 =	vld [tilespmem:s15+$0x3100]  }
0x63: {  	v3 =	vld [tilespmem:s15+$0x3000]  }
0x64: {  	s19 =	simm.s32 $0x10;
	s21 =	simm.s32 $0x40  }
0x65: {  	s16 =	sand.u32 $0x70, s19;
	s17 =	sand.u32 $0x3E00, s21;
	v5 =	vld [tilespmem:s15+$0x3080]  }
0x66: {  	s16 =	sor.u32 s16, s17  }
0x67: {  	v0 =	vld [tilespmem:s16+$0x10000];
	v6 =	vsub.f32 v4, v1  }
0x68: {  	v2 =	vld [tilespmem:s16+$0x3100];
	v7 =	vsub.f32 v4, v3  }
0x69: {  	v1 =	vld [tilespmem:s16+$0x3000];
	[tilespmem:s15+$0x14100] =	vst v6  }
0x6a: {  	s18 =	simm.s32 $0x80;
	s17 =	simm.s32 $0x20;
	v4 =	vsub.f32 v4, v5;
	v3 =	vld [tilespmem:s16+$0x3080];
	[tilespmem:s15+$0x14000] =	vst v7  }
.LBB2_4:
0x6b: {  	s19 =	sand.u32 $0x70, s17  }
0x6c: {  	s21 =	sand.u32 $0x3E00, s18;
	[tilespmem:s15+$0x14080] =	vst v4;
	s15 =	smov.u32 s16;
	p0 =	sne.s32 s17, $0xFF0  }
.Ltmp1:
0x6d: {  	s17 =	sadd.s32 $0x10, s17;
	s16 =	sor.u32 s19, s21;
	(pc) =	sbr.rel @p0 .LBB2_4-.Ltmp1, $4  }
0x6e: {  	v4 =	vmov v0;
	v5 =	vsub.f32 v0, v2;
	v0 =	vld [tilespmem:s16+$0x10000]  }
0x6f: {  	v2 =	vld [tilespmem:s16+$0x3100];
	v6 =	vsub.f32 v4, v1  }
0x70: {  	v1 =	vld [tilespmem:s16+$0x3000];
	v4 =	vsub.f32 v4, v3;
	[tilespmem:s15+$0x14100] =	vst v5  }
0x71: {  	s18 =	sadd.s32 $0x40, s18;
	v3 =	vld [tilespmem:s16+$0x3080];
	[tilespmem:s15+$0x14000] =	vst v6  }
0x72: {  	_ =	sdelay $0x1  }
0x73: {  	v2 =	vsub.f32 v0, v2  }
0x74: {  	[tilespmem:s15+$0x14080] =	vst v4;
	v1 =	vsub.f32 v0, v1  }
0x75: {  	v0 =	vsub.f32 v0, v3;
	[tilespmem:s16+$0x14100] =	vst v2  }
0x76: {  	[tilespmem:s16+$0x14000] =	vst v1  }
0x77: {  	s21 =	simm.s32 $0x0;
	s17 =	rddreg [dreg:$0x8];
	[tilespmem:s16+$0x14080] =	vst v0  }
0x78: {  	[hbm4b:s17+s21] =	stream.linear.scatter [tilespmem:s10], [sflag:$0x1], $0x4000, $0x38;
	[tilespmem:$0x18000] =	vst v63  }
0x79: {  	_ =	swait.ge [sflag:s7], $0x4000  }
0x7a: {  	[sflag:s7] =	ssyncset.done $0x0  }
0x7b: {  	s18 =	rddreg [dreg:$0x9];
	[sflag:s7] =	ssyncadd.s32 $0xFFFFC000  }
0x7c: {  	[hbm4b:s18+s21] =	stream.linear.scatter [tilespmem:s11], [sflag:$0x1], $0x4000, $0x38;
	[tilespmem:$0x18000] =	vst v63  }
0x7d: {  	_ =	swait.ge [sflag:s7], $0x4000  }
0x7e: {  	s19 =	sand.u32 $0x70, s21;
	s15 =	sand.u32 $0x3E00, s21;
	[sflag:s7] =	ssyncset.done $0x0  }
0x7f: {  	s15 =	sor.u32 s15, s19;
	[sflag:s7] =	ssyncadd.s32 $0xFFFFC000  }
0x80: {  	v4 =	vld [tilespmem:s15+$0x10080]  }
0x81: {  	v1 =	vld [tilespmem:s15+$0x7100]  }
0x82: {  	v3 =	vld [tilespmem:s15+$0x7000]  }
0x83: {  	s17 =	simm.s32 $0x40;
	s21 =	simm.s32 $0x10  }
0x84: {  	s17 =	sand.u32 $0x3E00, s17;
	s16 =	sand.u32 $0x70, s21;
	v5 =	vld [tilespmem:s15+$0x7080]  }
0x85: {  	s16 =	sor.u32 s17, s16  }
0x86: {  	v0 =	vld [tilespmem:s16+$0x10080];
	v6 =	vsub.f32 v4, v1  }
0x87: {  	v2 =	vld [tilespmem:s16+$0x7100];
	v7 =	vsub.f32 v4, v3  }
0x88: {  	v1 =	vld [tilespmem:s16+$0x7000];
	[tilespmem:s15+$0x14100] =	vst v6  }
0x89: {  	s18 =	simm.s32 $0x80;
	s17 =	simm.s32 $0x20;
	v4 =	vsub.f32 v4, v5;
	v3 =	vld [tilespmem:s16+$0x7080];
	[tilespmem:s15+$0x14000] =	vst v7  }
.LBB2_6:
0x8a: {  	s19 =	sand.u32 $0x70, s17  }
0x8b: {  	s21 =	sand.u32 $0x3E00, s18;
	[tilespmem:s15+$0x14080] =	vst v4;
	s15 =	smov.u32 s16;
	p0 =	sne.s32 s17, $0xFF0  }
.Ltmp2:
0x8c: {  	s17 =	sadd.s32 $0x10, s17;
	s16 =	sor.u32 s21, s19;
	(pc) =	sbr.rel @p0 .LBB2_6-.Ltmp2, $4  }
0x8d: {  	v4 =	vmov v0;
	v5 =	vsub.f32 v0, v2;
	v0 =	vld [tilespmem:s16+$0x10080]  }
0x8e: {  	v2 =	vld [tilespmem:s16+$0x7100];
	v6 =	vsub.f32 v4, v1  }
0x8f: {  	v1 =	vld [tilespmem:s16+$0x7000];
	v4 =	vsub.f32 v4, v3;
	[tilespmem:s15+$0x14100] =	vst v5  }
0x90: {  	s18 =	sadd.s32 $0x40, s18;
	v3 =	vld [tilespmem:s16+$0x7080];
	[tilespmem:s15+$0x14000] =	vst v6  }
0x91: {  	_ =	sdelay $0x1  }
0x92: {  	v2 =	vsub.f32 v0, v2  }
0x93: {  	[tilespmem:s15+$0x14080] =	vst v4;
	v1 =	vsub.f32 v0, v1  }
0x94: {  	v0 =	vsub.f32 v0, v3;
	[tilespmem:s16+$0x14100] =	vst v2  }
0x95: {  	[tilespmem:s16+$0x14000] =	vst v1  }
0x96: {  	s21 =	simm.s32 $0x0;
	s17 =	rddreg [dreg:$0xa];
	[tilespmem:s16+$0x14080] =	vst v0  }
0x97: {  	[hbm4b:s17+s21] =	stream.linear.scatter [tilespmem:s10], [sflag:$0x1], $0x4000, $0x38;
	[tilespmem:$0x18000] =	vst v63  }
0x98: {  	_ =	swait.ge [sflag:s7], $0x4000  }
0x99: {  	[sflag:s7] =	ssyncset.done $0x0  }
0x9a: {  	s18 =	rddreg [dreg:$0xb];
	[sflag:s7] =	ssyncadd.s32 $0xFFFFC000  }
0x9b: {  	[hbm4b:s18+s21] =	stream.linear.scatter [tilespmem:s13], [sflag:$0x1], $0x4000, $0x38;
	[tilespmem:$0x18000] =	vst v63  }
0x9c: {  	_ =	swait.ge [sflag:s7], $0x4000  }
0x9d: {  	s19 =	sand.u32 $0x70, s21;
	s15 =	sand.u32 $0x3E00, s21;
	[sflag:s7] =	ssyncset.done $0x0  }
0x9e: {  	s15 =	sor.u32 s15, s19;
	[sflag:s7] =	ssyncadd.s32 $0xFFFFC000  }
0x9f: {  	v4 =	vld [tilespmem:s15+$0x10100]  }
0xa0: {  	v1 =	vld [tilespmem:s15+$0xB100]  }
0xa1: {  	v3 =	vld [tilespmem:s15+$0xB000]  }
0xa2: {  	s17 =	simm.s32 $0x40;
	s21 =	simm.s32 $0x10  }
0xa3: {  	s17 =	sand.u32 $0x3E00, s17;
	s16 =	sand.u32 $0x70, s21;
	v5 =	vld [tilespmem:s15+$0xB080]  }
0xa4: {  	s16 =	sor.u32 s17, s16  }
0xa5: {  	v0 =	vld [tilespmem:s16+$0x10100];
	v6 =	vsub.f32 v4, v1  }
0xa6: {  	v2 =	vld [tilespmem:s16+$0xB100];
	v7 =	vsub.f32 v4, v3  }
0xa7: {  	v1 =	vld [tilespmem:s16+$0xB000];
	[tilespmem:s15+$0x14100] =	vst v6  }
0xa8: {  	s18 =	simm.s32 $0x80;
	s17 =	simm.s32 $0x20;
	v4 =	vsub.f32 v4, v5;
	v3 =	vld [tilespmem:s16+$0xB080];
	[tilespmem:s15+$0x14000] =	vst v7  }
.LBB2_8:
0xa9: {  	s19 =	sand.u32 $0x70, s17  }
0xaa: {  	s21 =	sand.u32 $0x3E00, s18;
	[tilespmem:s15+$0x14080] =	vst v4;
	s15 =	smov.u32 s16;
	p0 =	sne.s32 s17, $0xFF0  }
.Ltmp3:
0xab: {  	s17 =	sadd.s32 $0x10, s17;
	s16 =	sor.u32 s21, s19;
	(pc) =	sbr.rel @p0 .LBB2_8-.Ltmp3, $4  }
0xac: {  	v4 =	vmov v0;
	v5 =	vsub.f32 v0, v2;
	v0 =	vld [tilespmem:s16+$0x10100]  }
0xad: {  	v2 =	vld [tilespmem:s16+$0xB100];
	v6 =	vsub.f32 v4, v1  }
0xae: {  	v1 =	vld [tilespmem:s16+$0xB000];
	v4 =	vsub.f32 v4, v3;
	[tilespmem:s15+$0x14100] =	vst v5  }
0xaf: {  	s18 =	sadd.s32 $0x40, s18;
	v3 =	vld [tilespmem:s16+$0xB080];
	[tilespmem:s15+$0x14000] =	vst v6  }
0xb0: {  	_ =	sdelay $0x1  }
0xb1: {  	v2 =	vsub.f32 v0, v2  }
0xb2: {  	[tilespmem:s15+$0x14080] =	vst v4;
	v1 =	vsub.f32 v0, v1  }
0xb3: {  	v0 =	vsub.f32 v0, v3;
	[tilespmem:s16+$0x14100] =	vst v2  }
0xb4: {  	[tilespmem:s16+$0x14000] =	vst v1  }
0xb5: {  	s15 =	simm.s32 $0x0;
	s17 =	rddreg [dreg:$0xc];
	[tilespmem:s16+$0x14080] =	vst v0  }
0xb6: {  	[hbm4b:s17+s15] =	stream.linear.scatter [tilespmem:s10], [sflag:$0x1], $0x4000, $0x38;
	[tilespmem:$0x18000] =	vst v63  }
0xb7: {  	_ =	swait.ge [sflag:s7], $0x4000  }
0xb8: {  	[sflag:s7] =	ssyncset.done $0x0  }
0xb9: {  	s18 =	rddreg [dreg:$0xd];
	[sflag:s7] =	ssyncadd.s32 $0xFFFFC000  }
0xba: {  	[tilespmem:s9], [sflag:$0x1] =	stream.strided.gather [hbm4b:s18+s4], $0x1000, s5, s4, $0x38;
	[tilespmem:$0x18000] =	vst v63  }
0xbb: {  	_ =	swait.ge [sflag:s7], $0x1000  }
0xbc: {  	[sflag:s7] =	ssyncset.done $0x0  }
0xbd: {  	s19 =	simm.s32 $0x0;
	[sflag:s7] =	ssyncadd.s32 $0xFFFFF000  }
0xbe: {  	v0 =	vld [tilespmem:s19+$0xF000];
	_ =	sdelay $0x7  }
0xbf: {  	v1 =	vld.idx.msk [tilespmem:v0+s2+$0x0], $0xffff  }
0xc0: {  	v2 =	vadd.s32 $0x1000, v0;
	_ =	sdelay $0x1  }
0xc1: {  	s21 =	sand.u32 $0x70, s15;
	s15 =	sand.u32 $0x3E00, s15  }
0xc2: {  	s18 =	sor.u32 s21, s15  }
0xc3: {  	[tilespmem:s18+$0x10000] =	vst v1  }
0xc4: {  	v1 =	vld.idx.msk [tilespmem:v2+s2+$0x0], $0xffff  }
0xc5: {  	v0 =	vadd.s32 $0x2000, v0;
	_ =	sdelay $0x3  }
0xc6: {  	[tilespmem:s18+$0x10080] =	vst v1  }
0xc7: {  	v0 =	vld.idx.msk [tilespmem:v0+s2+$0x0], $0xffff;
	_ =	sdelay $0x2  }
0xc8: {  	s16 =	simm.s32 $0x40;
	s17 =	simm.s32 $0x20;
	s15 =	simm.s32 $0x10  }
.LBB2_10:
0xc9: {  	p0 =	sne.s32 s17, $0xFF0  }
0xca: {  	s19 =	sshra.s32 s16, $0x2;
	[tilespmem:s18+$0x10100] =	vst v0;
	s18 =	smov.u32 s17;
	s17 =	sadd.s32 $0x10, s17  }
0xcb: {  	v0 =	vld [tilespmem:s19+$0xF000];
	_ =	sdelay $0x7  }
0xcc: {  	v1 =	vld.idx.msk [tilespmem:v0+s2+$0x0], $0xffff;
	_ =	sdelay $0x1  }
0xcd: {  	v2 =	vadd.s32 $0x1000, v0;
	_ =	sdelay $0x1  }
0xce: {  	s21 =	sand.u32 $0x3E00, s16;
	s19 =	sand.u32 $0x70, s15;
	s15 =	smov.u32 s18  }
0xcf: {  	s18 =	sor.u32 s19, s21  }
0xd0: {  	[tilespmem:s18+$0x10000] =	vst v1  }
0xd1: {  	v1 =	vld.idx.msk [tilespmem:v2+s2+$0x0], $0xffff;
	_ =	sdelay $0x1  }
0xd2: {  	v0 =	vadd.s32 $0x2000, v0;
	_ =	sdelay $0x3  }
0xd3: {  	[tilespmem:s18+$0x10080] =	vst v1  }
0xd4: {  	v0 =	vld.idx.msk [tilespmem:v0+s2+$0x0], $0xffff  }
.Ltmp4:
0xd5: {  	(pc) =	sbr.rel @p0 .LBB2_10-.Ltmp4, $2  }
0xd6: {  	_ =	sdelay $0x2  }
0xd7: {  	s16 =	sadd.s32 $0x40, s16  }
0xd8: {  	s17 =	sshra.s32 s16, $0x2;
	[tilespmem:s18+$0x10100] =	vst v0  }
0xd9: {  	v0 =	vld [tilespmem:s17+$0xF000];
	_ =	sdelay $0x7  }
0xda: {  	v1 =	vld.idx.msk [tilespmem:v0+s2+$0x0], $0xffff  }
0xdb: {  	v2 =	vadd.s32 $0x1000, v0;
	_ =	sdelay $0x1  }
0xdc: {  	s15 =	sand.u32 $0x70, s15;
	s21 =	sand.u32 $0x3E00, s16  }
0xdd: {  	s15 =	sor.u32 s15, s21  }
0xde: {  	[tilespmem:s15+$0x10000] =	vst v1  }
0xdf: {  	v1 =	vld.idx.msk [tilespmem:v2+s2+$0x0], $0xffff  }
0xe0: {  	v0 =	vadd.s32 $0x2000, v0;
	_ =	sdelay $0x3  }
0xe1: {  	[tilespmem:s15+$0x10080] =	vst v1  }
0xe2: {  	v0 =	vld.idx.msk [tilespmem:v0+s2+$0x0], $0xffff;
	_ =	sdelay $0x4  }
0xe3: {  	s17 =	simm.s32 $0x0;
	[tilespmem:s15+$0x10100] =	vst v0  }
0xe4: {  	[hbm4b:s12+s17] =	stream.linear.scatter [tilespmem:s8], [sflag:$0x1], $0x4000, $0x38;
	[tilespmem:$0x18000] =	vst v63  }
0xe5: {  	_ =	swait.ge [sflag:s7], $0x4000  }
0xe6: {  	s18 =	sand.u32 $0x70, s17;
	s15 =	sand.u32 $0x3E00, s17;
	[sflag:s7] =	ssyncset.done $0x0  }
0xe7: {  	s15 =	sor.u32 s18, s15;
	[sflag:s7] =	ssyncadd.s32 $0xFFFFC000  }
0xe8: {  	v4 =	vld [tilespmem:s15+$0x10000]  }
0xe9: {  	v1 =	vld [tilespmem:s15+$0x3100]  }
0xea: {  	v3 =	vld [tilespmem:s15+$0x3000]  }
0xeb: {  	s19 =	simm.s32 $0x10;
	s21 =	simm.s32 $0x40  }
0xec: {  	s16 =	sand.u32 $0x70, s19;
	s17 =	sand.u32 $0x3E00, s21;
	v5 =	vld [tilespmem:s15+$0x3080]  }
0xed: {  	s16 =	sor.u32 s16, s17  }
0xee: {  	v0 =	vld [tilespmem:s16+$0x10000];
	v6 =	vsub.f32 v4, v1  }
0xef: {  	v2 =	vld [tilespmem:s16+$0x3100];
	v7 =	vsub.f32 v4, v3  }
0xf0: {  	v1 =	vld [tilespmem:s16+$0x3000];
	[tilespmem:s15+$0x14100] =	vst v6  }
0xf1: {  	s18 =	simm.s32 $0x80;
	s17 =	simm.s32 $0x20;
	v4 =	vsub.f32 v4, v5;
	v3 =	vld [tilespmem:s16+$0x3080];
	[tilespmem:s15+$0x14000] =	vst v7  }
.LBB2_12:
0xf2: {  	s19 =	sand.u32 $0x70, s17  }
0xf3: {  	s21 =	sand.u32 $0x3E00, s18;
	[tilespmem:s15+$0x14080] =	vst v4;
	s15 =	smov.u32 s16;
	p0 =	sne.s32 s17, $0xFF0  }
.Ltmp5:
0xf4: {  	s17 =	sadd.s32 $0x10, s17;
	s16 =	sor.u32 s19, s21;
	(pc) =	sbr.rel @p0 .LBB2_12-.Ltmp5, $4  }
0xf5: {  	v4 =	vmov v0;
	v5 =	vsub.f32 v0, v2;
	v0 =	vld [tilespmem:s16+$0x10000]  }
0xf6: {  	v2 =	vld [tilespmem:s16+$0x3100];
	v6 =	vsub.f32 v4, v1  }
0xf7: {  	v1 =	vld [tilespmem:s16+$0x3000];
	v4 =	vsub.f32 v4, v3;
	[tilespmem:s15+$0x14100] =	vst v5  }
0xf8: {  	s18 =	sadd.s32 $0x40, s18;
	v3 =	vld [tilespmem:s16+$0x3080];
	[tilespmem:s15+$0x14000] =	vst v6  }
0xf9: {  	_ =	sdelay $0x1  }
0xfa: {  	v2 =	vsub.f32 v0, v2  }
0xfb: {  	[tilespmem:s15+$0x14080] =	vst v4;
	v1 =	vsub.f32 v0, v1  }
0xfc: {  	v0 =	vsub.f32 v0, v3;
	[tilespmem:s16+$0x14100] =	vst v2  }
0xfd: {  	[tilespmem:s16+$0x14000] =	vst v1  }
0xfe: {  	s21 =	simm.s32 $0x0;
	s17 =	rddreg [dreg:$0xe];
	[tilespmem:s16+$0x14080] =	vst v0  }
0xff: {  	[hbm4b:s17+s21] =	stream.linear.scatter [tilespmem:s10], [sflag:$0x1], $0x4000, $0x38;
	[tilespmem:$0x18000] =	vst v63  }
0x100: {  	_ =	swait.ge [sflag:s7], $0x4000  }
0x101: {  	[sflag:s7] =	ssyncset.done $0x0  }
0x102: {  	s18 =	rddreg [dreg:$0xf];
	[sflag:s7] =	ssyncadd.s32 $0xFFFFC000  }
0x103: {  	[hbm4b:s18+s21] =	stream.linear.scatter [tilespmem:s11], [sflag:$0x1], $0x4000, $0x38;
	[tilespmem:$0x18000] =	vst v63  }
0x104: {  	_ =	swait.ge [sflag:s7], $0x4000  }
0x105: {  	s19 =	sand.u32 $0x70, s21;
	s15 =	sand.u32 $0x3E00, s21;
	[sflag:s7] =	ssyncset.done $0x0  }
0x106: {  	s15 =	sor.u32 s15, s19;
	[sflag:s7] =	ssyncadd.s32 $0xFFFFC000  }
0x107: {  	v4 =	vld [tilespmem:s15+$0x10080]  }
0x108: {  	v1 =	vld [tilespmem:s15+$0x7100]  }
0x109: {  	v3 =	vld [tilespmem:s15+$0x7000]  }
0x10a: {  	s17 =	simm.s32 $0x40;
	s21 =	simm.s32 $0x10  }
0x10b: {  	s17 =	sand.u32 $0x3E00, s17;
	s16 =	sand.u32 $0x70, s21;
	v5 =	vld [tilespmem:s15+$0x7080]  }
0x10c: {  	s16 =	sor.u32 s17, s16  }
0x10d: {  	v0 =	vld [tilespmem:s16+$0x10080];
	v6 =	vsub.f32 v4, v1  }
0x10e: {  	v2 =	vld [tilespmem:s16+$0x7100];
	v7 =	vsub.f32 v4, v3  }
0x10f: {  	v1 =	vld [tilespmem:s16+$0x7000];
	[tilespmem:s15+$0x14100] =	vst v6  }
0x110: {  	s18 =	simm.s32 $0x80;
	s17 =	simm.s32 $0x20;
	v4 =	vsub.f32 v4, v5;
	v3 =	vld [tilespmem:s16+$0x7080];
	[tilespmem:s15+$0x14000] =	vst v7  }
.LBB2_14:
0x111: {  	s19 =	sand.u32 $0x70, s17  }
0x112: {  	s21 =	sand.u32 $0x3E00, s18;
	[tilespmem:s15+$0x14080] =	vst v4;
	s15 =	smov.u32 s16;
	p0 =	sne.s32 s17, $0xFF0  }
.Ltmp6:
0x113: {  	s17 =	sadd.s32 $0x10, s17;
	s16 =	sor.u32 s21, s19;
	(pc) =	sbr.rel @p0 .LBB2_14-.Ltmp6, $4  }
0x114: {  	v4 =	vmov v0;
	v5 =	vsub.f32 v0, v2;
	v0 =	vld [tilespmem:s16+$0x10080]  }
0x115: {  	v2 =	vld [tilespmem:s16+$0x7100];
	v6 =	vsub.f32 v4, v1  }
0x116: {  	v1 =	vld [tilespmem:s16+$0x7000];
	v4 =	vsub.f32 v4, v3;
	[tilespmem:s15+$0x14100] =	vst v5  }
0x117: {  	s18 =	sadd.s32 $0x40, s18;
	v3 =	vld [tilespmem:s16+$0x7080];
	[tilespmem:s15+$0x14000] =	vst v6  }
0x118: {  	_ =	sdelay $0x1  }
0x119: {  	v2 =	vsub.f32 v0, v2  }
0x11a: {  	[tilespmem:s15+$0x14080] =	vst v4;
	v1 =	vsub.f32 v0, v1  }
0x11b: {  	v0 =	vsub.f32 v0, v3;
	[tilespmem:s16+$0x14100] =	vst v2  }
0x11c: {  	[tilespmem:s16+$0x14000] =	vst v1  }
0x11d: {  	s21 =	simm.s32 $0x0;
	s17 =	rddreg [dreg:$0x10];
	[tilespmem:s16+$0x14080] =	vst v0  }
0x11e: {  	[hbm4b:s17+s21] =	stream.linear.scatter [tilespmem:s10], [sflag:$0x1], $0x4000, $0x38;
	[tilespmem:$0x18000] =	vst v63  }
0x11f: {  	_ =	swait.ge [sflag:s7], $0x4000  }
0x120: {  	[sflag:s7] =	ssyncset.done $0x0  }
0x121: {  	s18 =	rddreg [dreg:$0x13];
	[sflag:s7] =	ssyncadd.s32 $0xFFFFC000  }
0x122: {  	[hbm4b:s18+s21] =	stream.linear.scatter [tilespmem:s13], [sflag:$0x1], $0x4000, $0x38;
	[tilespmem:$0x18000] =	vst v63  }
0x123: {  	_ =	swait.ge [sflag:s7], $0x4000  }
0x124: {  	s19 =	sand.u32 $0x70, s21;
	s15 =	sand.u32 $0x3E00, s21;
	[sflag:s7] =	ssyncset.done $0x0  }
0x125: {  	s15 =	sor.u32 s15, s19;
	[sflag:s7] =	ssyncadd.s32 $0xFFFFC000  }
0x126: {  	v4 =	vld [tilespmem:s15+$0x10100]  }
0x127: {  	v1 =	vld [tilespmem:s15+$0xB100]  }
0x128: {  	v3 =	vld [tilespmem:s15+$0xB000]  }
0x129: {  	s17 =	simm.s32 $0x40;
	s21 =	simm.s32 $0x10  }
0x12a: {  	s17 =	sand.u32 $0x3E00, s17;
	s16 =	sand.u32 $0x70, s21;
	v5 =	vld [tilespmem:s15+$0xB080]  }
0x12b: {  	s16 =	sor.u32 s17, s16  }
0x12c: {  	v0 =	vld [tilespmem:s16+$0x10100];
	v6 =	vsub.f32 v4, v1  }
0x12d: {  	v2 =	vld [tilespmem:s16+$0xB100];
	v7 =	vsub.f32 v4, v3  }
0x12e: {  	v1 =	vld [tilespmem:s16+$0xB000];
	[tilespmem:s15+$0x14100] =	vst v6  }
0x12f: {  	s18 =	simm.s32 $0x80;
	s17 =	simm.s32 $0x20;
	v4 =	vsub.f32 v4, v5;
	v3 =	vld [tilespmem:s16+$0xB080];
	[tilespmem:s15+$0x14000] =	vst v7  }
.LBB2_16:
0x130: {  	s19 =	sand.u32 $0x70, s17  }
0x131: {  	s21 =	sand.u32 $0x3E00, s18;
	[tilespmem:s15+$0x14080] =	vst v4;
	s15 =	smov.u32 s16;
	p0 =	sne.s32 s17, $0xFF0  }
.Ltmp7:
0x132: {  	s17 =	sadd.s32 $0x10, s17;
	s16 =	sor.u32 s21, s19;
	(pc) =	sbr.rel @p0 .LBB2_16-.Ltmp7, $4  }
0x133: {  	v4 =	vmov v0;
	v5 =	vsub.f32 v0, v2;
	v0 =	vld [tilespmem:s16+$0x10100]  }
0x134: {  	v2 =	vld [tilespmem:s16+$0xB100];
	v6 =	vsub.f32 v4, v1  }
0x135: {  	v1 =	vld [tilespmem:s16+$0xB000];
	v4 =	vsub.f32 v4, v3;
	[tilespmem:s15+$0x14100] =	vst v5  }
0x136: {  	s18 =	sadd.s32 $0x40, s18;
	v3 =	vld [tilespmem:s16+$0xB080];
	[tilespmem:s15+$0x14000] =	vst v6  }
0x137: {  	_ =	sdelay $0x1  }
0x138: {  	v2 =	vsub.f32 v0, v2  }
0x139: {  	[tilespmem:s15+$0x14080] =	vst v4;
	v1 =	vsub.f32 v0, v1  }
0x13a: {  	v0 =	vsub.f32 v0, v3;
	[tilespmem:s16+$0x14100] =	vst v2  }
0x13b: {  	[tilespmem:s16+$0x14000] =	vst v1  }
0x13c: {  	s17 =	simm.s32 $0x0;
	[tilespmem:s16+$0x14080] =	vst v0  }
0x13d: {  	[hbm4b:s24+s17] =	stream.linear.scatter [tilespmem:s10], [sflag:$0x1], $0x4000, $0x38;
	[tilespmem:$0x18000] =	vst v63  }
0x13e: {  	_ =	swait.ge [sflag:s7], $0x4000  }
0x13f: {  	[sflag:s7] =	ssyncset.done $0x0  }
0x140: {  	s18 =	rddreg [dreg:$0x11];
	[sflag:s7] =	ssyncadd.s32 $0xFFFFC000  }
0x141: {  	[tilespmem:s9], [sflag:$0x1] =	stream.strided.gather [hbm4b:s18+s4], $0x1000, s5, s4, $0x38;
	[tilespmem:$0x18000] =	vst v63  }
0x142: {  	_ =	swait.ge [sflag:s7], $0x1000  }
0x143: {  	[sflag:s7] =	ssyncset.done $0x0  }
0x144: {  	s19 =	simm.s32 $0x0;
	[sflag:s7] =	ssyncadd.s32 $0xFFFFF000  }
0x145: {  	v0 =	vld [tilespmem:s19+$0xF000];
	_ =	sdelay $0x7  }
0x146: {  	v1 =	vld.idx.msk [tilespmem:v0+s2+$0x0], $0xffff  }
0x147: {  	v2 =	vadd.s32 $0x1000, v0;
	_ =	sdelay $0x1  }
0x148: {  	s21 =	sand.u32 $0x70, s17;
	s15 =	sand.u32 $0x3E00, s17  }
0x149: {  	s18 =	sor.u32 s21, s15  }
0x14a: {  	[tilespmem:s18+$0x10000] =	vst v1  }
0x14b: {  	v1 =	vld.idx.msk [tilespmem:v2+s2+$0x0], $0xffff  }
0x14c: {  	v0 =	vadd.s32 $0x2000, v0;
	_ =	sdelay $0x3  }
0x14d: {  	[tilespmem:s18+$0x10080] =	vst v1  }
0x14e: {  	v0 =	vld.idx.msk [tilespmem:v0+s2+$0x0], $0xffff;
	_ =	sdelay $0x2  }
0x14f: {  	s16 =	simm.s32 $0x40;
	s17 =	simm.s32 $0x20;
	s15 =	simm.s32 $0x10  }
.LBB2_18:
0x150: {  	p0 =	sne.s32 s17, $0xFF0  }
0x151: {  	s19 =	sshra.s32 s16, $0x2;
	[tilespmem:s18+$0x10100] =	vst v0;
	s18 =	smov.u32 s17;
	s17 =	sadd.s32 $0x10, s17  }
0x152: {  	v0 =	vld [tilespmem:s19+$0xF000];
	_ =	sdelay $0x7  }
0x153: {  	v1 =	vld.idx.msk [tilespmem:v0+s2+$0x0], $0xffff;
	_ =	sdelay $0x1  }
0x154: {  	v2 =	vadd.s32 $0x1000, v0;
	_ =	sdelay $0x1  }
0x155: {  	s21 =	sand.u32 $0x3E00, s16;
	s19 =	sand.u32 $0x70, s15;
	s15 =	smov.u32 s18  }
0x156: {  	s18 =	sor.u32 s19, s21  }
0x157: {  	[tilespmem:s18+$0x10000] =	vst v1  }
0x158: {  	v1 =	vld.idx.msk [tilespmem:v2+s2+$0x0], $0xffff;
	_ =	sdelay $0x1  }
0x159: {  	v0 =	vadd.s32 $0x2000, v0;
	_ =	sdelay $0x3  }
0x15a: {  	[tilespmem:s18+$0x10080] =	vst v1  }
0x15b: {  	v0 =	vld.idx.msk [tilespmem:v0+s2+$0x0], $0xffff  }
.Ltmp8:
0x15c: {  	(pc) =	sbr.rel @p0 .LBB2_18-.Ltmp8, $2  }
0x15d: {  	_ =	sdelay $0x2  }
0x15e: {  	s16 =	sadd.s32 $0x40, s16  }
0x15f: {  	s17 =	sshra.s32 s16, $0x2;
	[tilespmem:s18+$0x10100] =	vst v0  }
0x160: {  	v0 =	vld [tilespmem:s17+$0xF000];
	_ =	sdelay $0x7  }
0x161: {  	v1 =	vld.idx.msk [tilespmem:v0+s2+$0x0], $0xffff  }
0x162: {  	v2 =	vadd.s32 $0x1000, v0;
	_ =	sdelay $0x1  }
0x163: {  	s15 =	sand.u32 $0x70, s15;
	s21 =	sand.u32 $0x3E00, s16  }
0x164: {  	s15 =	sor.u32 s15, s21  }
0x165: {  	[tilespmem:s15+$0x10000] =	vst v1  }
0x166: {  	v1 =	vld.idx.msk [tilespmem:v2+s2+$0x0], $0xffff  }
0x167: {  	v0 =	vadd.s32 $0x2000, v0;
	_ =	sdelay $0x3  }
0x168: {  	[tilespmem:s15+$0x10080] =	vst v1  }
0x169: {  	v0 =	vld.idx.msk [tilespmem:v0+s2+$0x0], $0xffff;
	_ =	sdelay $0x4  }
0x16a: {  	s17 =	simm.s32 $0x0;
	[tilespmem:s15+$0x10100] =	vst v0  }
0x16b: {  	[hbm4b:s20+s17] =	stream.linear.scatter [tilespmem:s8], [sflag:$0x1], $0x4000, $0x38;
	[tilespmem:$0x18000] =	vst v63  }
0x16c: {  	_ =	swait.ge [sflag:s7], $0x4000  }
0x16d: {  	s18 =	sand.u32 $0x70, s17;
	s15 =	sand.u32 $0x3E00, s17;
	[sflag:s7] =	ssyncset.done $0x0  }
0x16e: {  	s15 =	sor.u32 s18, s15;
	[sflag:s7] =	ssyncadd.s32 $0xFFFFC000  }
0x16f: {  	v4 =	vld [tilespmem:s15+$0x10000]  }
0x170: {  	v1 =	vld [tilespmem:s15+$0x3100]  }
0x171: {  	v3 =	vld [tilespmem:s15+$0x3000]  }
0x172: {  	s19 =	simm.s32 $0x10;
	s21 =	simm.s32 $0x40  }
0x173: {  	s16 =	sand.u32 $0x70, s19;
	s17 =	sand.u32 $0x3E00, s21;
	v5 =	vld [tilespmem:s15+$0x3080]  }
0x174: {  	s16 =	sor.u32 s16, s17  }
0x175: {  	v0 =	vld [tilespmem:s16+$0x10000];
	v6 =	vsub.f32 v4, v1  }
0x176: {  	v2 =	vld [tilespmem:s16+$0x3100];
	v7 =	vsub.f32 v4, v3  }
0x177: {  	v1 =	vld [tilespmem:s16+$0x3000];
	[tilespmem:s15+$0x14100] =	vst v6  }
0x178: {  	s18 =	simm.s32 $0x80;
	s17 =	simm.s32 $0x20;
	v4 =	vsub.f32 v4, v5;
	v3 =	vld [tilespmem:s16+$0x3080];
	[tilespmem:s15+$0x14000] =	vst v7  }
.LBB2_20:
0x179: {  	s19 =	sand.u32 $0x70, s17  }
0x17a: {  	s21 =	sand.u32 $0x3E00, s18;
	[tilespmem:s15+$0x14080] =	vst v4;
	s15 =	smov.u32 s16;
	p0 =	sne.s32 s17, $0xFF0  }
.Ltmp9:
0x17b: {  	s17 =	sadd.s32 $0x10, s17;
	s16 =	sor.u32 s19, s21;
	(pc) =	sbr.rel @p0 .LBB2_20-.Ltmp9, $4  }
0x17c: {  	v4 =	vmov v0;
	v5 =	vsub.f32 v0, v2;
	v0 =	vld [tilespmem:s16+$0x10000]  }
0x17d: {  	v2 =	vld [tilespmem:s16+$0x3100];
	v6 =	vsub.f32 v4, v1  }
0x17e: {  	v1 =	vld [tilespmem:s16+$0x3000];
	v4 =	vsub.f32 v4, v3;
	[tilespmem:s15+$0x14100] =	vst v5  }
0x17f: {  	s18 =	sadd.s32 $0x40, s18;
	v3 =	vld [tilespmem:s16+$0x3080];
	[tilespmem:s15+$0x14000] =	vst v6  }
0x180: {  	_ =	sdelay $0x1  }
0x181: {  	v2 =	vsub.f32 v0, v2  }
0x182: {  	[tilespmem:s15+$0x14080] =	vst v4;
	v1 =	vsub.f32 v0, v1  }
0x183: {  	v0 =	vsub.f32 v0, v3;
	[tilespmem:s16+$0x14100] =	vst v2  }
0x184: {  	[tilespmem:s16+$0x14000] =	vst v1  }
0x185: {  	s17 =	simm.s32 $0x0;
	[tilespmem:s16+$0x14080] =	vst v0  }
0x186: {  	[hbm4b:s26+s17] =	stream.linear.scatter [tilespmem:s10], [sflag:$0x1], $0x4000, $0x38;
	[tilespmem:$0x18000] =	vst v63  }
0x187: {  	_ =	swait.ge [sflag:s7], $0x4000  }
0x188: {  	[sflag:s7] =	ssyncset.done $0x0  }
0x189: {  	s18 =	rddreg [dreg:$0x14];
	[sflag:s7] =	ssyncadd.s32 $0xFFFFC000  }
0x18a: {  	[hbm4b:s18+s17] =	stream.linear.scatter [tilespmem:s11], [sflag:$0x1], $0x4000, $0x38;
	[tilespmem:$0x18000] =	vst v63  }
0x18b: {  	_ =	swait.ge [sflag:s7], $0x4000  }
0x18c: {  	s19 =	sand.u32 $0x70, s17;
	s15 =	sand.u32 $0x3E00, s17;
	[sflag:s7] =	ssyncset.done $0x0  }
0x18d: {  	s15 =	sor.u32 s15, s19;
	[sflag:s7] =	ssyncadd.s32 $0xFFFFC000  }
0x18e: {  	v4 =	vld [tilespmem:s15+$0x10080]  }
0x18f: {  	v1 =	vld [tilespmem:s15+$0x7100]  }
0x190: {  	v3 =	vld [tilespmem:s15+$0x7000]  }
0x191: {  	s21 =	simm.s32 $0x10;
	s17 =	simm.s32 $0x40  }
0x192: {  	s16 =	sand.u32 $0x70, s21;
	s17 =	sand.u32 $0x3E00, s17;
	v5 =	vld [tilespmem:s15+$0x7080]  }
0x193: {  	s16 =	sor.u32 s17, s16  }
0x194: {  	v0 =	vld [tilespmem:s16+$0x10080];
	v6 =	vsub.f32 v4, v1  }
0x195: {  	v2 =	vld [tilespmem:s16+$0x7100];
	v7 =	vsub.f32 v4, v3  }
0x196: {  	v1 =	vld [tilespmem:s16+$0x7000];
	[tilespmem:s15+$0x14100] =	vst v6  }
0x197: {  	s18 =	simm.s32 $0x80;
	s17 =	simm.s32 $0x20;
	v4 =	vsub.f32 v4, v5;
	v3 =	vld [tilespmem:s16+$0x7080];
	[tilespmem:s15+$0x14000] =	vst v7  }
.LBB2_22:
0x198: {  	s19 =	sand.u32 $0x70, s17  }
0x199: {  	s21 =	sand.u32 $0x3E00, s18;
	[tilespmem:s15+$0x14080] =	vst v4;
	s15 =	smov.u32 s16;
	p0 =	sne.s32 s17, $0xFF0  }
.Ltmp10:
0x19a: {  	s17 =	sadd.s32 $0x10, s17;
	s16 =	sor.u32 s21, s19;
	(pc) =	sbr.rel @p0 .LBB2_22-.Ltmp10, $4  }
0x19b: {  	v4 =	vmov v0;
	v5 =	vsub.f32 v0, v2;
	v0 =	vld [tilespmem:s16+$0x10080]  }
0x19c: {  	v2 =	vld [tilespmem:s16+$0x7100];
	v6 =	vsub.f32 v4, v1  }
0x19d: {  	v1 =	vld [tilespmem:s16+$0x7000];
	v4 =	vsub.f32 v4, v3;
	[tilespmem:s15+$0x14100] =	vst v5  }
0x19e: {  	s18 =	sadd.s32 $0x40, s18;
	v3 =	vld [tilespmem:s16+$0x7080];
	[tilespmem:s15+$0x14000] =	vst v6  }
0x19f: {  	_ =	sdelay $0x1  }
0x1a0: {  	v2 =	vsub.f32 v0, v2  }
0x1a1: {  	[tilespmem:s15+$0x14080] =	vst v4;
	v1 =	vsub.f32 v0, v1  }
0x1a2: {  	v0 =	vsub.f32 v0, v3;
	[tilespmem:s16+$0x14100] =	vst v2  }
0x1a3: {  	[tilespmem:s16+$0x14000] =	vst v1  }
0x1a4: {  	s18 =	simm.s32 $0x0;
	[tilespmem:s16+$0x14080] =	vst v0  }
0x1a5: {  	[hbm4b:s28+s18] =	stream.linear.scatter [tilespmem:s10], [sflag:$0x1], $0x4000, $0x38;
	[tilespmem:$0x18000] =	vst v63  }
0x1a6: {  	_ =	swait.ge [sflag:s7], $0x4000  }
0x1a7: {  	[sflag:s7] =	ssyncset.done $0x0  }
0x1a8: {  	[sflag:s7] =	ssyncadd.s32 $0xFFFFC000  }
0x1a9: {  	[hbm4b:s29+s18] =	stream.linear.scatter [tilespmem:s13], [sflag:$0x1], $0x4000, $0x38;
	[tilespmem:$0x18000] =	vst v63  }
0x1aa: {  	_ =	swait.ge [sflag:s7], $0x4000  }
0x1ab: {  	s19 =	sand.u32 $0x70, s18;
	s15 =	sand.u32 $0x3E00, s18;
	[sflag:s7] =	ssyncset.done $0x0  }
0x1ac: {  	s15 =	sor.u32 s15, s19;
	[sflag:s7] =	ssyncadd.s32 $0xFFFFC000  }
0x1ad: {  	v4 =	vld [tilespmem:s15+$0x10100]  }
0x1ae: {  	v1 =	vld [tilespmem:s15+$0xB100]  }
0x1af: {  	v3 =	vld [tilespmem:s15+$0xB000]  }
0x1b0: {  	s21 =	simm.s32 $0x10;
	s17 =	simm.s32 $0x40  }
0x1b1: {  	s17 =	sand.u32 $0x3E00, s17;
	s16 =	sand.u32 $0x70, s21;
	v5 =	vld [tilespmem:s15+$0xB080]  }
0x1b2: {  	s16 =	sor.u32 s17, s16  }
0x1b3: {  	v0 =	vld [tilespmem:s16+$0x10100];
	v6 =	vsub.f32 v4, v1  }
0x1b4: {  	v2 =	vld [tilespmem:s16+$0xB100];
	v7 =	vsub.f32 v4, v3  }
0x1b5: {  	v1 =	vld [tilespmem:s16+$0xB000];
	[tilespmem:s15+$0x14100] =	vst v6  }
0x1b6: {  	s17 =	simm.s32 $0x20;
	s18 =	simm.s32 $0x80;
	v4 =	vsub.f32 v4, v5;
	v3 =	vld [tilespmem:s16+$0xB080];
	[tilespmem:s15+$0x14000] =	vst v7  }
.LBB2_24:
0x1b7: {  	s19 =	sand.u32 $0x70, s17  }
0x1b8: {  	s21 =	sand.u32 $0x3E00, s18;
	[tilespmem:s15+$0x14080] =	vst v4;
	s15 =	smov.u32 s16;
	p0 =	sne.s32 s17, $0xFF0  }
.Ltmp11:
0x1b9: {  	s17 =	sadd.s32 $0x10, s17;
	s16 =	sor.u32 s21, s19;
	(pc) =	sbr.rel @p0 .LBB2_24-.Ltmp11, $4  }
0x1ba: {  	v4 =	vmov v0;
	v5 =	vsub.f32 v0, v2;
	v0 =	vld [tilespmem:s16+$0x10100]  }
0x1bb: {  	v2 =	vld [tilespmem:s16+$0xB100];
	v6 =	vsub.f32 v4, v1  }
0x1bc: {  	v1 =	vld [tilespmem:s16+$0xB000];
	v4 =	vsub.f32 v4, v3;
	[tilespmem:s15+$0x14100] =	vst v5  }
0x1bd: {  	s18 =	sadd.s32 $0x40, s18;
	v3 =	vld [tilespmem:s16+$0xB080];
	[tilespmem:s15+$0x14000] =	vst v6  }
0x1be: {  	_ =	sdelay $0x1  }
0x1bf: {  	v2 =	vsub.f32 v0, v2  }
0x1c0: {  	[tilespmem:s15+$0x14080] =	vst v4;
	v1 =	vsub.f32 v0, v1  }
0x1c1: {  	v0 =	vsub.f32 v0, v3;
	[tilespmem:s16+$0x14100] =	vst v2  }
0x1c2: {  	[tilespmem:s16+$0x14000] =	vst v1  }
0x1c3: {  	s17 =	simm.s32 $0x0;
	[tilespmem:s16+$0x14080] =	vst v0  }
0x1c4: {  	[hbm4b:s30+s17] =	stream.linear.scatter [tilespmem:s10], [sflag:$0x1], $0x4000, $0x38;
	[tilespmem:$0x18000] =	vst v63  }
0x1c5: {  	_ =	swait.ge [sflag:s7], $0x4000  }
0x1c6: {  	[sflag:s7] =	ssyncset.done $0x0  }
0x1c7: {  	s18 =	rddreg [dreg:$0x12];
	[sflag:s7] =	ssyncadd.s32 $0xFFFFC000  }
0x1c8: {  	[tilespmem:s9], [sflag:$0x1] =	stream.strided.gather [hbm4b:s18+s4], $0x1000, s5, s4, $0x38;
	[tilespmem:$0x18000] =	vst v63  }
0x1c9: {  	_ =	swait.ge [sflag:s7], $0x1000  }
0x1ca: {  	[sflag:s7] =	ssyncset.done $0x0  }
0x1cb: {  	s19 =	simm.s32 $0x0;
	[sflag:s7] =	ssyncadd.s32 $0xFFFFF000  }
0x1cc: {  	v0 =	vld [tilespmem:s19+$0xF000];
	_ =	sdelay $0x7  }
0x1cd: {  	v1 =	vld.idx.msk [tilespmem:v0+s2+$0x0], $0xffff  }
0x1ce: {  	v2 =	vadd.s32 $0x1000, v0;
	_ =	sdelay $0x1  }
0x1cf: {  	s21 =	sand.u32 $0x70, s17;
	s15 =	sand.u32 $0x3E00, s17  }
0x1d0: {  	s18 =	sor.u32 s21, s15  }
0x1d1: {  	[tilespmem:s18+$0x10000] =	vst v1  }
0x1d2: {  	v1 =	vld.idx.msk [tilespmem:v2+s2+$0x0], $0xffff  }
0x1d3: {  	v0 =	vadd.s32 $0x2000, v0;
	_ =	sdelay $0x3  }
0x1d4: {  	[tilespmem:s18+$0x10080] =	vst v1  }
0x1d5: {  	v0 =	vld.idx.msk [tilespmem:v0+s2+$0x0], $0xffff;
	_ =	sdelay $0x2  }
0x1d6: {  	s16 =	simm.s32 $0x40;
	s17 =	simm.s32 $0x20;
	s15 =	simm.s32 $0x10  }
.LBB2_26:
0x1d7: {  	p0 =	sne.s32 s17, $0xFF0  }
0x1d8: {  	s19 =	sshra.s32 s16, $0x2;
	[tilespmem:s18+$0x10100] =	vst v0;
	s18 =	smov.u32 s17;
	s17 =	sadd.s32 $0x10, s17  }
0x1d9: {  	v0 =	vld [tilespmem:s19+$0xF000];
	_ =	sdelay $0x7  }
0x1da: {  	v1 =	vld.idx.msk [tilespmem:v0+s2+$0x0], $0xffff;
	_ =	sdelay $0x1  }
0x1db: {  	v2 =	vadd.s32 $0x1000, v0;
	_ =	sdelay $0x1  }
0x1dc: {  	s21 =	sand.u32 $0x3E00, s16;
	s19 =	sand.u32 $0x70, s15;
	s15 =	smov.u32 s18  }
0x1dd: {  	s18 =	sor.u32 s19, s21  }
0x1de: {  	[tilespmem:s18+$0x10000] =	vst v1  }
0x1df: {  	v1 =	vld.idx.msk [tilespmem:v2+s2+$0x0], $0xffff;
	_ =	sdelay $0x1  }
0x1e0: {  	v0 =	vadd.s32 $0x2000, v0;
	_ =	sdelay $0x3  }
0x1e1: {  	[tilespmem:s18+$0x10080] =	vst v1  }
0x1e2: {  	v0 =	vld.idx.msk [tilespmem:v0+s2+$0x0], $0xffff  }
.Ltmp12:
0x1e3: {  	(pc) =	sbr.rel @p0 .LBB2_26-.Ltmp12, $2  }
0x1e4: {  	_ =	sdelay $0x2  }
0x1e5: {  	s16 =	sadd.s32 $0x40, s16  }
0x1e6: {  	s17 =	sshra.s32 s16, $0x2;
	[tilespmem:s18+$0x10100] =	vst v0  }
0x1e7: {  	v0 =	vld [tilespmem:s17+$0xF000];
	_ =	sdelay $0x7  }
0x1e8: {  	v1 =	vld.idx.msk [tilespmem:v0+s2+$0x0], $0xffff  }
0x1e9: {  	v2 =	vadd.s32 $0x1000, v0;
	_ =	sdelay $0x1  }
0x1ea: {  	s15 =	sand.u32 $0x70, s15;
	s21 =	sand.u32 $0x3E00, s16  }
0x1eb: {  	s15 =	sor.u32 s15, s21  }
0x1ec: {  	[tilespmem:s15+$0x10000] =	vst v1  }
0x1ed: {  	v1 =	vld.idx.msk [tilespmem:v2+s2+$0x0], $0xffff  }
0x1ee: {  	v0 =	vadd.s32 $0x2000, v0;
	_ =	sdelay $0x3  }
0x1ef: {  	[tilespmem:s15+$0x10080] =	vst v1  }
0x1f0: {  	v0 =	vld.idx.msk [tilespmem:v0+s2+$0x0], $0xffff;
	_ =	sdelay $0x4  }
0x1f1: {  	s17 =	simm.s32 $0x0;
	[tilespmem:s15+$0x10100] =	vst v0  }
0x1f2: {  	[hbm4b:s22+s17] =	stream.linear.scatter [tilespmem:s8], [sflag:$0x1], $0x4000, $0x38;
	[tilespmem:$0x18000] =	vst v63  }
0x1f3: {  	_ =	swait.ge [sflag:s7], $0x4000  }
0x1f4: {  	s18 =	sand.u32 $0x70, s17;
	s15 =	sand.u32 $0x3E00, s17;
	[sflag:s7] =	ssyncset.done $0x0  }
0x1f5: {  	s15 =	sor.u32 s18, s15;
	[sflag:s7] =	ssyncadd.s32 $0xFFFFC000  }
0x1f6: {  	v4 =	vld [tilespmem:s15+$0x10000]  }
0x1f7: {  	v1 =	vld [tilespmem:s15+$0x3100]  }
0x1f8: {  	v3 =	vld [tilespmem:s15+$0x3000]  }
0x1f9: {  	s19 =	simm.s32 $0x10;
	s21 =	simm.s32 $0x40  }
0x1fa: {  	s16 =	sand.u32 $0x70, s19;
	s17 =	sand.u32 $0x3E00, s21;
	v5 =	vld [tilespmem:s15+$0x3080]  }
0x1fb: {  	s16 =	sor.u32 s16, s17  }
0x1fc: {  	v0 =	vld [tilespmem:s16+$0x10000];
	v6 =	vsub.f32 v4, v1  }
0x1fd: {  	v2 =	vld [tilespmem:s16+$0x3100];
	v7 =	vsub.f32 v4, v3  }
0x1fe: {  	v1 =	vld [tilespmem:s16+$0x3000];
	[tilespmem:s15+$0x14100] =	vst v6  }
0x1ff: {  	s18 =	simm.s32 $0x80;
	s17 =	simm.s32 $0x20;
	v4 =	vsub.f32 v4, v5;
	v3 =	vld [tilespmem:s16+$0x3080];
	[tilespmem:s15+$0x14000] =	vst v7  }
.LBB2_28:
0x200: {  	s19 =	sand.u32 $0x70, s17  }
0x201: {  	s21 =	sand.u32 $0x3E00, s18;
	[tilespmem:s15+$0x14080] =	vst v4;
	s15 =	smov.u32 s16;
	p0 =	sne.s32 s17, $0xFF0  }
.Ltmp13:
0x202: {  	s17 =	sadd.s32 $0x10, s17;
	s16 =	sor.u32 s19, s21;
	(pc) =	sbr.rel @p0 .LBB2_28-.Ltmp13, $4  }
0x203: {  	v4 =	vmov v0;
	v5 =	vsub.f32 v0, v2;
	v0 =	vld [tilespmem:s16+$0x10000]  }
0x204: {  	v2 =	vld [tilespmem:s16+$0x3100];
	v6 =	vsub.f32 v4, v1  }
0x205: {  	v1 =	vld [tilespmem:s16+$0x3000];
	v4 =	vsub.f32 v4, v3;
	[tilespmem:s15+$0x14100] =	vst v5  }
0x206: {  	s18 =	sadd.s32 $0x40, s18;
	v3 =	vld [tilespmem:s16+$0x3080];
	[tilespmem:s15+$0x14000] =	vst v6  }
0x207: {  	_ =	sdelay $0x1  }
0x208: {  	v2 =	vsub.f32 v0, v2  }
0x209: {  	[tilespmem:s15+$0x14080] =	vst v4;
	v1 =	vsub.f32 v0, v1  }
0x20a: {  	v0 =	vsub.f32 v0, v3;
	[tilespmem:s16+$0x14100] =	vst v2  }
0x20b: {  	[tilespmem:s16+$0x14000] =	vst v1  }
0x20c: {  	s18 =	simm.s32 $0x0;
	[tilespmem:s16+$0x14080] =	vst v0  }
0x20d: {  	[hbm4b:s31+s18] =	stream.linear.scatter [tilespmem:s10], [sflag:$0x1], $0x4000, $0x38;
	[tilespmem:$0x18000] =	vst v63  }
0x20e: {  	_ =	swait.ge [sflag:s7], $0x4000  }
0x20f: {  	[sflag:s7] =	ssyncset.done $0x0  }
0x210: {  	[sflag:s7] =	ssyncadd.s32 $0xFFFFC000  }
0x211: {  	[hbm4b:s23+s18] =	stream.linear.scatter [tilespmem:s11], [sflag:$0x1], $0x4000, $0x38;
	[tilespmem:$0x18000] =	vst v63  }
0x212: {  	_ =	swait.ge [sflag:s7], $0x4000  }
0x213: {  	s19 =	sand.u32 $0x70, s18;
	s15 =	sand.u32 $0x3E00, s18;
	[sflag:s7] =	ssyncset.done $0x0  }
0x214: {  	s15 =	sor.u32 s15, s19;
	[sflag:s7] =	ssyncadd.s32 $0xFFFFC000  }
0x215: {  	v4 =	vld [tilespmem:s15+$0x10080]  }
0x216: {  	v1 =	vld [tilespmem:s15+$0x7100]  }
0x217: {  	v3 =	vld [tilespmem:s15+$0x7000]  }
0x218: {  	s21 =	simm.s32 $0x10;
	s17 =	simm.s32 $0x40  }
0x219: {  	s17 =	sand.u32 $0x3E00, s17;
	s16 =	sand.u32 $0x70, s21;
	v5 =	vld [tilespmem:s15+$0x7080]  }
0x21a: {  	s16 =	sor.u32 s17, s16  }
0x21b: {  	v0 =	vld [tilespmem:s16+$0x10080];
	v6 =	vsub.f32 v4, v1  }
0x21c: {  	v2 =	vld [tilespmem:s16+$0x7100];
	v7 =	vsub.f32 v4, v3  }
0x21d: {  	v1 =	vld [tilespmem:s16+$0x7000];
	[tilespmem:s15+$0x14100] =	vst v6  }
0x21e: {  	s17 =	simm.s32 $0x20;
	s18 =	simm.s32 $0x80;
	v4 =	vsub.f32 v4, v5;
	v3 =	vld [tilespmem:s16+$0x7080];
	[tilespmem:s15+$0x14000] =	vst v7  }
.LBB2_30:
0x21f: {  	s19 =	sand.u32 $0x70, s17  }
0x220: {  	s21 =	sand.u32 $0x3E00, s18;
	[tilespmem:s15+$0x14080] =	vst v4;
	s15 =	smov.u32 s16;
	p0 =	sne.s32 s17, $0xFF0  }
.Ltmp14:
0x221: {  	s17 =	sadd.s32 $0x10, s17;
	s16 =	sor.u32 s21, s19;
	(pc) =	sbr.rel @p0 .LBB2_30-.Ltmp14, $4  }
0x222: {  	v4 =	vmov v0;
	v5 =	vsub.f32 v0, v2;
	v0 =	vld [tilespmem:s16+$0x10080]  }
0x223: {  	v2 =	vld [tilespmem:s16+$0x7100];
	v6 =	vsub.f32 v4, v1  }
0x224: {  	v1 =	vld [tilespmem:s16+$0x7000];
	v4 =	vsub.f32 v4, v3;
	[tilespmem:s15+$0x14100] =	vst v5  }
0x225: {  	s18 =	sadd.s32 $0x40, s18;
	v3 =	vld [tilespmem:s16+$0x7080];
	[tilespmem:s15+$0x14000] =	vst v6  }
0x226: {  	_ =	sdelay $0x1  }
0x227: {  	v2 =	vsub.f32 v0, v2  }
0x228: {  	[tilespmem:s15+$0x14080] =	vst v4;
	v1 =	vsub.f32 v0, v1  }
0x229: {  	v0 =	vsub.f32 v0, v3;
	[tilespmem:s16+$0x14100] =	vst v2  }
0x22a: {  	[tilespmem:s16+$0x14000] =	vst v1  }
0x22b: {  	s18 =	simm.s32 $0x0;
	[tilespmem:s16+$0x14080] =	vst v0  }
0x22c: {  	[hbm4b:s0+s18] =	stream.linear.scatter [tilespmem:s10], [sflag:$0x1], $0x4000, $0x38;
	[tilespmem:$0x18000] =	vst v63  }
0x22d: {  	_ =	swait.ge [sflag:s7], $0x4000  }
0x22e: {  	[sflag:s7] =	ssyncset.done $0x0  }
0x22f: {  	[sflag:s7] =	ssyncadd.s32 $0xFFFFC000  }
0x230: {  	[hbm4b:s1+s18] =	stream.linear.scatter [tilespmem:s13], [sflag:$0x1], $0x4000, $0x38;
	[tilespmem:$0x18000] =	vst v63  }
0x231: {  	_ =	swait.ge [sflag:s7], $0x4000  }
0x232: {  	s19 =	sand.u32 $0x70, s18;
	s15 =	sand.u32 $0x3E00, s18;
	[sflag:s7] =	ssyncset.done $0x0  }
0x233: {  	s15 =	sor.u32 s15, s19;
	[sflag:s7] =	ssyncadd.s32 $0xFFFFC000  }
0x234: {  	v4 =	vld [tilespmem:s15+$0x10100]  }
0x235: {  	v1 =	vld [tilespmem:s15+$0xB100]  }
0x236: {  	v3 =	vld [tilespmem:s15+$0xB000]  }
0x237: {  	s21 =	simm.s32 $0x10;
	s17 =	simm.s32 $0x40  }
0x238: {  	s17 =	sand.u32 $0x3E00, s17;
	s16 =	sand.u32 $0x70, s21;
	v5 =	vld [tilespmem:s15+$0xB080]  }
0x239: {  	s16 =	sor.u32 s17, s16  }
0x23a: {  	v0 =	vld [tilespmem:s16+$0x10100];
	v6 =	vsub.f32 v4, v1  }
0x23b: {  	v2 =	vld [tilespmem:s16+$0xB100];
	v7 =	vsub.f32 v4, v3  }
0x23c: {  	v1 =	vld [tilespmem:s16+$0xB000];
	[tilespmem:s15+$0x14100] =	vst v6  }
0x23d: {  	s17 =	simm.s32 $0x20;
	s18 =	simm.s32 $0x80;
	v4 =	vsub.f32 v4, v5;
	v3 =	vld [tilespmem:s16+$0xB080];
	[tilespmem:s15+$0x14000] =	vst v7  }
.LBB2_32:
0x23e: {  	s19 =	sand.u32 $0x70, s17  }
0x23f: {  	s21 =	sand.u32 $0x3E00, s18;
	[tilespmem:s15+$0x14080] =	vst v4;
	s15 =	smov.u32 s16;
	p0 =	sne.s32 s17, $0xFF0  }
.Ltmp15:
0x240: {  	s17 =	sadd.s32 $0x10, s17;
	s16 =	sor.u32 s21, s19;
	(pc) =	sbr.rel @p0 .LBB2_32-.Ltmp15, $4  }
0x241: {  	v4 =	vmov v0;
	v5 =	vsub.f32 v0, v2;
	v0 =	vld [tilespmem:s16+$0x10100]  }
0x242: {  	v2 =	vld [tilespmem:s16+$0xB100];
	v6 =	vsub.f32 v4, v1  }
0x243: {  	v1 =	vld [tilespmem:s16+$0xB000];
	v4 =	vsub.f32 v4, v3;
	[tilespmem:s15+$0x14100] =	vst v5  }
0x244: {  	s18 =	sadd.s32 $0x40, s18;
	v3 =	vld [tilespmem:s16+$0xB080];
	[tilespmem:s15+$0x14000] =	vst v6  }
0x245: {  	_ =	sdelay $0x1  }
0x246: {  	v2 =	vsub.f32 v0, v2  }
0x247: {  	[tilespmem:s15+$0x14080] =	vst v4;
	v1 =	vsub.f32 v0, v1  }
0x248: {  	s14 =	sadd.s32 $0x1, s14;
	v63 =	vsub.f32 v0, v3;
	[tilespmem:s16+$0x14100] =	vst v2  }
0x249: {  	p0 =	sne.s32 s14, s25;
	[tilespmem:s16+$0x14000] =	vst v1  }
.Ltmp16:
0x24a: {  	[tilespmem:s16+$0x14080] =	vst v63;
	(pc) =	sbr.rel @p0 .LBB2_1-.Ltmp16, $4  }
0x24b: {  	[hbm4b:s3+s2] =	stream.linear.scatter [tilespmem:s10], [sflag:$0x1], $0x4000, $0x38;
	[tilespmem:$0x18000] =	vst v63  }
0x24c: {  	_ =	swait.ge [sflag:s7], $0x4000  }
0x24d: {  	[sflag:s7] =	ssyncset.done $0x0  }
0x24e: {  	[sflag:s7] =	ssyncadd.s32 $0xFFFFC000  }
0x24f: {  	_ =	sfence.sel $0x180000  }
0x250: {  	[bflag:$0x0] =	sbarrier.arrive $0xFFFF  }
0x251: {  	_ =	strace $0x90000047  }
0x252: {  	s0 =	stileid.u32;
	[bflag:$0x2] =	sbarrier.arrive $0xFFFF  }
0x253: {  	p0 =	sne.s32 s0, $0x0;
	s0 =	rddreg [dreg:$0x4]  }
0x254: {  	s0 =	sadd.s32 @!p0 $0x100000, s0  }
0x255: {  	[sflag:s0] =	ssyncadd.tile.s32 @!p0 $0x1;
	_ =	shalt  }
.Lfunc_end2:
_tile_overlayer_lowered:
.L_overlay_start_2:
0x256: {  	(tag) =	ssettag $0x2  }
0x257: {  	s0 =	rddreg [dreg:$0x0];
	s2 =	stileid.u32  }
0x258: {  	s1 =	rddreg [dreg:$0x1];
	p0 =	sne.s32 s2, $0x0  }
0x259: {  	s3 =	rddreg [dreg:$0x2];
	[bflag:$0x3] =	sbarrier.arrive $0xFFFF;
	s2 =	simm.s32 @!p0 $0x1C01  }
0x25a: {  	[timem:s3], [sflag:s2] =	dma.local @!p0 [hbm:s0], s1  }
0x25b: {  	s0 =	simm.s32 @!p0 $0x1  }
0x25c: {  	_ =	swait.ge @!p0 [sflag:s0], s1  }
0x25d: {  	s1 =	ssub.s32 @!p0 $0x0, s1;
	[sflag:s0] =	ssyncset.done @!p0 $0x0  }
0x25e: {  	[sflag:s0] =	ssyncadd.s32 @!p0 s1  }
0x25f: {  	[bflag:$0x3] =	sbarrier.arrive $0xFFFF  }
0x260: {  	_ =	shalt  }

</sc_bundles>
